<compile_context>
chip_gen: v7x
topology: tpu7x:2x2x1
jax: 0.10.2.dev20260603
libtpu: 0.0.44.dev20260713+nightly
codegen_flags: <defaults>
</compile_context>

<pallas_src>
import functools

import jax
import jax.numpy as jnp
from jax import lax
from jax.experimental import pallas as pl
from jax.experimental.pallas import tpu as pltpu
from jax.experimental.pallas import tpu_sc as plsc

N_NODES = 10000
N_EDGES = 320000
D_FEAT = 128
D_HID = 128
N_CLASSES = 8
N_REL = 4

NW = 32
MICRO = 128
N_MICRO = -(-N_EDGES // (NW * MICRO))
E_PAD = NW * N_MICRO * MICRO
M_CHUNKS = NW * N_MICRO
IDX_K = 40
C0 = 104
C1 = 54
E_FLAT = (M_CHUNKS + IDX_K) * MICRO
N_PAD = N_NODES + 16
ROWS_PER_TILE = N_PAD // 16
DEG_W = 16
D_L2 = 16

_mesh = plsc.VectorSubcoreMesh(core_axis_name="c", subcore_axis_name="s")
_sc_params = pltpu.CompilerParams(use_tc_tiling_on_sc=False)



@functools.partial(
    pl.kernel,
    out_type=jax.ShapeDtypeStruct((2, N_PAD, DEG_W), jnp.float32),
    mesh=_mesh,
    compiler_params=_sc_params,
    scratch_types=[
        pltpu.VMEM((N_MICRO, MICRO), jnp.int32),
        pltpu.VMEM((MICRO, DEG_W), jnp.float32),
        pltpu.VMEM_SHARED((N_PAD, DEG_W), jnp.float32),
    ],
)
def _deg_kernel(row_hbm, ones_hbm, zeros_hbm, out, rowv, onesv, acc):
    cid = lax.axis_index("c")
    sid = lax.axis_index("s")
    wid = cid * 16 + sid
    pltpu.sync_copy(row_hbm.at[wid], rowv)
    pltpu.sync_copy(ones_hbm, onesv)
    tile_rows = pl.ds(sid * ROWS_PER_TILE, ROWS_PER_TILE)
    pltpu.sync_copy(zeros_hbm.at[tile_rows], acc.at[tile_rows])
    plsc.subcore_barrier()

    @pl.loop(0, N_MICRO)
    def _(m):
        pltpu.sync_copy(onesv, acc.at[rowv.at[m]], add=True)

    plsc.subcore_barrier()
    pltpu.sync_copy(acc.at[tile_rows], out.at[cid, tile_rows])


def _make_agg_kernel(depth):
    nparts = -(-max(C0, C1) // IDX_K)

    @functools.partial(
        pl.kernel,
        out_type=jax.ShapeDtypeStruct((2, N_PAD, depth), jnp.float32),
        mesh=_mesh,
        compiler_params=_sc_params,
        scratch_types=[
            pltpu.VMEM((IDX_K, MICRO), jnp.int32),
            pltpu.VMEM((IDX_K, MICRO), jnp.int32),
            pltpu.VMEM((MICRO, depth), jnp.float32),
            pltpu.VMEM((MICRO, depth), jnp.float32),
            pltpu.SemaphoreType.DMA,
            pltpu.SemaphoreType.DMA,
            pltpu.VMEM_SHARED((N_PAD, depth), jnp.float32),
        ],
    )
    def _agg(ytab, gidx_hbm, row_hbm, zeros_hbm, out,
             gidxv, rowv, ga, gb, sema, semb, acc):
        cid = lax.axis_index("c")
        sid = lax.axis_index("s")
        my_cnt = jnp.where(cid == 0, C0, C1)
        start = jnp.where(cid == 0, sid * C0, 16 * C0 + sid * C1)
        tile_rows = pl.ds(sid * ROWS_PER_TILE, ROWS_PER_TILE)
        pltpu.sync_copy(zeros_hbm.at[tile_rows], acc.at[tile_rows])
        plsc.subcore_barrier()

        for p in range(nparts):
            base = p * IDX_K
            cnt = jnp.clip(my_cnt - base, 0, IDX_K)

            @pl.when(cnt > 0)
            def _(base=base, cnt=cnt):
                pltpu.sync_copy(gidx_hbm.at[pl.ds(start + base, IDX_K)], gidxv)
                pltpu.sync_copy(row_hbm.at[pl.ds(start + base, IDX_K)], rowv)
                pltpu.async_copy(ytab.at[gidxv.at[0]], ga, sema)

                @pl.loop(0, cnt, step=2)
                def _(m):
                    pltpu.async_copy(ytab.at[gidxv.at[m + 1]], gb, semb)
                    pltpu.make_async_copy(ytab.at[gidxv.at[m]], ga, sema).wait()
                    pltpu.sync_copy(ga, acc.at[rowv.at[m]], add=True)

                    @pl.when(m + 2 < cnt)
                    def _():
                        pltpu.async_copy(ytab.at[gidxv.at[m + 2]], ga, sema)

                    pltpu.make_async_copy(ytab.at[gidxv.at[m + 1]], gb,
                                          semb).wait()
                    pltpu.sync_copy(gb, acc.at[rowv.at[m + 1]], add=True)

        plsc.subcore_barrier()
        pltpu.sync_copy(acc.at[tile_rows], out.at[cid, tile_rows])

    return _agg


_agg_l1 = _make_agg_kernel(D_HID)
_agg_l2 = _make_agg_kernel(D_L2)



def _prep_body(col_ref, rel_ref, gidx_ref):
    gidx_ref[...] = rel_ref[...] * N_NODES + col_ref[...]


def _dinv_from(deg2):
    deg = deg2[0] + deg2[1]
    return jnp.where(deg > 0.0, jax.lax.rsqrt(deg), 0.0)[:N_NODES, 0:1]


def _tab1_body(deg_ref, x_ref, w_ref, out_ref):
    dinv = _dinv_from(deg_ref[...])
    hs = x_ref[...] * dinv
    out_ref[0] = jnp.dot(hs, w_ref[0], preferred_element_type=jnp.float32)


def _tab2_body(deg_ref, acc_ref, b1_ref, w_ref, out_ref):
    dinv = _dinv_from(deg_ref[...])
    agg = acc_ref[0, :N_NODES, :] + acc_ref[1, :N_NODES, :]
    h1 = dinv * agg + b1_ref[...]
    out_ref[0] = jnp.dot(dinv * h1, w_ref[0], preferred_element_type=jnp.float32)


def _final_body(deg_ref, acc_ref, b2_ref, out_ref):
    dinv = _dinv_from(deg_ref[...])
    agg = acc_ref[0, :N_NODES, :] + acc_ref[1, :N_NODES, :]
    h2 = dinv * agg[:, :N_CLASSES] + b2_ref[...]
    m = jnp.max(h2, axis=1, keepdims=True)
    lse = m + jnp.log(jnp.sum(jnp.exp(h2 - m), axis=1, keepdims=True))
    out_ref[...] = h2 - lse



def kernel(x, edge_index, edge_relation, W1, b1, W2, b2):
    row = edge_index[0]
    col = edge_index[1]
    pad = E_FLAT - N_EDGES
    rowp = jnp.concatenate([row, jnp.full((pad,), N_NODES, jnp.int32)])
    colp = jnp.concatenate([col, jnp.zeros((pad,), jnp.int32)])
    relp = jnp.concatenate([edge_relation, jnp.zeros((pad,), jnp.int32)])
    row_f = rowp.reshape(M_CHUNKS + IDX_K, MICRO)
    col_f = colp.reshape(M_CHUNKS + IDX_K, MICRO)
    rel_f = relp.reshape(M_CHUNKS + IDX_K, MICRO)
    row_r = row_f[:M_CHUNKS].reshape(NW, N_MICRO, MICRO)

    gidx = pl.pallas_call(
        _prep_body,
        out_shape=jax.ShapeDtypeStruct((M_CHUNKS + IDX_K, MICRO), jnp.int32),
    )(col_f, rel_f)

    zeros_deg = jnp.zeros((N_PAD, DEG_W), jnp.float32)
    zeros_l1 = jnp.zeros((N_PAD, D_HID), jnp.float32)
    zeros_l2 = jnp.zeros((N_PAD, D_L2), jnp.float32)
    ones_u = jnp.ones((MICRO, DEG_W), jnp.float32)

    deg2 = _deg_kernel(row_r, ones_u, zeros_deg)

    w1r = W1.reshape(N_REL, D_FEAT, D_HID)
    ytab1 = pl.pallas_call(
        _tab1_body,
        grid=(N_REL,),
        in_specs=[
            pl.BlockSpec((2, N_PAD, DEG_W), lambda r: (0, 0, 0)),
            pl.BlockSpec((N_NODES, D_FEAT), lambda r: (0, 0)),
            pl.BlockSpec((1, D_FEAT, D_HID), lambda r: (r, 0, 0)),
        ],
        out_specs=pl.BlockSpec((1, N_NODES, D_HID), lambda r: (r, 0, 0)),
        out_shape=jax.ShapeDtypeStruct((N_REL, N_NODES, D_HID), jnp.float32),
    )(deg2, x, w1r)

    acc1 = _agg_l1(ytab1.reshape(N_REL * N_NODES, D_HID), gidx, row_f, zeros_l1)

    w2r = jnp.pad(W2.reshape(N_REL, D_HID, N_CLASSES),
                  ((0, 0), (0, 0), (0, D_L2 - N_CLASSES)))
    ytab2 = pl.pallas_call(
        _tab2_body,
        grid=(N_REL,),
        in_specs=[
            pl.BlockSpec((2, N_PAD, DEG_W), lambda r: (0, 0, 0)),
            pl.BlockSpec((2, N_PAD, D_HID), lambda r: (0, 0, 0)),
            pl.BlockSpec((1, D_HID), lambda r: (0, 0)),
            pl.BlockSpec((1, D_HID, D_L2), lambda r: (r, 0, 0)),
        ],
        out_specs=pl.BlockSpec((1, N_NODES, D_L2), lambda r: (r, 0, 0)),
        out_shape=jax.ShapeDtypeStruct((N_REL, N_NODES, D_L2), jnp.float32),
    )(deg2, acc1, b1.reshape(1, D_HID), w2r)

    acc2 = _agg_l2(ytab2.reshape(N_REL * N_NODES, D_L2), gidx, row_f, zeros_l2)

    return pl.pallas_call(
        _final_body,
        out_shape=jax.ShapeDtypeStruct((N_NODES, N_CLASSES), jnp.float32),
    )(deg2, acc2, b2.reshape(1, N_CLASSES))

# --- scband reference (transcript-rebuilt; emitter-appended) ---
"""Pipeline reference for scband-geom-gcn-30640296689801 (READ-ONLY COPY).

The authoritative reference and input builder live on the scoring server;
editing this copy changes nothing except your own understanding.
"""

import jax, jax.numpy as jnp
import numpy as np

N_NODES = 10000
N_EDGES = 320000
D_FEAT = 128
D_HID = 128
N_CLASSES = 8


def setup_inputs(seed: int = 0) -> dict:
    key = jax.random.key(seed)
    ks = jax.random.split(key, 8)
    x = jax.random.normal(ks[0], (N_NODES, D_FEAT), dtype=jnp.float32)
    edge_index = jax.random.randint(ks[1], (2, N_EDGES), 0, N_NODES, dtype=jnp.int64 if jax.config.jax_enable_x64 else jnp.int32).astype(jnp.int32)
    edge_relation = jax.random.randint(ks[2], (N_EDGES,), 0, 4).astype(jnp.int32)
    # learned params (torch Linear: in=4*num_in, out=num_out); stored as [in, out]
    W1 = jax.random.normal(ks[3], (4 * D_FEAT, D_HID), dtype=jnp.float32) * (1.0 / np.sqrt(4 * D_FEAT))
    b1 = jnp.zeros((D_HID,), dtype=jnp.float32)
    W2 = jax.random.normal(ks[4], (4 * D_HID, N_CLASSES), dtype=jnp.float32) * (1.0 / np.sqrt(4 * D_HID))
    b2 = jnp.zeros((N_CLASSES,), dtype=jnp.float32)
    return {"x": x, "edge_index": edge_index, "edge_relation": edge_relation,
            "W1": W1, "b1": b1, "W2": W2, "b2": b2}


def reference(x, edge_index, edge_relation, W1, b1, W2, b2):
    N = x.shape[0]
    row = edge_index[0]
    col = edge_index[1]
    # gcn_norm: symmetric normalization D^{-1/2} A D^{-1/2} on the full edge set
    ones = jnp.ones((row.shape[0],), dtype=jnp.float32)
    deg = jax.ops.segment_sum(ones, row, num_segments=N)
    dinv = jnp.where(deg > 0, deg ** -0.5, 0.0)
    w = dinv[row] * dinv[col]

    def geomgcn_layer(h, W, b):
        outs = []
        for r in range(4):
            m = (edge_relation == r).astype(h.dtype)
            # sparse.mm(mul(relation_adj, norm_adj), h): gather src feats, weight, scatter-add to dst
            msg = (w * m)[:, None] * h[col]
            outs.append(jax.ops.segment_sum(msg, row, num_segments=N))
        hcat = jnp.concatenate(outs, axis=1)
        return hcat @ W + b

    h = geomgcn_layer(x, W1, b1)
    h = geomgcn_layer(h, W2, b2)
    return jax.nn.log_softmax(h, axis=1)

if __name__ == "__main__":
    import jax
    _d = setup_inputs()
    print(jax.jit(kernel)(*tuple(_d.values())))

</pallas_src>

<mosaic_0001>
#map = affine_map<(d0, d1) -> (0, 0, 0)>
#map1 = affine_map<(d0, d1) -> (0, 0)>
module attributes {stable_mosaic.version = 14 : i64} {
  func.func @_deg_kernel(%arg0: i32, %arg1: i32, %arg2: memref<32x79x128xi32, #tpu.memory_space<hbm>>, %arg3: memref<128x16xf32, #tpu.memory_space<hbm>>, %arg4: memref<10016x16xf32, #tpu.memory_space<hbm>>, %arg5: memref<2x10016x16xf32, #tpu.memory_space<hbm>>, %arg6: memref<79x128xi32, #tpu.memory_space<vmem>>, %arg7: memref<128x16xf32, #tpu.memory_space<vmem>>, %arg8: memref<10016x16xf32, #tpu.memory_space<vmem_shared>>) attributes {dimension_semantics = [#tpu.dimension_semantics<core_parallel>, #tpu.dimension_semantics<subcore_parallel>], iteration_bounds = array<i64: 2, 16>, scalar_prefetch = 0 : i64, scratch_operands = 3 : i64, tpu.core_type = #tpu.core_type<sc_vector_subcore>, window_params = [{transform_indices = #map}, {transform_indices = #map1}, {transform_indices = #map1}, {transform_indices = #map}]} {
    %mul3A = arith.constant 16 : i32
    %mul3A_0 = arith.muli %arg0, %mul3A : i32
    %add3A = arith.addi %mul3A_0, %arg1 : i32
    "tpu.region"() ({
      %run_scoped3A = tpu.sem_alloc : memref<!tpu.dma_semaphore, #tpu.memory_space<semaphore_mem>>
      %dma_start3A = arith.constant 0 : i32
      %dma_start3A_8 = arith.constant 0 : i32
      %dma_start3A_9 = tpu.memref_slice %arg2[%add3A, %dma_start3A, %dma_start3A_8] : memref<32x79x128xi32, #tpu.memory_space<hbm>> -> memref<1x79x128xi32, #tpu.memory_space<hbm>>
      %dma_start3A_10 = tpu.memref_squeeze %dma_start3A_9 : memref<1x79x128xi32, #tpu.memory_space<hbm>> -> memref<79x128xi32, #tpu.memory_space<hbm>>
      %dma_start3A_11 = arith.constant 0 : i32
      %dma_start3A_12 = arith.constant 0 : i32
      %dma_start3A_13 = tpu.memref_slice %arg2[%add3A, %dma_start3A_11, %dma_start3A_12] : memref<32x79x128xi32, #tpu.memory_space<hbm>> -> memref<1x79x128xi32, #tpu.memory_space<hbm>>
      %dma_start3A_14 = tpu.memref_squeeze %dma_start3A_13 : memref<1x79x128xi32, #tpu.memory_space<hbm>> -> memref<79x128xi32, #tpu.memory_space<hbm>>
      tpu.enqueue_dma source(%dma_start3A_14 : memref<79x128xi32, #tpu.memory_space<hbm>>) target(%arg6 : memref<79x128xi32, #tpu.memory_space<vmem>>) target_semaphore(%run_scoped3A : memref<!tpu.dma_semaphore, #tpu.memory_space<semaphore_mem>>)
      %dma_wait3A = arith.constant 0 : i32
      %dma_wait3A_15 = arith.constant 0 : i32
      %dma_wait3A_16 = tpu.memref_slice %arg2[%add3A, %dma_wait3A, %dma_wait3A_15] : memref<32x79x128xi32, #tpu.memory_space<hbm>> -> memref<1x79x128xi32, #tpu.memory_space<hbm>>
      %dma_wait3A_17 = tpu.memref_squeeze %dma_wait3A_16 : memref<1x79x128xi32, #tpu.memory_space<hbm>> -> memref<79x128xi32, #tpu.memory_space<hbm>>
      %dma_wait3A_18 = arith.constant 0 : i32
      %dma_wait3A_19 = arith.constant 0 : i32
      %dma_wait3A_20 = tpu.memref_slice %arg2[%add3A, %dma_wait3A_18, %dma_wait3A_19] : memref<32x79x128xi32, #tpu.memory_space<hbm>> -> memref<1x79x128xi32, #tpu.memory_space<hbm>>
      %dma_wait3A_21 = tpu.memref_squeeze %dma_wait3A_20 : memref<1x79x128xi32, #tpu.memory_space<hbm>> -> memref<79x128xi32, #tpu.memory_space<hbm>>
      tpu.wait_dma2 semaphore(%run_scoped3A : memref<!tpu.dma_semaphore, #tpu.memory_space<semaphore_mem>>) src(%dma_wait3A_21 : memref<79x128xi32, #tpu.memory_space<hbm>>) dst(%arg6 : memref<79x128xi32, #tpu.memory_space<vmem>>)
      tpu.yield
    }) : () -> ()
    "tpu.region"() ({
      %run_scoped3A = tpu.sem_alloc : memref<!tpu.dma_semaphore, #tpu.memory_space<semaphore_mem>>
      tpu.enqueue_dma source(%arg3 : memref<128x16xf32, #tpu.memory_space<hbm>>) target(%arg7 : memref<128x16xf32, #tpu.memory_space<vmem>>) target_semaphore(%run_scoped3A : memref<!tpu.dma_semaphore, #tpu.memory_space<semaphore_mem>>)
      tpu.wait_dma2 semaphore(%run_scoped3A : memref<!tpu.dma_semaphore, #tpu.memory_space<semaphore_mem>>) src(%arg3 : memref<128x16xf32, #tpu.memory_space<hbm>>) dst(%arg7 : memref<128x16xf32, #tpu.memory_space<vmem>>)
      tpu.yield
    }) : () -> ()
    %mul3A_1 = arith.constant 626 : i32
    %mul3A_2 = arith.muli %arg1, %mul3A_1 : i32
    "tpu.region"() ({
      %run_scoped3A = tpu.sem_alloc : memref<!tpu.dma_semaphore, #tpu.memory_space<semaphore_mem>>
      %dma_start3A = arith.constant 0 : i32
      %dma_start3A_8 = tpu.memref_slice %arg8[%mul3A_2, %dma_start3A] : memref<10016x16xf32, #tpu.memory_space<vmem_shared>> -> memref<626x16xf32, #tpu.memory_space<vmem_shared>>
      %dma_start3A_9 = arith.constant 0 : i32
      %dma_start3A_10 = tpu.memref_slice %arg4[%mul3A_2, %dma_start3A_9] : memref<10016x16xf32, #tpu.memory_space<hbm>> -> memref<626x16xf32, #tpu.memory_space<hbm>>
      tpu.enqueue_dma source(%dma_start3A_10 : memref<626x16xf32, #tpu.memory_space<hbm>>) target(%dma_start3A_8 : memref<626x16xf32, #tpu.memory_space<vmem_shared>>) target_semaphore(%run_scoped3A : memref<!tpu.dma_semaphore, #tpu.memory_space<semaphore_mem>>)
      %dma_wait3A = arith.constant 0 : i32
      %dma_wait3A_11 = tpu.memref_slice %arg8[%mul3A_2, %dma_wait3A] : memref<10016x16xf32, #tpu.memory_space<vmem_shared>> -> memref<626x16xf32, #tpu.memory_space<vmem_shared>>
      %dma_wait3A_12 = arith.constant 0 : i32
      %dma_wait3A_13 = tpu.memref_slice %arg4[%mul3A_2, %dma_wait3A_12] : memref<10016x16xf32, #tpu.memory_space<hbm>> -> memref<626x16xf32, #tpu.memory_space<hbm>>
      tpu.wait_dma2 semaphore(%run_scoped3A : memref<!tpu.dma_semaphore, #tpu.memory_space<semaphore_mem>>) src(%dma_wait3A_13 : memref<626x16xf32, #tpu.memory_space<hbm>>) dst(%dma_wait3A_11 : memref<626x16xf32, #tpu.memory_space<vmem_shared>>)
      tpu.yield
    }) : () -> ()
    %barrier3A = arith.constant 0 : index
    tpu.barrier barrier_id(%barrier3A)
    %scan3A = arith.constant 0 : i32
    %scan3A_3 = arith.constant 79 : i32
    %scan3A_4 = arith.addi %scan3A, %scan3A_3 : i32
    %scan3A_5 = arith.constant 1 : i32
    scf.for %scan3A_8 = %scan3A to %scan3A_4 step %scan3A_5  : i32 {
      %mul3A_9 = arith.constant 1 : i32
      %mul3A_10 = arith.muli %scan3A_8, %mul3A_9 : i32
      %add3A_11 = arith.constant 0 : i32
      %add3A_12 = arith.addi %add3A_11, %mul3A_10 : i32
      "tpu.region"() ({
        %run_scoped3A = tpu.sem_alloc : memref<!tpu.dma_semaphore, #tpu.memory_space<semaphore_mem>>
        %dma_start3A = arith.constant 0 : i32
        %dma_start3A_13 = tpu.memref_slice %arg6[%add3A_12, %dma_start3A] : memref<79x128xi32, #tpu.memory_space<vmem>> -> memref<1x128xi32, #tpu.memory_space<vmem>>
        %dma_start3A_14 = tpu.memref_squeeze %dma_start3A_13 : memref<1x128xi32, #tpu.memory_space<vmem>> -> memref<128xi32, #tpu.memory_space<vmem>>
        %dma_start3A_15 = arith.constant 0 : i32
        %dma_start3A_16 = arith.constant 0 : i32
        %dma_start3A_17 = tpu.memref_slice %arg8[%dma_start3A_15, %dma_start3A_16] : memref<10016x16xf32, #tpu.memory_space<vmem_shared>> -> memref<10016x16xf32, #tpu.memory_space<vmem_shared>>
        tpu.enqueue_indirect_dma source(%arg7 : memref<128x16xf32, #tpu.memory_space<vmem>>) target(%dma_start3A_17 : memref<10016x16xf32, #tpu.memory_space<vmem_shared>>) offsets(%dma_start3A_14 : memref<128xi32, #tpu.memory_space<vmem>>) semaphore(%run_scoped3A : memref<!tpu.dma_semaphore, #tpu.memory_space<semaphore_mem>>) {add = true}
        %dma_wait3A = arith.constant 0 : i32
        %dma_wait3A_18 = tpu.memref_slice %arg6[%add3A_12, %dma_wait3A] : memref<79x128xi32, #tpu.memory_space<vmem>> -> memref<1x128xi32, #tpu.memory_space<vmem>>
        %dma_wait3A_19 = tpu.memref_squeeze %dma_wait3A_18 : memref<1x128xi32, #tpu.memory_space<vmem>> -> memref<128xi32, #tpu.memory_space<vmem>>
        %dma_wait3A_20 = arith.constant 0 : i32
        %dma_wait3A_21 = arith.constant 0 : i32
        %dma_wait3A_22 = tpu.memref_slice %arg8[%dma_wait3A_20, %dma_wait3A_21] : memref<10016x16xf32, #tpu.memory_space<vmem_shared>> -> memref<10016x16xf32, #tpu.memory_space<vmem_shared>>
        tpu.wait_indirect_dma semaphore(%run_scoped3A : memref<!tpu.dma_semaphore, #tpu.memory_space<semaphore_mem>>) src(%arg7 : memref<128x16xf32, #tpu.memory_space<vmem>>) dst(%dma_wait3A_22 : memref<10016x16xf32, #tpu.memory_space<vmem_shared>>)
        tpu.yield
      }) : () -> ()
    }
    %scan3A_6 = arith.constant 79 : i32
    %barrier3A_7 = arith.constant 0 : index
    tpu.barrier barrier_id(%barrier3A_7)
    "tpu.region"() ({
      %run_scoped3A = tpu.sem_alloc : memref<!tpu.dma_semaphore, #tpu.memory_space<semaphore_mem>>
      %dma_start3A = arith.constant 0 : i32
      %dma_start3A_8 = tpu.memref_slice %arg5[%arg0, %mul3A_2, %dma_start3A] : memref<2x10016x16xf32, #tpu.memory_space<hbm>> -> memref<1x626x16xf32, #tpu.memory_space<hbm>>
      %dma_start3A_9 = tpu.memref_squeeze %dma_start3A_8 : memref<1x626x16xf32, #tpu.memory_space<hbm>> -> memref<626x16xf32, #tpu.memory_space<hbm>>
      %dma_start3A_10 = arith.constant 0 : i32
      %dma_start3A_11 = tpu.memref_slice %arg8[%mul3A_2, %dma_start3A_10] : memref<10016x16xf32, #tpu.memory_space<vmem_shared>> -> memref<626x16xf32, #tpu.memory_space<vmem_shared>>
      tpu.enqueue_dma source(%dma_start3A_11 : memref<626x16xf32, #tpu.memory_space<vmem_shared>>) target(%dma_start3A_9 : memref<626x16xf32, #tpu.memory_space<hbm>>) target_semaphore(%run_scoped3A : memref<!tpu.dma_semaphore, #tpu.memory_space<semaphore_mem>>)
      %dma_wait3A = arith.constant 0 : i32
      %dma_wait3A_12 = tpu.memref_slice %arg5[%arg0, %mul3A_2, %dma_wait3A] : memref<2x10016x16xf32, #tpu.memory_space<hbm>> -> memref<1x626x16xf32, #tpu.memory_space<hbm>>
      %dma_wait3A_13 = tpu.memref_squeeze %dma_wait3A_12 : memref<1x626x16xf32, #tpu.memory_space<hbm>> -> memref<626x16xf32, #tpu.memory_space<hbm>>
      %dma_wait3A_14 = arith.constant 0 : i32
      %dma_wait3A_15 = tpu.memref_slice %arg8[%mul3A_2, %dma_wait3A_14] : memref<10016x16xf32, #tpu.memory_space<vmem_shared>> -> memref<626x16xf32, #tpu.memory_space<vmem_shared>>
      tpu.wait_dma2 semaphore(%run_scoped3A : memref<!tpu.dma_semaphore, #tpu.memory_space<semaphore_mem>>) src(%dma_wait3A_15 : memref<626x16xf32, #tpu.memory_space<vmem_shared>>) dst(%dma_wait3A_13 : memref<626x16xf32, #tpu.memory_space<hbm>>)
      tpu.yield
    }) : () -> ()
    return
  }
}

#map = affine_map<(d0, d1) -> (0, 0)>
#map1 = affine_map<(d0, d1) -> (0, 0, 0)>
module attributes {stable_mosaic.version = 14 : i64} {
  func.func @_agg(%arg0: i32, %arg1: i32, %arg2: memref<40000x16xf32, #tpu.memory_space<hbm>>, %arg3: memref<2568x128xi32, #tpu.memory_space<hbm>>, %arg4: memref<2568x128xi32, #tpu.memory_space<hbm>>, %arg5: memref<10016x16xf32, #tpu.memory_space<hbm>>, %arg6: memref<2x10016x16xf32, #tpu.memory_space<hbm>>, %arg7: memref<40x128xi32, #tpu.memory_space<vmem>>, %arg8: memref<40x128xi32, #tpu.memory_space<vmem>>, %arg9: memref<128x16xf32, #tpu.memory_space<vmem>>, %arg10: memref<128x16xf32, #tpu.memory_space<vmem>>, %arg11: memref<!tpu.dma_semaphore, #tpu.memory_space<semaphore_mem>>, %arg12: memref<!tpu.dma_semaphore, #tpu.memory_space<semaphore_mem>>, %arg13: memref<10016x16xf32, #tpu.memory_space<vmem_shared>>) attributes {dimension_semantics = [#tpu.dimension_semantics<core_parallel>, #tpu.dimension_semantics<subcore_parallel>], iteration_bounds = array<i64: 2, 16>, scalar_prefetch = 0 : i64, scratch_operands = 7 : i64, tpu.core_type = #tpu.core_type<sc_vector_subcore>, window_params = [{transform_indices = #map}, {transform_indices = #map}, {transform_indices = #map}, {transform_indices = #map}, {transform_indices = #map1}]} {
    %eq3A = arith.constant 0 : i32
    %eq3A_0 = arith.cmpi eq, %arg0, %eq3A : i32
    %jit3A = arith.constant 104 : i32
    %jit3A_1 = arith.constant 54 : i32
    %select_n3A = arith.select %eq3A_0, %jit3A, %jit3A_1 : i32
    %eq3A_2 = arith.constant 0 : i32
    %eq3A_3 = arith.cmpi eq, %arg0, %eq3A_2 : i32
    %mul3A = arith.constant 104 : i32
    %mul3A_4 = arith.muli %arg1, %mul3A : i32
    %mul3A_5 = arith.constant 54 : i32
    %mul3A_6 = arith.muli %arg1, %mul3A_5 : i32
    %add3A = arith.constant 1664 : i32
    %add3A_7 = arith.addi %add3A, %mul3A_6 : i32
    %select_n3A_8 = arith.select %eq3A_3, %mul3A_4, %add3A_7 : i32
    %mul3A_9 = arith.constant 626 : i32
    %mul3A_10 = arith.muli %arg1, %mul3A_9 : i32
    "tpu.region"() ({
      %run_scoped3A = tpu.sem_alloc : memref<!tpu.dma_semaphore, #tpu.memory_space<semaphore_mem>>
      %dma_start3A = arith.constant 0 : i32
      %dma_start3A_39 = tpu.memref_slice %arg13[%mul3A_10, %dma_start3A] : memref<10016x16xf32, #tpu.memory_space<vmem_shared>> -> memref<626x16xf32, #tpu.memory_space<vmem_shared>>
      %dma_start3A_40 = arith.constant 0 : i32
      %dma_start3A_41 = tpu.memref_slice %arg5[%mul3A_10, %dma_start3A_40] : memref<10016x16xf32, #tpu.memory_space<hbm>> -> memref<626x16xf32, #tpu.memory_space<hbm>>
      tpu.enqueue_dma source(%dma_start3A_41 : memref<626x16xf32, #tpu.memory_space<hbm>>) target(%dma_start3A_39 : memref<626x16xf32, #tpu.memory_space<vmem_shared>>) target_semaphore(%run_scoped3A : memref<!tpu.dma_semaphore, #tpu.memory_space<semaphore_mem>>)
      %dma_wait3A = arith.constant 0 : i32
      %dma_wait3A_42 = tpu.memref_slice %arg13[%mul3A_10, %dma_wait3A] : memref<10016x16xf32, #tpu.memory_space<vmem_shared>> -> memref<626x16xf32, #tpu.memory_space<vmem_shared>>
      %dma_wait3A_43 = arith.constant 0 : i32
      %dma_wait3A_44 = tpu.memref_slice %arg5[%mul3A_10, %dma_wait3A_43] : memref<10016x16xf32, #tpu.memory_space<hbm>> -> memref<626x16xf32, #tpu.memory_space<hbm>>
      tpu.wait_dma2 semaphore(%run_scoped3A : memref<!tpu.dma_semaphore, #tpu.memory_space<semaphore_mem>>) src(%dma_wait3A_44 : memref<626x16xf32, #tpu.memory_space<hbm>>) dst(%dma_wait3A_42 : memref<626x16xf32, #tpu.memory_space<vmem_shared>>)
      tpu.yield
    }) : () -> ()
    %barrier3A = arith.constant 0 : index
    tpu.barrier barrier_id(%barrier3A)
    %sub3A = arith.constant 0 : i32
    %sub3A_11 = arith.subi %select_n3A, %sub3A : i32
    %jit3A_12 = arith.constant 0 : i32
    %jit3A_13 = arith.constant 40 : i32
    %max3A = arith.maxsi %jit3A_12, %sub3A_11 : i32
    %min3A = arith.minsi %jit3A_13, %max3A : i32
    %gt3A = arith.constant 0 : i32
    %gt3A_14 = arith.cmpi sgt, %min3A, %gt3A : i32
    %convert_element_type3A = arith.extui %gt3A_14 : i1 to i32
    %cond3A = arith.constant 0 : i32
    %cond3A_15 = arith.cmpi ne, %convert_element_type3A, %cond3A : i32
    scf.if %cond3A_15 {
      %add3A_39 = arith.constant 0 : i32
      %add3A_40 = arith.addi %select_n3A_8, %add3A_39 : i32
      "tpu.region"() ({
        %run_scoped3A = tpu.sem_alloc : memref<!tpu.dma_semaphore, #tpu.memory_space<semaphore_mem>>
        %dma_start3A_66 = arith.constant 0 : i32
        %dma_start3A_67 = tpu.memref_slice %arg3[%add3A_40, %dma_start3A_66] : memref<2568x128xi32, #tpu.memory_space<hbm>> -> memref<40x128xi32, #tpu.memory_space<hbm>>
        %dma_start3A_68 = arith.constant 0 : i32
        %dma_start3A_69 = tpu.memref_slice %arg3[%add3A_40, %dma_start3A_68] : memref<2568x128xi32, #tpu.memory_space<hbm>> -> memref<40x128xi32, #tpu.memory_space<hbm>>
        tpu.enqueue_dma source(%dma_start3A_69 : memref<40x128xi32, #tpu.memory_space<hbm>>) target(%arg7 : memref<40x128xi32, #tpu.memory_space<vmem>>) target_semaphore(%run_scoped3A : memref<!tpu.dma_semaphore, #tpu.memory_space<semaphore_mem>>)
        %dma_wait3A = arith.constant 0 : i32
        %dma_wait3A_70 = tpu.memref_slice %arg3[%add3A_40, %dma_wait3A] : memref<2568x128xi32, #tpu.memory_space<hbm>> -> memref<40x128xi32, #tpu.memory_space<hbm>>
        %dma_wait3A_71 = arith.constant 0 : i32
        %dma_wait3A_72 = tpu.memref_slice %arg3[%add3A_40, %dma_wait3A_71] : memref<2568x128xi32, #tpu.memory_space<hbm>> -> memref<40x128xi32, #tpu.memory_space<hbm>>
        tpu.wait_dma2 semaphore(%run_scoped3A : memref<!tpu.dma_semaphore, #tpu.memory_space<semaphore_mem>>) src(%dma_wait3A_72 : memref<40x128xi32, #tpu.memory_space<hbm>>) dst(%arg7 : memref<40x128xi32, #tpu.memory_space<vmem>>)
        tpu.yield
      }) : () -> ()
      %add3A_41 = arith.constant 0 : i32
      %add3A_42 = arith.addi %select_n3A_8, %add3A_41 : i32
      "tpu.region"() ({
        %run_scoped3A = tpu.sem_alloc : memref<!tpu.dma_semaphore, #tpu.memory_space<semaphore_mem>>
        %dma_start3A_66 = arith.constant 0 : i32
        %dma_start3A_67 = tpu.memref_slice %arg4[%add3A_42, %dma_start3A_66] : memref<2568x128xi32, #tpu.memory_space<hbm>> -> memref<40x128xi32, #tpu.memory_space<hbm>>
        %dma_start3A_68 = arith.constant 0 : i32
        %dma_start3A_69 = tpu.memref_slice %arg4[%add3A_42, %dma_start3A_68] : memref<2568x128xi32, #tpu.memory_space<hbm>> -> memref<40x128xi32, #tpu.memory_space<hbm>>
        tpu.enqueue_dma source(%dma_start3A_69 : memref<40x128xi32, #tpu.memory_space<hbm>>) target(%arg8 : memref<40x128xi32, #tpu.memory_space<vmem>>) target_semaphore(%run_scoped3A : memref<!tpu.dma_semaphore, #tpu.memory_space<semaphore_mem>>)
        %dma_wait3A = arith.constant 0 : i32
        %dma_wait3A_70 = tpu.memref_slice %arg4[%add3A_42, %dma_wait3A] : memref<2568x128xi32, #tpu.memory_space<hbm>> -> memref<40x128xi32, #tpu.memory_space<hbm>>
        %dma_wait3A_71 = arith.constant 0 : i32
        %dma_wait3A_72 = tpu.memref_slice %arg4[%add3A_42, %dma_wait3A_71] : memref<2568x128xi32, #tpu.memory_space<hbm>> -> memref<40x128xi32, #tpu.memory_space<hbm>>
        tpu.wait_dma2 semaphore(%run_scoped3A : memref<!tpu.dma_semaphore, #tpu.memory_space<semaphore_mem>>) src(%dma_wait3A_72 : memref<40x128xi32, #tpu.memory_space<hbm>>) dst(%arg8 : memref<40x128xi32, #tpu.memory_space<vmem>>)
        tpu.yield
      }) : () -> ()
      %dma_start3A = arith.constant 0 : i32
      %dma_start3A_43 = arith.constant 0 : i32
      %dma_start3A_44 = tpu.memref_slice %arg7[%dma_start3A, %dma_start3A_43] : memref<40x128xi32, #tpu.memory_space<vmem>> -> memref<1x128xi32, #tpu.memory_space<vmem>>
      %dma_start3A_45 = tpu.memref_squeeze %dma_start3A_44 : memref<1x128xi32, #tpu.memory_space<vmem>> -> memref<128xi32, #tpu.memory_space<vmem>>
      %dma_start3A_46 = arith.constant 0 : i32
      %dma_start3A_47 = arith.constant 0 : i32
      %dma_start3A_48 = tpu.memref_slice %arg2[%dma_start3A_46, %dma_start3A_47] : memref<40000x16xf32, #tpu.memory_space<hbm>> -> memref<40000x16xf32, #tpu.memory_space<hbm>>
      tpu.enqueue_indirect_dma source(%dma_start3A_48 : memref<40000x16xf32, #tpu.memory_space<hbm>>) target(%arg9 : memref<128x16xf32, #tpu.memory_space<vmem>>) offsets(%dma_start3A_45 : memref<128xi32, #tpu.memory_space<vmem>>) semaphore(%arg11 : memref<!tpu.dma_semaphore, #tpu.memory_space<semaphore_mem>>)
      %sub3A_49 = arith.constant 0 : i32
      %sub3A_50 = arith.subi %min3A, %sub3A_49 : i32
      %sub3A_51 = arith.constant 2 : i32
      %sub3A_52 = arith.constant 1 : i32
      %sub3A_53 = arith.subi %sub3A_51, %sub3A_52 : i32
      %add3A_54 = arith.addi %sub3A_50, %sub3A_53 : i32
      %div3A = arith.constant 2 : i32
      %div3A_55 = arith.divsi %add3A_54, %div3A : i32
      %while3A = arith.constant 2 : i32
      %while3A_56 = arith.constant 0 : i32
      %while3A_57 = arith.constant 0 : i32
      %while3A_58 = arith.subi %div3A_55, %while3A_57 : i32
      %while3A_59 = arith.addi %while3A_57, %while3A_58 : i32
      %while3A_60 = arith.constant 1 : i32
      %while3A_61 = arith.divsi %while3A_58, %while3A_60 : i32
      %while3A_62 = arith.muli %while3A_61, %while3A_60 : i32
      %while3A_63 = arith.addi %while3A_57, %while3A_62 : i32
      %while3A_64 = arith.constant 1 : i32
      scf.for %while3A_66 = %while3A_57 to %while3A_63 step %while3A_64  : i32 {
        %mul3A_67 = arith.muli %while3A_66, %while3A : i32
        %add3A_68 = arith.addi %while3A_56, %mul3A_67 : i32
        %add3A_69 = arith.constant 1 : i32
        %add3A_70 = arith.addi %add3A_68, %add3A_69 : i32
        %dma_start3A_71 = arith.constant 0 : i32
        %dma_start3A_72 = tpu.memref_slice %arg7[%add3A_70, %dma_start3A_71] : memref<40x128xi32, #tpu.memory_space<vmem>> -> memref<1x128xi32, #tpu.memory_space<vmem>>
        %dma_start3A_73 = tpu.memref_squeeze %dma_start3A_72 : memref<1x128xi32, #tpu.memory_space<vmem>> -> memref<128xi32, #tpu.memory_space<vmem>>
        %dma_start3A_74 = arith.constant 0 : i32
        %dma_start3A_75 = arith.constant 0 : i32
        %dma_start3A_76 = tpu.memref_slice %arg2[%dma_start3A_74, %dma_start3A_75] : memref<40000x16xf32, #tpu.memory_space<hbm>> -> memref<40000x16xf32, #tpu.memory_space<hbm>>
        tpu.enqueue_indirect_dma source(%dma_start3A_76 : memref<40000x16xf32, #tpu.memory_space<hbm>>) target(%arg10 : memref<128x16xf32, #tpu.memory_space<vmem>>) offsets(%dma_start3A_73 : memref<128xi32, #tpu.memory_space<vmem>>) semaphore(%arg12 : memref<!tpu.dma_semaphore, #tpu.memory_space<semaphore_mem>>)
        %dma_wait3A = arith.constant 0 : i32
        %dma_wait3A_77 = tpu.memref_slice %arg7[%add3A_68, %dma_wait3A] : memref<40x128xi32, #tpu.memory_space<vmem>> -> memref<1x128xi32, #tpu.memory_space<vmem>>
        %dma_wait3A_78 = tpu.memref_squeeze %dma_wait3A_77 : memref<1x128xi32, #tpu.memory_space<vmem>> -> memref<128xi32, #tpu.memory_space<vmem>>
        %dma_wait3A_79 = arith.constant 0 : i32
        %dma_wait3A_80 = arith.constant 0 : i32
        %dma_wait3A_81 = tpu.memref_slice %arg2[%dma_wait3A_79, %dma_wait3A_80] : memref<40000x16xf32, #tpu.memory_space<hbm>> -> memref<40000x16xf32, #tpu.memory_space<hbm>>
        tpu.wait_indirect_dma semaphore(%arg11 : memref<!tpu.dma_semaphore, #tpu.memory_space<semaphore_mem>>) src(%dma_wait3A_81 : memref<40000x16xf32, #tpu.memory_space<hbm>>) dst(%arg9 : memref<128x16xf32, #tpu.memory_space<vmem>>)
        "tpu.region"() ({
          %run_scoped3A = tpu.sem_alloc : memref<!tpu.dma_semaphore, #tpu.memory_space<semaphore_mem>>
          %dma_start3A_97 = arith.constant 0 : i32
          %dma_start3A_98 = tpu.memref_slice %arg8[%add3A_68, %dma_start3A_97] : memref<40x128xi32, #tpu.memory_space<vmem>> -> memref<1x128xi32, #tpu.memory_space<vmem>>
          %dma_start3A_99 = tpu.memref_squeeze %dma_start3A_98 : memref<1x128xi32, #tpu.memory_space<vmem>> -> memref<128xi32, #tpu.memory_space<vmem>>
          %dma_start3A_100 = arith.constant 0 : i32
          %dma_start3A_101 = arith.constant 0 : i32
          %dma_start3A_102 = tpu.memref_slice %arg13[%dma_start3A_100, %dma_start3A_101] : memref<10016x16xf32, #tpu.memory_space<vmem_shared>> -> memref<10016x16xf32, #tpu.memory_space<vmem_shared>>
          tpu.enqueue_indirect_dma source(%arg9 : memref<128x16xf32, #tpu.memory_space<vmem>>) target(%dma_start3A_102 : memref<10016x16xf32, #tpu.memory_space<vmem_shared>>) offsets(%dma_start3A_99 : memref<128xi32, #tpu.memory_space<vmem>>) semaphore(%run_scoped3A : memref<!tpu.dma_semaphore, #tpu.memory_space<semaphore_mem>>) {add = true}
          %dma_wait3A_103 = arith.constant 0 : i32
          %dma_wait3A_104 = tpu.memref_slice %arg8[%add3A_68, %dma_wait3A_103] : memref<40x128xi32, #tpu.memory_space<vmem>> -> memref<1x128xi32, #tpu.memory_space<vmem>>
          %dma_wait3A_105 = tpu.memref_squeeze %dma_wait3A_104 : memref<1x128xi32, #tpu.memory_space<vmem>> -> memref<128xi32, #tpu.memory_space<vmem>>
          %dma_wait3A_106 = arith.constant 0 : i32
          %dma_wait3A_107 = arith.constant 0 : i32
          %dma_wait3A_108 = tpu.memref_slice %arg13[%dma_wait3A_106, %dma_wait3A_107] : memref<10016x16xf32, #tpu.memory_space<vmem_shared>> -> memref<10016x16xf32, #tpu.memory_space<vmem_shared>>
          tpu.wait_indirect_dma semaphore(%run_scoped3A : memref<!tpu.dma_semaphore, #tpu.memory_space<semaphore_mem>>) src(%arg9 : memref<128x16xf32, #tpu.memory_space<vmem>>) dst(%dma_wait3A_108 : memref<10016x16xf32, #tpu.memory_space<vmem_shared>>)
          tpu.yield
        }) : () -> ()
        %add3A_82 = arith.constant 2 : i32
        %add3A_83 = arith.addi %add3A_68, %add3A_82 : i32
        %lt3A = arith.cmpi slt, %add3A_83, %min3A : i32
        %convert_element_type3A_84 = arith.extui %lt3A : i1 to i32
        %cond3A_85 = arith.constant 0 : i32
        %cond3A_86 = arith.cmpi ne, %convert_element_type3A_84, %cond3A_85 : i32
        scf.if %cond3A_86 {
          %add3A_97 = arith.constant 2 : i32
          %add3A_98 = arith.addi %add3A_68, %add3A_97 : i32
          %dma_start3A_99 = arith.constant 0 : i32
          %dma_start3A_100 = tpu.memref_slice %arg7[%add3A_98, %dma_start3A_99] : memref<40x128xi32, #tpu.memory_space<vmem>> -> memref<1x128xi32, #tpu.memory_space<vmem>>
          %dma_start3A_101 = tpu.memref_squeeze %dma_start3A_100 : memref<1x128xi32, #tpu.memory_space<vmem>> -> memref<128xi32, #tpu.memory_space<vmem>>
          %dma_start3A_102 = arith.constant 0 : i32
          %dma_start3A_103 = arith.constant 0 : i32
          %dma_start3A_104 = tpu.memref_slice %arg2[%dma_start3A_102, %dma_start3A_103] : memref<40000x16xf32, #tpu.memory_space<hbm>> -> memref<40000x16xf32, #tpu.memory_space<hbm>>
          tpu.enqueue_indirect_dma source(%dma_start3A_104 : memref<40000x16xf32, #tpu.memory_space<hbm>>) target(%arg9 : memref<128x16xf32, #tpu.memory_space<vmem>>) offsets(%dma_start3A_101 : memref<128xi32, #tpu.memory_space<vmem>>) semaphore(%arg11 : memref<!tpu.dma_semaphore, #tpu.memory_space<semaphore_mem>>)
        } else {
        }
        %add3A_87 = arith.constant 1 : i32
        %add3A_88 = arith.addi %add3A_68, %add3A_87 : i32
        %dma_wait3A_89 = arith.constant 0 : i32
        %dma_wait3A_90 = tpu.memref_slice %arg7[%add3A_88, %dma_wait3A_89] : memref<40x128xi32, #tpu.memory_space<vmem>> -> memref<1x128xi32, #tpu.memory_space<vmem>>
        %dma_wait3A_91 = tpu.memref_squeeze %dma_wait3A_90 : memref<1x128xi32, #tpu.memory_space<vmem>> -> memref<128xi32, #tpu.memory_space<vmem>>
        %dma_wait3A_92 = arith.constant 0 : i32
        %dma_wait3A_93 = arith.constant 0 : i32
        %dma_wait3A_94 = tpu.memref_slice %arg2[%dma_wait3A_92, %dma_wait3A_93] : memref<40000x16xf32, #tpu.memory_space<hbm>> -> memref<40000x16xf32, #tpu.memory_space<hbm>>
        tpu.wait_indirect_dma semaphore(%arg12 : memref<!tpu.dma_semaphore, #tpu.memory_space<semaphore_mem>>) src(%dma_wait3A_94 : memref<40000x16xf32, #tpu.memory_space<hbm>>) dst(%arg10 : memref<128x16xf32, #tpu.memory_space<vmem>>)
        %add3A_95 = arith.constant 1 : i32
        %add3A_96 = arith.addi %add3A_68, %add3A_95 : i32
        "tpu.region"() ({
          %run_scoped3A = tpu.sem_alloc : memref<!tpu.dma_semaphore, #tpu.memory_space<semaphore_mem>>
          %dma_start3A_97 = arith.constant 0 : i32
          %dma_start3A_98 = tpu.memref_slice %arg8[%add3A_96, %dma_start3A_97] : memref<40x128xi32, #tpu.memory_space<vmem>> -> memref<1x128xi32, #tpu.memory_space<vmem>>
          %dma_start3A_99 = tpu.memref_squeeze %dma_start3A_98 : memref<1x128xi32, #tpu.memory_space<vmem>> -> memref<128xi32, #tpu.memory_space<vmem>>
          %dma_start3A_100 = arith.constant 0 : i32
          %dma_start3A_101 = arith.constant 0 : i32
          %dma_start3A_102 = tpu.memref_slice %arg13[%dma_start3A_100, %dma_start3A_101] : memref<10016x16xf32, #tpu.memory_space<vmem_shared>> -> memref<10016x16xf32, #tpu.memory_space<vmem_shared>>
          tpu.enqueue_indirect_dma source(%arg10 : memref<128x16xf32, #tpu.memory_space<vmem>>) target(%dma_start3A_102 : memref<10016x16xf32, #tpu.memory_space<vmem_shared>>) offsets(%dma_start3A_99 : memref<128xi32, #tpu.memory_space<vmem>>) semaphore(%run_scoped3A : memref<!tpu.dma_semaphore, #tpu.memory_space<semaphore_mem>>) {add = true}
          %dma_wait3A_103 = arith.constant 0 : i32
          %dma_wait3A_104 = tpu.memref_slice %arg8[%add3A_96, %dma_wait3A_103] : memref<40x128xi32, #tpu.memory_space<vmem>> -> memref<1x128xi32, #tpu.memory_space<vmem>>
          %dma_wait3A_105 = tpu.memref_squeeze %dma_wait3A_104 : memref<1x128xi32, #tpu.memory_space<vmem>> -> memref<128xi32, #tpu.memory_space<vmem>>
          %dma_wait3A_106 = arith.constant 0 : i32
          %dma_wait3A_107 = arith.constant 0 : i32
          %dma_wait3A_108 = tpu.memref_slice %arg13[%dma_wait3A_106, %dma_wait3A_107] : memref<10016x16xf32, #tpu.memory_space<vmem_shared>> -> memref<10016x16xf32, #tpu.memory_space<vmem_shared>>
          tpu.wait_indirect_dma semaphore(%run_scoped3A : memref<!tpu.dma_semaphore, #tpu.memory_space<semaphore_mem>>) src(%arg10 : memref<128x16xf32, #tpu.memory_space<vmem>>) dst(%dma_wait3A_108 : memref<10016x16xf32, #tpu.memory_space<vmem_shared>>)
          tpu.yield
        }) : () -> ()
      }
      %while3A_65 = arith.constant 1 : i32
      scf.for %while3A_66 = %while3A_63 to %while3A_59 step %while3A_65  : i32 {
        %mul3A_67 = arith.muli %while3A_66, %while3A : i32
        %add3A_68 = arith.addi %while3A_56, %mul3A_67 : i32
        %add3A_69 = arith.constant 1 : i32
        %add3A_70 = arith.addi %add3A_68, %add3A_69 : i32
        %dma_start3A_71 = arith.constant 0 : i32
        %dma_start3A_72 = tpu.memref_slice %arg7[%add3A_70, %dma_start3A_71] : memref<40x128xi32, #tpu.memory_space<vmem>> -> memref<1x128xi32, #tpu.memory_space<vmem>>
        %dma_start3A_73 = tpu.memref_squeeze %dma_start3A_72 : memref<1x128xi32, #tpu.memory_space<vmem>> -> memref<128xi32, #tpu.memory_space<vmem>>
        %dma_start3A_74 = arith.constant 0 : i32
        %dma_start3A_75 = arith.constant 0 : i32
        %dma_start3A_76 = tpu.memref_slice %arg2[%dma_start3A_74, %dma_start3A_75] : memref<40000x16xf32, #tpu.memory_space<hbm>> -> memref<40000x16xf32, #tpu.memory_space<hbm>>
        tpu.enqueue_indirect_dma source(%dma_start3A_76 : memref<40000x16xf32, #tpu.memory_space<hbm>>) target(%arg10 : memref<128x16xf32, #tpu.memory_space<vmem>>) offsets(%dma_start3A_73 : memref<128xi32, #tpu.memory_space<vmem>>) semaphore(%arg12 : memref<!tpu.dma_semaphore, #tpu.memory_space<semaphore_mem>>)
        %dma_wait3A = arith.constant 0 : i32
        %dma_wait3A_77 = tpu.memref_slice %arg7[%add3A_68, %dma_wait3A] : memref<40x128xi32, #tpu.memory_space<vmem>> -> memref<1x128xi32, #tpu.memory_space<vmem>>
        %dma_wait3A_78 = tpu.memref_squeeze %dma_wait3A_77 : memref<1x128xi32, #tpu.memory_space<vmem>> -> memref<128xi32, #tpu.memory_space<vmem>>
        %dma_wait3A_79 = arith.constant 0 : i32
        %dma_wait3A_80 = arith.constant 0 : i32
        %dma_wait3A_81 = tpu.memref_slice %arg2[%dma_wait3A_79, %dma_wait3A_80] : memref<40000x16xf32, #tpu.memory_space<hbm>> -> memref<40000x16xf32, #tpu.memory_space<hbm>>
        tpu.wait_indirect_dma semaphore(%arg11 : memref<!tpu.dma_semaphore, #tpu.memory_space<semaphore_mem>>) src(%dma_wait3A_81 : memref<40000x16xf32, #tpu.memory_space<hbm>>) dst(%arg9 : memref<128x16xf32, #tpu.memory_space<vmem>>)
        "tpu.region"() ({
          %run_scoped3A = tpu.sem_alloc : memref<!tpu.dma_semaphore, #tpu.memory_space<semaphore_mem>>
          %dma_start3A_97 = arith.constant 0 : i32
          %dma_start3A_98 = tpu.memref_slice %arg8[%add3A_68, %dma_start3A_97] : memref<40x128xi32, #tpu.memory_space<vmem>> -> memref<1x128xi32, #tpu.memory_space<vmem>>
          %dma_start3A_99 = tpu.memref_squeeze %dma_start3A_98 : memref<1x128xi32, #tpu.memory_space<vmem>> -> memref<128xi32, #tpu.memory_space<vmem>>
          %dma_start3A_100 = arith.constant 0 : i32
          %dma_start3A_101 = arith.constant 0 : i32
          %dma_start3A_102 = tpu.memref_slice %arg13[%dma_start3A_100, %dma_start3A_101] : memref<10016x16xf32, #tpu.memory_space<vmem_shared>> -> memref<10016x16xf32, #tpu.memory_space<vmem_shared>>
          tpu.enqueue_indirect_dma source(%arg9 : memref<128x16xf32, #tpu.memory_space<vmem>>) target(%dma_start3A_102 : memref<10016x16xf32, #tpu.memory_space<vmem_shared>>) offsets(%dma_start3A_99 : memref<128xi32, #tpu.memory_space<vmem>>) semaphore(%run_scoped3A : memref<!tpu.dma_semaphore, #tpu.memory_space<semaphore_mem>>) {add = true}
          %dma_wait3A_103 = arith.constant 0 : i32
          %dma_wait3A_104 = tpu.memref_slice %arg8[%add3A_68, %dma_wait3A_103] : memref<40x128xi32, #tpu.memory_space<vmem>> -> memref<1x128xi32, #tpu.memory_space<vmem>>
          %dma_wait3A_105 = tpu.memref_squeeze %dma_wait3A_104 : memref<1x128xi32, #tpu.memory_space<vmem>> -> memref<128xi32, #tpu.memory_space<vmem>>
          %dma_wait3A_106 = arith.constant 0 : i32
          %dma_wait3A_107 = arith.constant 0 : i32
          %dma_wait3A_108 = tpu.memref_slice %arg13[%dma_wait3A_106, %dma_wait3A_107] : memref<10016x16xf32, #tpu.memory_space<vmem_shared>> -> memref<10016x16xf32, #tpu.memory_space<vmem_shared>>
          tpu.wait_indirect_dma semaphore(%run_scoped3A : memref<!tpu.dma_semaphore, #tpu.memory_space<semaphore_mem>>) src(%arg9 : memref<128x16xf32, #tpu.memory_space<vmem>>) dst(%dma_wait3A_108 : memref<10016x16xf32, #tpu.memory_space<vmem_shared>>)
          tpu.yield
        }) : () -> ()
        %add3A_82 = arith.constant 2 : i32
        %add3A_83 = arith.addi %add3A_68, %add3A_82 : i32
        %lt3A = arith.cmpi slt, %add3A_83, %min3A : i32
        %convert_element_type3A_84 = arith.extui %lt3A : i1 to i32
        %cond3A_85 = arith.constant 0 : i32
        %cond3A_86 = arith.cmpi ne, %convert_element_type3A_84, %cond3A_85 : i32
        scf.if %cond3A_86 {
          %add3A_97 = arith.constant 2 : i32
          %add3A_98 = arith.addi %add3A_68, %add3A_97 : i32
          %dma_start3A_99 = arith.constant 0 : i32
          %dma_start3A_100 = tpu.memref_slice %arg7[%add3A_98, %dma_start3A_99] : memref<40x128xi32, #tpu.memory_space<vmem>> -> memref<1x128xi32, #tpu.memory_space<vmem>>
          %dma_start3A_101 = tpu.memref_squeeze %dma_start3A_100 : memref<1x128xi32, #tpu.memory_space<vmem>> -> memref<128xi32, #tpu.memory_space<vmem>>
          %dma_start3A_102 = arith.constant 0 : i32
          %dma_start3A_103 = arith.constant 0 : i32
          %dma_start3A_104 = tpu.memref_slice %arg2[%dma_start3A_102, %dma_start3A_103] : memref<40000x16xf32, #tpu.memory_space<hbm>> -> memref<40000x16xf32, #tpu.memory_space<hbm>>
          tpu.enqueue_indirect_dma source(%dma_start3A_104 : memref<40000x16xf32, #tpu.memory_space<hbm>>) target(%arg9 : memref<128x16xf32, #tpu.memory_space<vmem>>) offsets(%dma_start3A_101 : memref<128xi32, #tpu.memory_space<vmem>>) semaphore(%arg11 : memref<!tpu.dma_semaphore, #tpu.memory_space<semaphore_mem>>)
        } else {
        }
        %add3A_87 = arith.constant 1 : i32
        %add3A_88 = arith.addi %add3A_68, %add3A_87 : i32
        %dma_wait3A_89 = arith.constant 0 : i32
        %dma_wait3A_90 = tpu.memref_slice %arg7[%add3A_88, %dma_wait3A_89] : memref<40x128xi32, #tpu.memory_space<vmem>> -> memref<1x128xi32, #tpu.memory_space<vmem>>
        %dma_wait3A_91 = tpu.memref_squeeze %dma_wait3A_90 : memref<1x128xi32, #tpu.memory_space<vmem>> -> memref<128xi32, #tpu.memory_space<vmem>>
        %dma_wait3A_92 = arith.constant 0 : i32
        %dma_wait3A_93 = arith.constant 0 : i32
        %dma_wait3A_94 = tpu.memref_slice %arg2[%dma_wait3A_92, %dma_wait3A_93] : memref<40000x16xf32, #tpu.memory_space<hbm>> -> memref<40000x16xf32, #tpu.memory_space<hbm>>
        tpu.wait_indirect_dma semaphore(%arg12 : memref<!tpu.dma_semaphore, #tpu.memory_space<semaphore_mem>>) src(%dma_wait3A_94 : memref<40000x16xf32, #tpu.memory_space<hbm>>) dst(%arg10 : memref<128x16xf32, #tpu.memory_space<vmem>>)
        %add3A_95 = arith.constant 1 : i32
        %add3A_96 = arith.addi %add3A_68, %add3A_95 : i32
        "tpu.region"() ({
          %run_scoped3A = tpu.sem_alloc : memref<!tpu.dma_semaphore, #tpu.memory_space<semaphore_mem>>
          %dma_start3A_97 = arith.constant 0 : i32
          %dma_start3A_98 = tpu.memref_slice %arg8[%add3A_96, %dma_start3A_97] : memref<40x128xi32, #tpu.memory_space<vmem>> -> memref<1x128xi32, #tpu.memory_space<vmem>>
          %dma_start3A_99 = tpu.memref_squeeze %dma_start3A_98 : memref<1x128xi32, #tpu.memory_space<vmem>> -> memref<128xi32, #tpu.memory_space<vmem>>
          %dma_start3A_100 = arith.constant 0 : i32
          %dma_start3A_101 = arith.constant 0 : i32
          %dma_start3A_102 = tpu.memref_slice %arg13[%dma_start3A_100, %dma_start3A_101] : memref<10016x16xf32, #tpu.memory_space<vmem_shared>> -> memref<10016x16xf32, #tpu.memory_space<vmem_shared>>
          tpu.enqueue_indirect_dma source(%arg10 : memref<128x16xf32, #tpu.memory_space<vmem>>) target(%dma_start3A_102 : memref<10016x16xf32, #tpu.memory_space<vmem_shared>>) offsets(%dma_start3A_99 : memref<128xi32, #tpu.memory_space<vmem>>) semaphore(%run_scoped3A : memref<!tpu.dma_semaphore, #tpu.memory_space<semaphore_mem>>) {add = true}
          %dma_wait3A_103 = arith.constant 0 : i32
          %dma_wait3A_104 = tpu.memref_slice %arg8[%add3A_96, %dma_wait3A_103] : memref<40x128xi32, #tpu.memory_space<vmem>> -> memref<1x128xi32, #tpu.memory_space<vmem>>
          %dma_wait3A_105 = tpu.memref_squeeze %dma_wait3A_104 : memref<1x128xi32, #tpu.memory_space<vmem>> -> memref<128xi32, #tpu.memory_space<vmem>>
          %dma_wait3A_106 = arith.constant 0 : i32
          %dma_wait3A_107 = arith.constant 0 : i32
          %dma_wait3A_108 = tpu.memref_slice %arg13[%dma_wait3A_106, %dma_wait3A_107] : memref<10016x16xf32, #tpu.memory_space<vmem_shared>> -> memref<10016x16xf32, #tpu.memory_space<vmem_shared>>
          tpu.wait_indirect_dma semaphore(%run_scoped3A : memref<!tpu.dma_semaphore, #tpu.memory_space<semaphore_mem>>) src(%arg10 : memref<128x16xf32, #tpu.memory_space<vmem>>) dst(%dma_wait3A_108 : memref<10016x16xf32, #tpu.memory_space<vmem_shared>>)
          tpu.yield
        }) : () -> ()
      }
    } else {
    }
    %sub3A_16 = arith.constant 40 : i32
    %sub3A_17 = arith.subi %select_n3A, %sub3A_16 : i32
    %jit3A_18 = arith.constant 0 : i32
    %jit3A_19 = arith.constant 40 : i32
    %max3A_20 = arith.maxsi %jit3A_18, %sub3A_17 : i32
    %min3A_21 = arith.minsi %jit3A_19, %max3A_20 : i32
    %gt3A_22 = arith.constant 0 : i32
    %gt3A_23 = arith.cmpi sgt, %min3A_21, %gt3A_22 : i32
    %convert_element_type3A_24 = arith.extui %gt3A_23 : i1 to i32
    %cond3A_25 = arith.constant 0 : i32
    %cond3A_26 = arith.cmpi ne, %convert_element_type3A_24, %cond3A_25 : i32
    scf.if %cond3A_26 {
      %add3A_39 = arith.constant 40 : i32
      %add3A_40 = arith.addi %select_n3A_8, %add3A_39 : i32
      "tpu.region"() ({
        %run_scoped3A = tpu.sem_alloc : memref<!tpu.dma_semaphore, #tpu.memory_space<semaphore_mem>>
        %dma_start3A_66 = arith.constant 0 : i32
        %dma_start3A_67 = tpu.memref_slice %arg3[%add3A_40, %dma_start3A_66] : memref<2568x128xi32, #tpu.memory_space<hbm>> -> memref<40x128xi32, #tpu.memory_space<hbm>>
        %dma_start3A_68 = arith.constant 0 : i32
        %dma_start3A_69 = tpu.memref_slice %arg3[%add3A_40, %dma_start3A_68] : memref<2568x128xi32, #tpu.memory_space<hbm>> -> memref<40x128xi32, #tpu.memory_space<hbm>>
        tpu.enqueue_dma source(%dma_start3A_69 : memref<40x128xi32, #tpu.memory_space<hbm>>) target(%arg7 : memref<40x128xi32, #tpu.memory_space<vmem>>) target_semaphore(%run_scoped3A : memref<!tpu.dma_semaphore, #tpu.memory_space<semaphore_mem>>)
        %dma_wait3A = arith.constant 0 : i32
        %dma_wait3A_70 = tpu.memref_slice %arg3[%add3A_40, %dma_wait3A] : memref<2568x128xi32, #tpu.memory_space<hbm>> -> memref<40x128xi32, #tpu.memory_space<hbm>>
        %dma_wait3A_71 = arith.constant 0 : i32
        %dma_wait3A_72 = tpu.memref_slice %arg3[%add3A_40, %dma_wait3A_71] : memref<2568x128xi32, #tpu.memory_space<hbm>> -> memref<40x128xi32, #tpu.memory_space<hbm>>
        tpu.wait_dma2 semaphore(%run_scoped3A : memref<!tpu.dma_semaphore, #tpu.memory_space<semaphore_mem>>) src(%dma_wait3A_72 : memref<40x128xi32, #tpu.memory_space<hbm>>) dst(%arg7 : memref<40x128xi32, #tpu.memory_space<vmem>>)
        tpu.yield
      }) : () -> ()
      %add3A_41 = arith.constant 40 : i32
      %add3A_42 = arith.addi %select_n3A_8, %add3A_41 : i32
      "tpu.region"() ({
        %run_scoped3A = tpu.sem_alloc : memref<!tpu.dma_semaphore, #tpu.memory_space<semaphore_mem>>
        %dma_start3A_66 = arith.constant 0 : i32
        %dma_start3A_67 = tpu.memref_slice %arg4[%add3A_42, %dma_start3A_66] : memref<2568x128xi32, #tpu.memory_space<hbm>> -> memref<40x128xi32, #tpu.memory_space<hbm>>
        %dma_start3A_68 = arith.constant 0 : i32
        %dma_start3A_69 = tpu.memref_slice %arg4[%add3A_42, %dma_start3A_68] : memref<2568x128xi32, #tpu.memory_space<hbm>> -> memref<40x128xi32, #tpu.memory_space<hbm>>
        tpu.enqueue_dma source(%dma_start3A_69 : memref<40x128xi32, #tpu.memory_space<hbm>>) target(%arg8 : memref<40x128xi32, #tpu.memory_space<vmem>>) target_semaphore(%run_scoped3A : memref<!tpu.dma_semaphore, #tpu.memory_space<semaphore_mem>>)
        %dma_wait3A = arith.constant 0 : i32
        %dma_wait3A_70 = tpu.memref_slice %arg4[%add3A_42, %dma_wait3A] : memref<2568x128xi32, #tpu.memory_space<hbm>> -> memref<40x128xi32, #tpu.memory_space<hbm>>
        %dma_wait3A_71 = arith.constant 0 : i32
        %dma_wait3A_72 = tpu.memref_slice %arg4[%add3A_42, %dma_wait3A_71] : memref<2568x128xi32, #tpu.memory_space<hbm>> -> memref<40x128xi32, #tpu.memory_space<hbm>>
        tpu.wait_dma2 semaphore(%run_scoped3A : memref<!tpu.dma_semaphore, #tpu.memory_space<semaphore_mem>>) src(%dma_wait3A_72 : memref<40x128xi32, #tpu.memory_space<hbm>>) dst(%arg8 : memref<40x128xi32, #tpu.memory_space<vmem>>)
        tpu.yield
      }) : () -> ()
      %dma_start3A = arith.constant 0 : i32
      %dma_start3A_43 = arith.constant 0 : i32
      %dma_start3A_44 = tpu.memref_slice %arg7[%dma_start3A, %dma_start3A_43] : memref<40x128xi32, #tpu.memory_space<vmem>> -> memref<1x128xi32, #tpu.memory_space<vmem>>
      %dma_start3A_45 = tpu.memref_squeeze %dma_start3A_44 : memref<1x128xi32, #tpu.memory_space<vmem>> -> memref<128xi32, #tpu.memory_space<vmem>>
      %dma_start3A_46 = arith.constant 0 : i32
      %dma_start3A_47 = arith.constant 0 : i32
      %dma_start3A_48 = tpu.memref_slice %arg2[%dma_start3A_46, %dma_start3A_47] : memref<40000x16xf32, #tpu.memory_space<hbm>> -> memref<40000x16xf32, #tpu.memory_space<hbm>>
      tpu.enqueue_indirect_dma source(%dma_start3A_48 : memref<40000x16xf32, #tpu.memory_space<hbm>>) target(%arg9 : memref<128x16xf32, #tpu.memory_space<vmem>>) offsets(%dma_start3A_45 : memref<128xi32, #tpu.memory_space<vmem>>) semaphore(%arg11 : memref<!tpu.dma_semaphore, #tpu.memory_space<semaphore_mem>>)
      %sub3A_49 = arith.constant 0 : i32
      %sub3A_50 = arith.subi %min3A_21, %sub3A_49 : i32
      %sub3A_51 = arith.constant 2 : i32
      %sub3A_52 = arith.constant 1 : i32
      %sub3A_53 = arith.subi %sub3A_51, %sub3A_52 : i32
      %add3A_54 = arith.addi %sub3A_50, %sub3A_53 : i32
      %div3A = arith.constant 2 : i32
      %div3A_55 = arith.divsi %add3A_54, %div3A : i32
      %while3A = arith.constant 2 : i32
      %while3A_56 = arith.constant 0 : i32
      %while3A_57 = arith.constant 0 : i32
      %while3A_58 = arith.subi %div3A_55, %while3A_57 : i32
      %while3A_59 = arith.addi %while3A_57, %while3A_58 : i32
      %while3A_60 = arith.constant 1 : i32
      %while3A_61 = arith.divsi %while3A_58, %while3A_60 : i32
      %while3A_62 = arith.muli %while3A_61, %while3A_60 : i32
      %while3A_63 = arith.addi %while3A_57, %while3A_62 : i32
      %while3A_64 = arith.constant 1 : i32
      scf.for %while3A_66 = %while3A_57 to %while3A_63 step %while3A_64  : i32 {
        %mul3A_67 = arith.muli %while3A_66, %while3A : i32
        %add3A_68 = arith.addi %while3A_56, %mul3A_67 : i32
        %add3A_69 = arith.constant 1 : i32
        %add3A_70 = arith.addi %add3A_68, %add3A_69 : i32
        %dma_start3A_71 = arith.constant 0 : i32
        %dma_start3A_72 = tpu.memref_slice %arg7[%add3A_70, %dma_start3A_71] : memref<40x128xi32, #tpu.memory_space<vmem>> -> memref<1x128xi32, #tpu.memory_space<vmem>>
        %dma_start3A_73 = tpu.memref_squeeze %dma_start3A_72 : memref<1x128xi32, #tpu.memory_space<vmem>> -> memref<128xi32, #tpu.memory_space<vmem>>
        %dma_start3A_74 = arith.constant 0 : i32
        %dma_start3A_75 = arith.constant 0 : i32
        %dma_start3A_76 = tpu.memref_slice %arg2[%dma_start3A_74, %dma_start3A_75] : memref<40000x16xf32, #tpu.memory_space<hbm>> -> memref<40000x16xf32, #tpu.memory_space<hbm>>
        tpu.enqueue_indirect_dma source(%dma_start3A_76 : memref<40000x16xf32, #tpu.memory_space<hbm>>) target(%arg10 : memref<128x16xf32, #tpu.memory_space<vmem>>) offsets(%dma_start3A_73 : memref<128xi32, #tpu.memory_space<vmem>>) semaphore(%arg12 : memref<!tpu.dma_semaphore, #tpu.memory_space<semaphore_mem>>)
        %dma_wait3A = arith.constant 0 : i32
        %dma_wait3A_77 = tpu.memref_slice %arg7[%add3A_68, %dma_wait3A] : memref<40x128xi32, #tpu.memory_space<vmem>> -> memref<1x128xi32, #tpu.memory_space<vmem>>
        %dma_wait3A_78 = tpu.memref_squeeze %dma_wait3A_77 : memref<1x128xi32, #tpu.memory_space<vmem>> -> memref<128xi32, #tpu.memory_space<vmem>>
        %dma_wait3A_79 = arith.constant 0 : i32
        %dma_wait3A_80 = arith.constant 0 : i32
        %dma_wait3A_81 = tpu.memref_slice %arg2[%dma_wait3A_79, %dma_wait3A_80] : memref<40000x16xf32, #tpu.memory_space<hbm>> -> memref<40000x16xf32, #tpu.memory_space<hbm>>
        tpu.wait_indirect_dma semaphore(%arg11 : memref<!tpu.dma_semaphore, #tpu.memory_space<semaphore_mem>>) src(%dma_wait3A_81 : memref<40000x16xf32, #tpu.memory_space<hbm>>) dst(%arg9 : memref<128x16xf32, #tpu.memory_space<vmem>>)
        "tpu.region"() ({
          %run_scoped3A = tpu.sem_alloc : memref<!tpu.dma_semaphore, #tpu.memory_space<semaphore_mem>>
          %dma_start3A_97 = arith.constant 0 : i32
          %dma_start3A_98 = tpu.memref_slice %arg8[%add3A_68, %dma_start3A_97] : memref<40x128xi32, #tpu.memory_space<vmem>> -> memref<1x128xi32, #tpu.memory_space<vmem>>
          %dma_start3A_99 = tpu.memref_squeeze %dma_start3A_98 : memref<1x128xi32, #tpu.memory_space<vmem>> -> memref<128xi32, #tpu.memory_space<vmem>>
          %dma_start3A_100 = arith.constant 0 : i32
          %dma_start3A_101 = arith.constant 0 : i32
          %dma_start3A_102 = tpu.memref_slice %arg13[%dma_start3A_100, %dma_start3A_101] : memref<10016x16xf32, #tpu.memory_space<vmem_shared>> -> memref<10016x16xf32, #tpu.memory_space<vmem_shared>>
          tpu.enqueue_indirect_dma source(%arg9 : memref<128x16xf32, #tpu.memory_space<vmem>>) target(%dma_start3A_102 : memref<10016x16xf32, #tpu.memory_space<vmem_shared>>) offsets(%dma_start3A_99 : memref<128xi32, #tpu.memory_space<vmem>>) semaphore(%run_scoped3A : memref<!tpu.dma_semaphore, #tpu.memory_space<semaphore_mem>>) {add = true}
          %dma_wait3A_103 = arith.constant 0 : i32
          %dma_wait3A_104 = tpu.memref_slice %arg8[%add3A_68, %dma_wait3A_103] : memref<40x128xi32, #tpu.memory_space<vmem>> -> memref<1x128xi32, #tpu.memory_space<vmem>>
          %dma_wait3A_105 = tpu.memref_squeeze %dma_wait3A_104 : memref<1x128xi32, #tpu.memory_space<vmem>> -> memref<128xi32, #tpu.memory_space<vmem>>
          %dma_wait3A_106 = arith.constant 0 : i32
          %dma_wait3A_107 = arith.constant 0 : i32
          %dma_wait3A_108 = tpu.memref_slice %arg13[%dma_wait3A_106, %dma_wait3A_107] : memref<10016x16xf32, #tpu.memory_space<vmem_shared>> -> memref<10016x16xf32, #tpu.memory_space<vmem_shared>>
          tpu.wait_indirect_dma semaphore(%run_scoped3A : memref<!tpu.dma_semaphore, #tpu.memory_space<semaphore_mem>>) src(%arg9 : memref<128x16xf32, #tpu.memory_space<vmem>>) dst(%dma_wait3A_108 : memref<10016x16xf32, #tpu.memory_space<vmem_shared>>)
          tpu.yield
        }) : () -> ()
        %add3A_82 = arith.constant 2 : i32
        %add3A_83 = arith.addi %add3A_68, %add3A_82 : i32
        %lt3A = arith.cmpi slt, %add3A_83, %min3A_21 : i32
        %convert_element_type3A_84 = arith.extui %lt3A : i1 to i32
        %cond3A_85 = arith.constant 0 : i32
        %cond3A_86 = arith.cmpi ne, %convert_element_type3A_84, %cond3A_85 : i32
        scf.if %cond3A_86 {
          %add3A_97 = arith.constant 2 : i32
          %add3A_98 = arith.addi %add3A_68, %add3A_97 : i32
          %dma_start3A_99 = arith.constant 0 : i32
          %dma_start3A_100 = tpu.memref_slice %arg7[%add3A_98, %dma_start3A_99] : memref<40x128xi32, #tpu.memory_space<vmem>> -> memref<1x128xi32, #tpu.memory_space<vmem>>
          %dma_start3A_101 = tpu.memref_squeeze %dma_start3A_100 : memref<1x128xi32, #tpu.memory_space<vmem>> -> memref<128xi32, #tpu.memory_space<vmem>>
          %dma_start3A_102 = arith.constant 0 : i32
          %dma_start3A_103 = arith.constant 0 : i32
          %dma_start3A_104 = tpu.memref_slice %arg2[%dma_start3A_102, %dma_start3A_103] : memref<40000x16xf32, #tpu.memory_space<hbm>> -> memref<40000x16xf32, #tpu.memory_space<hbm>>
          tpu.enqueue_indirect_dma source(%dma_start3A_104 : memref<40000x16xf32, #tpu.memory_space<hbm>>) target(%arg9 : memref<128x16xf32, #tpu.memory_space<vmem>>) offsets(%dma_start3A_101 : memref<128xi32, #tpu.memory_space<vmem>>) semaphore(%arg11 : memref<!tpu.dma_semaphore, #tpu.memory_space<semaphore_mem>>)
        } else {
        }
        %add3A_87 = arith.constant 1 : i32
        %add3A_88 = arith.addi %add3A_68, %add3A_87 : i32
        %dma_wait3A_89 = arith.constant 0 : i32
        %dma_wait3A_90 = tpu.memref_slice %arg7[%add3A_88, %dma_wait3A_89] : memref<40x128xi32, #tpu.memory_space<vmem>> -> memref<1x128xi32, #tpu.memory_space<vmem>>
        %dma_wait3A_91 = tpu.memref_squeeze %dma_wait3A_90 : memref<1x128xi32, #tpu.memory_space<vmem>> -> memref<128xi32, #tpu.memory_space<vmem>>
        %dma_wait3A_92 = arith.constant 0 : i32
        %dma_wait3A_93 = arith.constant 0 : i32
        %dma_wait3A_94 = tpu.memref_slice %arg2[%dma_wait3A_92, %dma_wait3A_93] : memref<40000x16xf32, #tpu.memory_space<hbm>> -> memref<40000x16xf32, #tpu.memory_space<hbm>>
        tpu.wait_indirect_dma semaphore(%arg12 : memref<!tpu.dma_semaphore, #tpu.memory_space<semaphore_mem>>) src(%dma_wait3A_94 : memref<40000x16xf32, #tpu.memory_space<hbm>>) dst(%arg10 : memref<128x16xf32, #tpu.memory_space<vmem>>)
        %add3A_95 = arith.constant 1 : i32
        %add3A_96 = arith.addi %add3A_68, %add3A_95 : i32
        "tpu.region"() ({
          %run_scoped3A = tpu.sem_alloc : memref<!tpu.dma_semaphore, #tpu.memory_space<semaphore_mem>>
          %dma_start3A_97 = arith.constant 0 : i32
          %dma_start3A_98 = tpu.memref_slice %arg8[%add3A_96, %dma_start3A_97] : memref<40x128xi32, #tpu.memory_space<vmem>> -> memref<1x128xi32, #tpu.memory_space<vmem>>
          %dma_start3A_99 = tpu.memref_squeeze %dma_start3A_98 : memref<1x128xi32, #tpu.memory_space<vmem>> -> memref<128xi32, #tpu.memory_space<vmem>>
          %dma_start3A_100 = arith.constant 0 : i32
          %dma_start3A_101 = arith.constant 0 : i32
          %dma_start3A_102 = tpu.memref_slice %arg13[%dma_start3A_100, %dma_start3A_101] : memref<10016x16xf32, #tpu.memory_space<vmem_shared>> -> memref<10016x16xf32, #tpu.memory_space<vmem_shared>>
          tpu.enqueue_indirect_dma source(%arg10 : memref<128x16xf32, #tpu.memory_space<vmem>>) target(%dma_start3A_102 : memref<10016x16xf32, #tpu.memory_space<vmem_shared>>) offsets(%dma_start3A_99 : memref<128xi32, #tpu.memory_space<vmem>>) semaphore(%run_scoped3A : memref<!tpu.dma_semaphore, #tpu.memory_space<semaphore_mem>>) {add = true}
          %dma_wait3A_103 = arith.constant 0 : i32
          %dma_wait3A_104 = tpu.memref_slice %arg8[%add3A_96, %dma_wait3A_103] : memref<40x128xi32, #tpu.memory_space<vmem>> -> memref<1x128xi32, #tpu.memory_space<vmem>>
          %dma_wait3A_105 = tpu.memref_squeeze %dma_wait3A_104 : memref<1x128xi32, #tpu.memory_space<vmem>> -> memref<128xi32, #tpu.memory_space<vmem>>
          %dma_wait3A_106 = arith.constant 0 : i32
          %dma_wait3A_107 = arith.constant 0 : i32
          %dma_wait3A_108 = tpu.memref_slice %arg13[%dma_wait3A_106, %dma_wait3A_107] : memref<10016x16xf32, #tpu.memory_space<vmem_shared>> -> memref<10016x16xf32, #tpu.memory_space<vmem_shared>>
          tpu.wait_indirect_dma semaphore(%run_scoped3A : memref<!tpu.dma_semaphore, #tpu.memory_space<semaphore_mem>>) src(%arg10 : memref<128x16xf32, #tpu.memory_space<vmem>>) dst(%dma_wait3A_108 : memref<10016x16xf32, #tpu.memory_space<vmem_shared>>)
          tpu.yield
        }) : () -> ()
      }
      %while3A_65 = arith.constant 1 : i32
      scf.for %while3A_66 = %while3A_63 to %while3A_59 step %while3A_65  : i32 {
        %mul3A_67 = arith.muli %while3A_66, %while3A : i32
        %add3A_68 = arith.addi %while3A_56, %mul3A_67 : i32
        %add3A_69 = arith.constant 1 : i32
        %add3A_70 = arith.addi %add3A_68, %add3A_69 : i32
        %dma_start3A_71 = arith.constant 0 : i32
        %dma_start3A_72 = tpu.memref_slice %arg7[%add3A_70, %dma_start3A_71] : memref<40x128xi32, #tpu.memory_space<vmem>> -> memref<1x128xi32, #tpu.memory_space<vmem>>
        %dma_start3A_73 = tpu.memref_squeeze %dma_start3A_72 : memref<1x128xi32, #tpu.memory_space<vmem>> -> memref<128xi32, #tpu.memory_space<vmem>>
        %dma_start3A_74 = arith.constant 0 : i32
        %dma_start3A_75 = arith.constant 0 : i32
        %dma_start3A_76 = tpu.memref_slice %arg2[%dma_start3A_74, %dma_start3A_75] : memref<40000x16xf32, #tpu.memory_space<hbm>> -> memref<40000x16xf32, #tpu.memory_space<hbm>>
        tpu.enqueue_indirect_dma source(%dma_start3A_76 : memref<40000x16xf32, #tpu.memory_space<hbm>>) target(%arg10 : memref<128x16xf32, #tpu.memory_space<vmem>>) offsets(%dma_start3A_73 : memref<128xi32, #tpu.memory_space<vmem>>) semaphore(%arg12 : memref<!tpu.dma_semaphore, #tpu.memory_space<semaphore_mem>>)
        %dma_wait3A = arith.constant 0 : i32
        %dma_wait3A_77 = tpu.memref_slice %arg7[%add3A_68, %dma_wait3A] : memref<40x128xi32, #tpu.memory_space<vmem>> -> memref<1x128xi32, #tpu.memory_space<vmem>>
        %dma_wait3A_78 = tpu.memref_squeeze %dma_wait3A_77 : memref<1x128xi32, #tpu.memory_space<vmem>> -> memref<128xi32, #tpu.memory_space<vmem>>
        %dma_wait3A_79 = arith.constant 0 : i32
        %dma_wait3A_80 = arith.constant 0 : i32
        %dma_wait3A_81 = tpu.memref_slice %arg2[%dma_wait3A_79, %dma_wait3A_80] : memref<40000x16xf32, #tpu.memory_space<hbm>> -> memref<40000x16xf32, #tpu.memory_space<hbm>>
        tpu.wait_indirect_dma semaphore(%arg11 : memref<!tpu.dma_semaphore, #tpu.memory_space<semaphore_mem>>) src(%dma_wait3A_81 : memref<40000x16xf32, #tpu.memory_space<hbm>>) dst(%arg9 : memref<128x16xf32, #tpu.memory_space<vmem>>)
        "tpu.region"() ({
          %run_scoped3A = tpu.sem_alloc : memref<!tpu.dma_semaphore, #tpu.memory_space<semaphore_mem>>
          %dma_start3A_97 = arith.constant 0 : i32
          %dma_start3A_98 = tpu.memref_slice %arg8[%add3A_68, %dma_start3A_97] : memref<40x128xi32, #tpu.memory_space<vmem>> -> memref<1x128xi32, #tpu.memory_space<vmem>>
          %dma_start3A_99 = tpu.memref_squeeze %dma_start3A_98 : memref<1x128xi32, #tpu.memory_space<vmem>> -> memref<128xi32, #tpu.memory_space<vmem>>
          %dma_start3A_100 = arith.constant 0 : i32
          %dma_start3A_101 = arith.constant 0 : i32
          %dma_start3A_102 = tpu.memref_slice %arg13[%dma_start3A_100, %dma_start3A_101] : memref<10016x16xf32, #tpu.memory_space<vmem_shared>> -> memref<10016x16xf32, #tpu.memory_space<vmem_shared>>
          tpu.enqueue_indirect_dma source(%arg9 : memref<128x16xf32, #tpu.memory_space<vmem>>) target(%dma_start3A_102 : memref<10016x16xf32, #tpu.memory_space<vmem_shared>>) offsets(%dma_start3A_99 : memref<128xi32, #tpu.memory_space<vmem>>) semaphore(%run_scoped3A : memref<!tpu.dma_semaphore, #tpu.memory_space<semaphore_mem>>) {add = true}
          %dma_wait3A_103 = arith.constant 0 : i32
          %dma_wait3A_104 = tpu.memref_slice %arg8[%add3A_68, %dma_wait3A_103] : memref<40x128xi32, #tpu.memory_space<vmem>> -> memref<1x128xi32, #tpu.memory_space<vmem>>
          %dma_wait3A_105 = tpu.memref_squeeze %dma_wait3A_104 : memref<1x128xi32, #tpu.memory_space<vmem>> -> memref<128xi32, #tpu.memory_space<vmem>>
          %dma_wait3A_106 = arith.constant 0 : i32
          %dma_wait3A_107 = arith.constant 0 : i32
          %dma_wait3A_108 = tpu.memref_slice %arg13[%dma_wait3A_106, %dma_wait3A_107] : memref<10016x16xf32, #tpu.memory_space<vmem_shared>> -> memref<10016x16xf32, #tpu.memory_space<vmem_shared>>
          tpu.wait_indirect_dma semaphore(%run_scoped3A : memref<!tpu.dma_semaphore, #tpu.memory_space<semaphore_mem>>) src(%arg9 : memref<128x16xf32, #tpu.memory_space<vmem>>) dst(%dma_wait3A_108 : memref<10016x16xf32, #tpu.memory_space<vmem_shared>>)
          tpu.yield
        }) : () -> ()
        %add3A_82 = arith.constant 2 : i32
        %add3A_83 = arith.addi %add3A_68, %add3A_82 : i32
        %lt3A = arith.cmpi slt, %add3A_83, %min3A_21 : i32
        %convert_element_type3A_84 = arith.extui %lt3A : i1 to i32
        %cond3A_85 = arith.constant 0 : i32
        %cond3A_86 = arith.cmpi ne, %convert_element_type3A_84, %cond3A_85 : i32
        scf.if %cond3A_86 {
          %add3A_97 = arith.constant 2 : i32
          %add3A_98 = arith.addi %add3A_68, %add3A_97 : i32
          %dma_start3A_99 = arith.constant 0 : i32
          %dma_start3A_100 = tpu.memref_slice %arg7[%add3A_98, %dma_start3A_99] : memref<40x128xi32, #tpu.memory_space<vmem>> -> memref<1x128xi32, #tpu.memory_space<vmem>>
          %dma_start3A_101 = tpu.memref_squeeze %dma_start3A_100 : memref<1x128xi32, #tpu.memory_space<vmem>> -> memref<128xi32, #tpu.memory_space<vmem>>
          %dma_start3A_102 = arith.constant 0 : i32
          %dma_start3A_103 = arith.constant 0 : i32
          %dma_start3A_104 = tpu.memref_slice %arg2[%dma_start3A_102, %dma_start3A_103] : memref<40000x16xf32, #tpu.memory_space<hbm>> -> memref<40000x16xf32, #tpu.memory_space<hbm>>
          tpu.enqueue_indirect_dma source(%dma_start3A_104 : memref<40000x16xf32, #tpu.memory_space<hbm>>) target(%arg9 : memref<128x16xf32, #tpu.memory_space<vmem>>) offsets(%dma_start3A_101 : memref<128xi32, #tpu.memory_space<vmem>>) semaphore(%arg11 : memref<!tpu.dma_semaphore, #tpu.memory_space<semaphore_mem>>)
        } else {
        }
        %add3A_87 = arith.constant 1 : i32
        %add3A_88 = arith.addi %add3A_68, %add3A_87 : i32
        %dma_wait3A_89 = arith.constant 0 : i32
        %dma_wait3A_90 = tpu.memref_slice %arg7[%add3A_88, %dma_wait3A_89] : memref<40x128xi32, #tpu.memory_space<vmem>> -> memref<1x128xi32, #tpu.memory_space<vmem>>
        %dma_wait3A_91 = tpu.memref_squeeze %dma_wait3A_90 : memref<1x128xi32, #tpu.memory_space<vmem>> -> memref<128xi32, #tpu.memory_space<vmem>>
        %dma_wait3A_92 = arith.constant 0 : i32
        %dma_wait3A_93 = arith.constant 0 : i32
        %dma_wait3A_94 = tpu.memref_slice %arg2[%dma_wait3A_92, %dma_wait3A_93] : memref<40000x16xf32, #tpu.memory_space<hbm>> -> memref<40000x16xf32, #tpu.memory_space<hbm>>
        tpu.wait_indirect_dma semaphore(%arg12 : memref<!tpu.dma_semaphore, #tpu.memory_space<semaphore_mem>>) src(%dma_wait3A_94 : memref<40000x16xf32, #tpu.memory_space<hbm>>) dst(%arg10 : memref<128x16xf32, #tpu.memory_space<vmem>>)
        %add3A_95 = arith.constant 1 : i32
        %add3A_96 = arith.addi %add3A_68, %add3A_95 : i32
        "tpu.region"() ({
          %run_scoped3A = tpu.sem_alloc : memref<!tpu.dma_semaphore, #tpu.memory_space<semaphore_mem>>
          %dma_start3A_97 = arith.constant 0 : i32
          %dma_start3A_98 = tpu.memref_slice %arg8[%add3A_96, %dma_start3A_97] : memref<40x128xi32, #tpu.memory_space<vmem>> -> memref<1x128xi32, #tpu.memory_space<vmem>>
          %dma_start3A_99 = tpu.memref_squeeze %dma_start3A_98 : memref<1x128xi32, #tpu.memory_space<vmem>> -> memref<128xi32, #tpu.memory_space<vmem>>
          %dma_start3A_100 = arith.constant 0 : i32
          %dma_start3A_101 = arith.constant 0 : i32
          %dma_start3A_102 = tpu.memref_slice %arg13[%dma_start3A_100, %dma_start3A_101] : memref<10016x16xf32, #tpu.memory_space<vmem_shared>> -> memref<10016x16xf32, #tpu.memory_space<vmem_shared>>
          tpu.enqueue_indirect_dma source(%arg10 : memref<128x16xf32, #tpu.memory_space<vmem>>) target(%dma_start3A_102 : memref<10016x16xf32, #tpu.memory_space<vmem_shared>>) offsets(%dma_start3A_99 : memref<128xi32, #tpu.memory_space<vmem>>) semaphore(%run_scoped3A : memref<!tpu.dma_semaphore, #tpu.memory_space<semaphore_mem>>) {add = true}
          %dma_wait3A_103 = arith.constant 0 : i32
          %dma_wait3A_104 = tpu.memref_slice %arg8[%add3A_96, %dma_wait3A_103] : memref<40x128xi32, #tpu.memory_space<vmem>> -> memref<1x128xi32, #tpu.memory_space<vmem>>
          %dma_wait3A_105 = tpu.memref_squeeze %dma_wait3A_104 : memref<1x128xi32, #tpu.memory_space<vmem>> -> memref<128xi32, #tpu.memory_space<vmem>>
          %dma_wait3A_106 = arith.constant 0 : i32
          %dma_wait3A_107 = arith.constant 0 : i32
          %dma_wait3A_108 = tpu.memref_slice %arg13[%dma_wait3A_106, %dma_wait3A_107] : memref<10016x16xf32, #tpu.memory_space<vmem_shared>> -> memref<10016x16xf32, #tpu.memory_space<vmem_shared>>
          tpu.wait_indirect_dma semaphore(%run_scoped3A : memref<!tpu.dma_semaphore, #tpu.memory_space<semaphore_mem>>) src(%arg10 : memref<128x16xf32, #tpu.memory_space<vmem>>) dst(%dma_wait3A_108 : memref<10016x16xf32, #tpu.memory_space<vmem_shared>>)
          tpu.yield
        }) : () -> ()
      }
    } else {
    }
    %sub3A_27 = arith.constant 80 : i32
    %sub3A_28 = arith.subi %select_n3A, %sub3A_27 : i32
    %jit3A_29 = arith.constant 0 : i32
    %jit3A_30 = arith.constant 40 : i32
    %max3A_31 = arith.maxsi %jit3A_29, %sub3A_28 : i32
    %min3A_32 = arith.minsi %jit3A_30, %max3A_31 : i32
    %gt3A_33 = arith.constant 0 : i32
    %gt3A_34 = arith.cmpi sgt, %min3A_32, %gt3A_33 : i32
    %convert_element_type3A_35 = arith.extui %gt3A_34 : i1 to i32
    %cond3A_36 = arith.constant 0 : i32
    %cond3A_37 = arith.cmpi ne, %convert_element_type3A_35, %cond3A_36 : i32
    scf.if %cond3A_37 {
      %add3A_39 = arith.constant 80 : i32
      %add3A_40 = arith.addi %select_n3A_8, %add3A_39 : i32
      "tpu.region"() ({
        %run_scoped3A = tpu.sem_alloc : memref<!tpu.dma_semaphore, #tpu.memory_space<semaphore_mem>>
        %dma_start3A_66 = arith.constant 0 : i32
        %dma_start3A_67 = tpu.memref_slice %arg3[%add3A_40, %dma_start3A_66] : memref<2568x128xi32, #tpu.memory_space<hbm>> -> memref<40x128xi32, #tpu.memory_space<hbm>>
        %dma_start3A_68 = arith.constant 0 : i32
        %dma_start3A_69 = tpu.memref_slice %arg3[%add3A_40, %dma_start3A_68] : memref<2568x128xi32, #tpu.memory_space<hbm>> -> memref<40x128xi32, #tpu.memory_space<hbm>>
        tpu.enqueue_dma source(%dma_start3A_69 : memref<40x128xi32, #tpu.memory_space<hbm>>) target(%arg7 : memref<40x128xi32, #tpu.memory_space<vmem>>) target_semaphore(%run_scoped3A : memref<!tpu.dma_semaphore, #tpu.memory_space<semaphore_mem>>)
        %dma_wait3A = arith.constant 0 : i32
        %dma_wait3A_70 = tpu.memref_slice %arg3[%add3A_40, %dma_wait3A] : memref<2568x128xi32, #tpu.memory_space<hbm>> -> memref<40x128xi32, #tpu.memory_space<hbm>>
        %dma_wait3A_71 = arith.constant 0 : i32
        %dma_wait3A_72 = tpu.memref_slice %arg3[%add3A_40, %dma_wait3A_71] : memref<2568x128xi32, #tpu.memory_space<hbm>> -> memref<40x128xi32, #tpu.memory_space<hbm>>
        tpu.wait_dma2 semaphore(%run_scoped3A : memref<!tpu.dma_semaphore, #tpu.memory_space<semaphore_mem>>) src(%dma_wait3A_72 : memref<40x128xi32, #tpu.memory_space<hbm>>) dst(%arg7 : memref<40x128xi32, #tpu.memory_space<vmem>>)
        tpu.yield
      }) : () -> ()
      %add3A_41 = arith.constant 80 : i32
      %add3A_42 = arith.addi %select_n3A_8, %add3A_41 : i32
      "tpu.region"() ({
        %run_scoped3A = tpu.sem_alloc : memref<!tpu.dma_semaphore, #tpu.memory_space<semaphore_mem>>
        %dma_start3A_66 = arith.constant 0 : i32
        %dma_start3A_67 = tpu.memref_slice %arg4[%add3A_42, %dma_start3A_66] : memref<2568x128xi32, #tpu.memory_space<hbm>> -> memref<40x128xi32, #tpu.memory_space<hbm>>
        %dma_start3A_68 = arith.constant 0 : i32
        %dma_start3A_69 = tpu.memref_slice %arg4[%add3A_42, %dma_start3A_68] : memref<2568x128xi32, #tpu.memory_space<hbm>> -> memref<40x128xi32, #tpu.memory_space<hbm>>
        tpu.enqueue_dma source(%dma_start3A_69 : memref<40x128xi32, #tpu.memory_space<hbm>>) target(%arg8 : memref<40x128xi32, #tpu.memory_space<vmem>>) target_semaphore(%run_scoped3A : memref<!tpu.dma_semaphore, #tpu.memory_space<semaphore_mem>>)
        %dma_wait3A = arith.constant 0 : i32
        %dma_wait3A_70 = tpu.memref_slice %arg4[%add3A_42, %dma_wait3A] : memref<2568x128xi32, #tpu.memory_space<hbm>> -> memref<40x128xi32, #tpu.memory_space<hbm>>
        %dma_wait3A_71 = arith.constant 0 : i32
        %dma_wait3A_72 = tpu.memref_slice %arg4[%add3A_42, %dma_wait3A_71] : memref<2568x128xi32, #tpu.memory_space<hbm>> -> memref<40x128xi32, #tpu.memory_space<hbm>>
        tpu.wait_dma2 semaphore(%run_scoped3A : memref<!tpu.dma_semaphore, #tpu.memory_space<semaphore_mem>>) src(%dma_wait3A_72 : memref<40x128xi32, #tpu.memory_space<hbm>>) dst(%arg8 : memref<40x128xi32, #tpu.memory_space<vmem>>)
        tpu.yield
      }) : () -> ()
      %dma_start3A = arith.constant 0 : i32
      %dma_start3A_43 = arith.constant 0 : i32
      %dma_start3A_44 = tpu.memref_slice %arg7[%dma_start3A, %dma_start3A_43] : memref<40x128xi32, #tpu.memory_space<vmem>> -> memref<1x128xi32, #tpu.memory_space<vmem>>
      %dma_start3A_45 = tpu.memref_squeeze %dma_start3A_44 : memref<1x128xi32, #tpu.memory_space<vmem>> -> memref<128xi32, #tpu.memory_space<vmem>>
      %dma_start3A_46 = arith.constant 0 : i32
      %dma_start3A_47 = arith.constant 0 : i32
      %dma_start3A_48 = tpu.memref_slice %arg2[%dma_start3A_46, %dma_start3A_47] : memref<40000x16xf32, #tpu.memory_space<hbm>> -> memref<40000x16xf32, #tpu.memory_space<hbm>>
      tpu.enqueue_indirect_dma source(%dma_start3A_48 : memref<40000x16xf32, #tpu.memory_space<hbm>>) target(%arg9 : memref<128x16xf32, #tpu.memory_space<vmem>>) offsets(%dma_start3A_45 : memref<128xi32, #tpu.memory_space<vmem>>) semaphore(%arg11 : memref<!tpu.dma_semaphore, #tpu.memory_space<semaphore_mem>>)
      %sub3A_49 = arith.constant 0 : i32
      %sub3A_50 = arith.subi %min3A_32, %sub3A_49 : i32
      %sub3A_51 = arith.constant 2 : i32
      %sub3A_52 = arith.constant 1 : i32
      %sub3A_53 = arith.subi %sub3A_51, %sub3A_52 : i32
      %add3A_54 = arith.addi %sub3A_50, %sub3A_53 : i32
      %div3A = arith.constant 2 : i32
      %div3A_55 = arith.divsi %add3A_54, %div3A : i32
      %while3A = arith.constant 2 : i32
      %while3A_56 = arith.constant 0 : i32
      %while3A_57 = arith.constant 0 : i32
      %while3A_58 = arith.subi %div3A_55, %while3A_57 : i32
      %while3A_59 = arith.addi %while3A_57, %while3A_58 : i32
      %while3A_60 = arith.constant 1 : i32
      %while3A_61 = arith.divsi %while3A_58, %while3A_60 : i32
      %while3A_62 = arith.muli %while3A_61, %while3A_60 : i32
      %while3A_63 = arith.addi %while3A_57, %while3A_62 : i32
      %while3A_64 = arith.constant 1 : i32
      scf.for %while3A_66 = %while3A_57 to %while3A_63 step %while3A_64  : i32 {
        %mul3A_67 = arith.muli %while3A_66, %while3A : i32
        %add3A_68 = arith.addi %while3A_56, %mul3A_67 : i32
        %add3A_69 = arith.constant 1 : i32
        %add3A_70 = arith.addi %add3A_68, %add3A_69 : i32
        %dma_start3A_71 = arith.constant 0 : i32
        %dma_start3A_72 = tpu.memref_slice %arg7[%add3A_70, %dma_start3A_71] : memref<40x128xi32, #tpu.memory_space<vmem>> -> memref<1x128xi32, #tpu.memory_space<vmem>>
        %dma_start3A_73 = tpu.memref_squeeze %dma_start3A_72 : memref<1x128xi32, #tpu.memory_space<vmem>> -> memref<128xi32, #tpu.memory_space<vmem>>
        %dma_start3A_74 = arith.constant 0 : i32
        %dma_start3A_75 = arith.constant 0 : i32
        %dma_start3A_76 = tpu.memref_slice %arg2[%dma_start3A_74, %dma_start3A_75] : memref<40000x16xf32, #tpu.memory_space<hbm>> -> memref<40000x16xf32, #tpu.memory_space<hbm>>
        tpu.enqueue_indirect_dma source(%dma_start3A_76 : memref<40000x16xf32, #tpu.memory_space<hbm>>) target(%arg10 : memref<128x16xf32, #tpu.memory_space<vmem>>) offsets(%dma_start3A_73 : memref<128xi32, #tpu.memory_space<vmem>>) semaphore(%arg12 : memref<!tpu.dma_semaphore, #tpu.memory_space<semaphore_mem>>)
        %dma_wait3A = arith.constant 0 : i32
        %dma_wait3A_77 = tpu.memref_slice %arg7[%add3A_68, %dma_wait3A] : memref<40x128xi32, #tpu.memory_space<vmem>> -> memref<1x128xi32, #tpu.memory_space<vmem>>
        %dma_wait3A_78 = tpu.memref_squeeze %dma_wait3A_77 : memref<1x128xi32, #tpu.memory_space<vmem>> -> memref<128xi32, #tpu.memory_space<vmem>>
        %dma_wait3A_79 = arith.constant 0 : i32
        %dma_wait3A_80 = arith.constant 0 : i32
        %dma_wait3A_81 = tpu.memref_slice %arg2[%dma_wait3A_79, %dma_wait3A_80] : memref<40000x16xf32, #tpu.memory_space<hbm>> -> memref<40000x16xf32, #tpu.memory_space<hbm>>
        tpu.wait_indirect_dma semaphore(%arg11 : memref<!tpu.dma_semaphore, #tpu.memory_space<semaphore_mem>>) src(%dma_wait3A_81 : memref<40000x16xf32, #tpu.memory_space<hbm>>) dst(%arg9 : memref<128x16xf32, #tpu.memory_space<vmem>>)
        "tpu.region"() ({
          %run_scoped3A = tpu.sem_alloc : memref<!tpu.dma_semaphore, #tpu.memory_space<semaphore_mem>>
          %dma_start3A_97 = arith.constant 0 : i32
          %dma_start3A_98 = tpu.memref_slice %arg8[%add3A_68, %dma_start3A_97] : memref<40x128xi32, #tpu.memory_space<vmem>> -> memref<1x128xi32, #tpu.memory_space<vmem>>
          %dma_start3A_99 = tpu.memref_squeeze %dma_start3A_98 : memref<1x128xi32, #tpu.memory_space<vmem>> -> memref<128xi32, #tpu.memory_space<vmem>>
          %dma_start3A_100 = arith.constant 0 : i32
          %dma_start3A_101 = arith.constant 0 : i32
          %dma_start3A_102 = tpu.memref_slice %arg13[%dma_start3A_100, %dma_start3A_101] : memref<10016x16xf32, #tpu.memory_space<vmem_shared>> -> memref<10016x16xf32, #tpu.memory_space<vmem_shared>>
          tpu.enqueue_indirect_dma source(%arg9 : memref<128x16xf32, #tpu.memory_space<vmem>>) target(%dma_start3A_102 : memref<10016x16xf32, #tpu.memory_space<vmem_shared>>) offsets(%dma_start3A_99 : memref<128xi32, #tpu.memory_space<vmem>>) semaphore(%run_scoped3A : memref<!tpu.dma_semaphore, #tpu.memory_space<semaphore_mem>>) {add = true}
          %dma_wait3A_103 = arith.constant 0 : i32
          %dma_wait3A_104 = tpu.memref_slice %arg8[%add3A_68, %dma_wait3A_103] : memref<40x128xi32, #tpu.memory_space<vmem>> -> memref<1x128xi32, #tpu.memory_space<vmem>>
          %dma_wait3A_105 = tpu.memref_squeeze %dma_wait3A_104 : memref<1x128xi32, #tpu.memory_space<vmem>> -> memref<128xi32, #tpu.memory_space<vmem>>
          %dma_wait3A_106 = arith.constant 0 : i32
          %dma_wait3A_107 = arith.constant 0 : i32
          %dma_wait3A_108 = tpu.memref_slice %arg13[%dma_wait3A_106, %dma_wait3A_107] : memref<10016x16xf32, #tpu.memory_space<vmem_shared>> -> memref<10016x16xf32, #tpu.memory_space<vmem_shared>>
          tpu.wait_indirect_dma semaphore(%run_scoped3A : memref<!tpu.dma_semaphore, #tpu.memory_space<semaphore_mem>>) src(%arg9 : memref<128x16xf32, #tpu.memory_space<vmem>>) dst(%dma_wait3A_108 : memref<10016x16xf32, #tpu.memory_space<vmem_shared>>)
          tpu.yield
        }) : () -> ()
        %add3A_82 = arith.constant 2 : i32
        %add3A_83 = arith.addi %add3A_68, %add3A_82 : i32
        %lt3A = arith.cmpi slt, %add3A_83, %min3A_32 : i32
        %convert_element_type3A_84 = arith.extui %lt3A : i1 to i32
        %cond3A_85 = arith.constant 0 : i32
        %cond3A_86 = arith.cmpi ne, %convert_element_type3A_84, %cond3A_85 : i32
        scf.if %cond3A_86 {
          %add3A_97 = arith.constant 2 : i32
          %add3A_98 = arith.addi %add3A_68, %add3A_97 : i32
          %dma_start3A_99 = arith.constant 0 : i32
          %dma_start3A_100 = tpu.memref_slice %arg7[%add3A_98, %dma_start3A_99] : memref<40x128xi32, #tpu.memory_space<vmem>> -> memref<1x128xi32, #tpu.memory_space<vmem>>
          %dma_start3A_101 = tpu.memref_squeeze %dma_start3A_100 : memref<1x128xi32, #tpu.memory_space<vmem>> -> memref<128xi32, #tpu.memory_space<vmem>>
          %dma_start3A_102 = arith.constant 0 : i32
          %dma_start3A_103 = arith.constant 0 : i32
          %dma_start3A_104 = tpu.memref_slice %arg2[%dma_start3A_102, %dma_start3A_103] : memref<40000x16xf32, #tpu.memory_space<hbm>> -> memref<40000x16xf32, #tpu.memory_space<hbm>>
          tpu.enqueue_indirect_dma source(%dma_start3A_104 : memref<40000x16xf32, #tpu.memory_space<hbm>>) target(%arg9 : memref<128x16xf32, #tpu.memory_space<vmem>>) offsets(%dma_start3A_101 : memref<128xi32, #tpu.memory_space<vmem>>) semaphore(%arg11 : memref<!tpu.dma_semaphore, #tpu.memory_space<semaphore_mem>>)
        } else {
        }
        %add3A_87 = arith.constant 1 : i32
        %add3A_88 = arith.addi %add3A_68, %add3A_87 : i32
        %dma_wait3A_89 = arith.constant 0 : i32
        %dma_wait3A_90 = tpu.memref_slice %arg7[%add3A_88, %dma_wait3A_89] : memref<40x128xi32, #tpu.memory_space<vmem>> -> memref<1x128xi32, #tpu.memory_space<vmem>>
        %dma_wait3A_91 = tpu.memref_squeeze %dma_wait3A_90 : memref<1x128xi32, #tpu.memory_space<vmem>> -> memref<128xi32, #tpu.memory_space<vmem>>
        %dma_wait3A_92 = arith.constant 0 : i32
        %dma_wait3A_93 = arith.constant 0 : i32
        %dma_wait3A_94 = tpu.memref_slice %arg2[%dma_wait3A_92, %dma_wait3A_93] : memref<40000x16xf32, #tpu.memory_space<hbm>> -> memref<40000x16xf32, #tpu.memory_space<hbm>>
        tpu.wait_indirect_dma semaphore(%arg12 : memref<!tpu.dma_semaphore, #tpu.memory_space<semaphore_mem>>) src(%dma_wait3A_94 : memref<40000x16xf32, #tpu.memory_space<hbm>>) dst(%arg10 : memref<128x16xf32, #tpu.memory_space<vmem>>)
        %add3A_95 = arith.constant 1 : i32
        %add3A_96 = arith.addi %add3A_68, %add3A_95 : i32
        "tpu.region"() ({
          %run_scoped3A = tpu.sem_alloc : memref<!tpu.dma_semaphore, #tpu.memory_space<semaphore_mem>>
          %dma_start3A_97 = arith.constant 0 : i32
          %dma_start3A_98 = tpu.memref_slice %arg8[%add3A_96, %dma_start3A_97] : memref<40x128xi32, #tpu.memory_space<vmem>> -> memref<1x128xi32, #tpu.memory_space<vmem>>
          %dma_start3A_99 = tpu.memref_squeeze %dma_start3A_98 : memref<1x128xi32, #tpu.memory_space<vmem>> -> memref<128xi32, #tpu.memory_space<vmem>>
          %dma_start3A_100 = arith.constant 0 : i32
          %dma_start3A_101 = arith.constant 0 : i32
          %dma_start3A_102 = tpu.memref_slice %arg13[%dma_start3A_100, %dma_start3A_101] : memref<10016x16xf32, #tpu.memory_space<vmem_shared>> -> memref<10016x16xf32, #tpu.memory_space<vmem_shared>>
          tpu.enqueue_indirect_dma source(%arg10 : memref<128x16xf32, #tpu.memory_space<vmem>>) target(%dma_start3A_102 : memref<10016x16xf32, #tpu.memory_space<vmem_shared>>) offsets(%dma_start3A_99 : memref<128xi32, #tpu.memory_space<vmem>>) semaphore(%run_scoped3A : memref<!tpu.dma_semaphore, #tpu.memory_space<semaphore_mem>>) {add = true}
          %dma_wait3A_103 = arith.constant 0 : i32
          %dma_wait3A_104 = tpu.memref_slice %arg8[%add3A_96, %dma_wait3A_103] : memref<40x128xi32, #tpu.memory_space<vmem>> -> memref<1x128xi32, #tpu.memory_space<vmem>>
          %dma_wait3A_105 = tpu.memref_squeeze %dma_wait3A_104 : memref<1x128xi32, #tpu.memory_space<vmem>> -> memref<128xi32, #tpu.memory_space<vmem>>
          %dma_wait3A_106 = arith.constant 0 : i32
          %dma_wait3A_107 = arith.constant 0 : i32
          %dma_wait3A_108 = tpu.memref_slice %arg13[%dma_wait3A_106, %dma_wait3A_107] : memref<10016x16xf32, #tpu.memory_space<vmem_shared>> -> memref<10016x16xf32, #tpu.memory_space<vmem_shared>>
          tpu.wait_indirect_dma semaphore(%run_scoped3A : memref<!tpu.dma_semaphore, #tpu.memory_space<semaphore_mem>>) src(%arg10 : memref<128x16xf32, #tpu.memory_space<vmem>>) dst(%dma_wait3A_108 : memref<10016x16xf32, #tpu.memory_space<vmem_shared>>)
          tpu.yield
        }) : () -> ()
      }
      %while3A_65 = arith.constant 1 : i32
      scf.for %while3A_66 = %while3A_63 to %while3A_59 step %while3A_65  : i32 {
        %mul3A_67 = arith.muli %while3A_66, %while3A : i32
        %add3A_68 = arith.addi %while3A_56, %mul3A_67 : i32
        %add3A_69 = arith.constant 1 : i32
        %add3A_70 = arith.addi %add3A_68, %add3A_69 : i32
        %dma_start3A_71 = arith.constant 0 : i32
        %dma_start3A_72 = tpu.memref_slice %arg7[%add3A_70, %dma_start3A_71] : memref<40x128xi32, #tpu.memory_space<vmem>> -> memref<1x128xi32, #tpu.memory_space<vmem>>
        %dma_start3A_73 = tpu.memref_squeeze %dma_start3A_72 : memref<1x128xi32, #tpu.memory_space<vmem>> -> memref<128xi32, #tpu.memory_space<vmem>>
        %dma_start3A_74 = arith.constant 0 : i32
        %dma_start3A_75 = arith.constant 0 : i32
        %dma_start3A_76 = tpu.memref_slice %arg2[%dma_start3A_74, %dma_start3A_75] : memref<40000x16xf32, #tpu.memory_space<hbm>> -> memref<40000x16xf32, #tpu.memory_space<hbm>>
        tpu.enqueue_indirect_dma source(%dma_start3A_76 : memref<40000x16xf32, #tpu.memory_space<hbm>>) target(%arg10 : memref<128x16xf32, #tpu.memory_space<vmem>>) offsets(%dma_start3A_73 : memref<128xi32, #tpu.memory_space<vmem>>) semaphore(%arg12 : memref<!tpu.dma_semaphore, #tpu.memory_space<semaphore_mem>>)
        %dma_wait3A = arith.constant 0 : i32
        %dma_wait3A_77 = tpu.memref_slice %arg7[%add3A_68, %dma_wait3A] : memref<40x128xi32, #tpu.memory_space<vmem>> -> memref<1x128xi32, #tpu.memory_space<vmem>>
        %dma_wait3A_78 = tpu.memref_squeeze %dma_wait3A_77 : memref<1x128xi32, #tpu.memory_space<vmem>> -> memref<128xi32, #tpu.memory_space<vmem>>
        %dma_wait3A_79 = arith.constant 0 : i32
        %dma_wait3A_80 = arith.constant 0 : i32
        %dma_wait3A_81 = tpu.memref_slice %arg2[%dma_wait3A_79, %dma_wait3A_80] : memref<40000x16xf32, #tpu.memory_space<hbm>> -> memref<40000x16xf32, #tpu.memory_space<hbm>>
        tpu.wait_indirect_dma semaphore(%arg11 : memref<!tpu.dma_semaphore, #tpu.memory_space<semaphore_mem>>) src(%dma_wait3A_81 : memref<40000x16xf32, #tpu.memory_space<hbm>>) dst(%arg9 : memref<128x16xf32, #tpu.memory_space<vmem>>)
        "tpu.region"() ({
          %run_scoped3A = tpu.sem_alloc : memref<!tpu.dma_semaphore, #tpu.memory_space<semaphore_mem>>
          %dma_start3A_97 = arith.constant 0 : i32
          %dma_start3A_98 = tpu.memref_slice %arg8[%add3A_68, %dma_start3A_97] : memref<40x128xi32, #tpu.memory_space<vmem>> -> memref<1x128xi32, #tpu.memory_space<vmem>>
          %dma_start3A_99 = tpu.memref_squeeze %dma_start3A_98 : memref<1x128xi32, #tpu.memory_space<vmem>> -> memref<128xi32, #tpu.memory_space<vmem>>
          %dma_start3A_100 = arith.constant 0 : i32
          %dma_start3A_101 = arith.constant 0 : i32
          %dma_start3A_102 = tpu.memref_slice %arg13[%dma_start3A_100, %dma_start3A_101] : memref<10016x16xf32, #tpu.memory_space<vmem_shared>> -> memref<10016x16xf32, #tpu.memory_space<vmem_shared>>
          tpu.enqueue_indirect_dma source(%arg9 : memref<128x16xf32, #tpu.memory_space<vmem>>) target(%dma_start3A_102 : memref<10016x16xf32, #tpu.memory_space<vmem_shared>>) offsets(%dma_start3A_99 : memref<128xi32, #tpu.memory_space<vmem>>) semaphore(%run_scoped3A : memref<!tpu.dma_semaphore, #tpu.memory_space<semaphore_mem>>) {add = true}
          %dma_wait3A_103 = arith.constant 0 : i32
          %dma_wait3A_104 = tpu.memref_slice %arg8[%add3A_68, %dma_wait3A_103] : memref<40x128xi32, #tpu.memory_space<vmem>> -> memref<1x128xi32, #tpu.memory_space<vmem>>
          %dma_wait3A_105 = tpu.memref_squeeze %dma_wait3A_104 : memref<1x128xi32, #tpu.memory_space<vmem>> -> memref<128xi32, #tpu.memory_space<vmem>>
          %dma_wait3A_106 = arith.constant 0 : i32
          %dma_wait3A_107 = arith.constant 0 : i32
          %dma_wait3A_108 = tpu.memref_slice %arg13[%dma_wait3A_106, %dma_wait3A_107] : memref<10016x16xf32, #tpu.memory_space<vmem_shared>> -> memref<10016x16xf32, #tpu.memory_space<vmem_shared>>
          tpu.wait_indirect_dma semaphore(%run_scoped3A : memref<!tpu.dma_semaphore, #tpu.memory_space<semaphore_mem>>) src(%arg9 : memref<128x16xf32, #tpu.memory_space<vmem>>) dst(%dma_wait3A_108 : memref<10016x16xf32, #tpu.memory_space<vmem_shared>>)
          tpu.yield
        }) : () -> ()
        %add3A_82 = arith.constant 2 : i32
        %add3A_83 = arith.addi %add3A_68, %add3A_82 : i32
        %lt3A = arith.cmpi slt, %add3A_83, %min3A_32 : i32
        %convert_element_type3A_84 = arith.extui %lt3A : i1 to i32
        %cond3A_85 = arith.constant 0 : i32
        %cond3A_86 = arith.cmpi ne, %convert_element_type3A_84, %cond3A_85 : i32
        scf.if %cond3A_86 {
          %add3A_97 = arith.constant 2 : i32
          %add3A_98 = arith.addi %add3A_68, %add3A_97 : i32
          %dma_start3A_99 = arith.constant 0 : i32
          %dma_start3A_100 = tpu.memref_slice %arg7[%add3A_98, %dma_start3A_99] : memref<40x128xi32, #tpu.memory_space<vmem>> -> memref<1x128xi32, #tpu.memory_space<vmem>>
          %dma_start3A_101 = tpu.memref_squeeze %dma_start3A_100 : memref<1x128xi32, #tpu.memory_space<vmem>> -> memref<128xi32, #tpu.memory_space<vmem>>
          %dma_start3A_102 = arith.constant 0 : i32
          %dma_start3A_103 = arith.constant 0 : i32
          %dma_start3A_104 = tpu.memref_slice %arg2[%dma_start3A_102, %dma_start3A_103] : memref<40000x16xf32, #tpu.memory_space<hbm>> -> memref<40000x16xf32, #tpu.memory_space<hbm>>
          tpu.enqueue_indirect_dma source(%dma_start3A_104 : memref<40000x16xf32, #tpu.memory_space<hbm>>) target(%arg9 : memref<128x16xf32, #tpu.memory_space<vmem>>) offsets(%dma_start3A_101 : memref<128xi32, #tpu.memory_space<vmem>>) semaphore(%arg11 : memref<!tpu.dma_semaphore, #tpu.memory_space<semaphore_mem>>)
        } else {
        }
        %add3A_87 = arith.constant 1 : i32
        %add3A_88 = arith.addi %add3A_68, %add3A_87 : i32
        %dma_wait3A_89 = arith.constant 0 : i32
        %dma_wait3A_90 = tpu.memref_slice %arg7[%add3A_88, %dma_wait3A_89] : memref<40x128xi32, #tpu.memory_space<vmem>> -> memref<1x128xi32, #tpu.memory_space<vmem>>
        %dma_wait3A_91 = tpu.memref_squeeze %dma_wait3A_90 : memref<1x128xi32, #tpu.memory_space<vmem>> -> memref<128xi32, #tpu.memory_space<vmem>>
        %dma_wait3A_92 = arith.constant 0 : i32
        %dma_wait3A_93 = arith.constant 0 : i32
        %dma_wait3A_94 = tpu.memref_slice %arg2[%dma_wait3A_92, %dma_wait3A_93] : memref<40000x16xf32, #tpu.memory_space<hbm>> -> memref<40000x16xf32, #tpu.memory_space<hbm>>
        tpu.wait_indirect_dma semaphore(%arg12 : memref<!tpu.dma_semaphore, #tpu.memory_space<semaphore_mem>>) src(%dma_wait3A_94 : memref<40000x16xf32, #tpu.memory_space<hbm>>) dst(%arg10 : memref<128x16xf32, #tpu.memory_space<vmem>>)
        %add3A_95 = arith.constant 1 : i32
        %add3A_96 = arith.addi %add3A_68, %add3A_95 : i32
        "tpu.region"() ({
          %run_scoped3A = tpu.sem_alloc : memref<!tpu.dma_semaphore, #tpu.memory_space<semaphore_mem>>
          %dma_start3A_97 = arith.constant 0 : i32
          %dma_start3A_98 = tpu.memref_slice %arg8[%add3A_96, %dma_start3A_97] : memref<40x128xi32, #tpu.memory_space<vmem>> -> memref<1x128xi32, #tpu.memory_space<vmem>>
          %dma_start3A_99 = tpu.memref_squeeze %dma_start3A_98 : memref<1x128xi32, #tpu.memory_space<vmem>> -> memref<128xi32, #tpu.memory_space<vmem>>
          %dma_start3A_100 = arith.constant 0 : i32
          %dma_start3A_101 = arith.constant 0 : i32
          %dma_start3A_102 = tpu.memref_slice %arg13[%dma_start3A_100, %dma_start3A_101] : memref<10016x16xf32, #tpu.memory_space<vmem_shared>> -> memref<10016x16xf32, #tpu.memory_space<vmem_shared>>
          tpu.enqueue_indirect_dma source(%arg10 : memref<128x16xf32, #tpu.memory_space<vmem>>) target(%dma_start3A_102 : memref<10016x16xf32, #tpu.memory_space<vmem_shared>>) offsets(%dma_start3A_99 : memref<128xi32, #tpu.memory_space<vmem>>) semaphore(%run_scoped3A : memref<!tpu.dma_semaphore, #tpu.memory_space<semaphore_mem>>) {add = true}
          %dma_wait3A_103 = arith.constant 0 : i32
          %dma_wait3A_104 = tpu.memref_slice %arg8[%add3A_96, %dma_wait3A_103] : memref<40x128xi32, #tpu.memory_space<vmem>> -> memref<1x128xi32, #tpu.memory_space<vmem>>
          %dma_wait3A_105 = tpu.memref_squeeze %dma_wait3A_104 : memref<1x128xi32, #tpu.memory_space<vmem>> -> memref<128xi32, #tpu.memory_space<vmem>>
          %dma_wait3A_106 = arith.constant 0 : i32
          %dma_wait3A_107 = arith.constant 0 : i32
          %dma_wait3A_108 = tpu.memref_slice %arg13[%dma_wait3A_106, %dma_wait3A_107] : memref<10016x16xf32, #tpu.memory_space<vmem_shared>> -> memref<10016x16xf32, #tpu.memory_space<vmem_shared>>
          tpu.wait_indirect_dma semaphore(%run_scoped3A : memref<!tpu.dma_semaphore, #tpu.memory_space<semaphore_mem>>) src(%arg10 : memref<128x16xf32, #tpu.memory_space<vmem>>) dst(%dma_wait3A_108 : memref<10016x16xf32, #tpu.memory_space<vmem_shared>>)
          tpu.yield
        }) : () -> ()
      }
    } else {
    }
    %barrier3A_38 = arith.constant 0 : index
    tpu.barrier barrier_id(%barrier3A_38)
    "tpu.region"() ({
      %run_scoped3A = tpu.sem_alloc : memref<!tpu.dma_semaphore, #tpu.memory_space<semaphore_mem>>
      %dma_start3A = arith.constant 0 : i32
      %dma_start3A_39 = tpu.memref_slice %arg6[%arg0, %mul3A_10, %dma_start3A] : memref<2x10016x16xf32, #tpu.memory_space<hbm>> -> memref<1x626x16xf32, #tpu.memory_space<hbm>>
      %dma_start3A_40 = tpu.memref_squeeze %dma_start3A_39 : memref<1x626x16xf32, #tpu.memory_space<hbm>> -> memref<626x16xf32, #tpu.memory_space<hbm>>
      %dma_start3A_41 = arith.constant 0 : i32
      %dma_start3A_42 = tpu.memref_slice %arg13[%mul3A_10, %dma_start3A_41] : memref<10016x16xf32, #tpu.memory_space<vmem_shared>> -> memref<626x16xf32, #tpu.memory_space<vmem_shared>>
      tpu.enqueue_dma source(%dma_start3A_42 : memref<626x16xf32, #tpu.memory_space<vmem_shared>>) target(%dma_start3A_40 : memref<626x16xf32, #tpu.memory_space<hbm>>) target_semaphore(%run_scoped3A : memref<!tpu.dma_semaphore, #tpu.memory_space<semaphore_mem>>)
      %dma_wait3A = arith.constant 0 : i32
      %dma_wait3A_43 = tpu.memref_slice %arg6[%arg0, %mul3A_10, %dma_wait3A] : memref<2x10016x16xf32, #tpu.memory_space<hbm>> -> memref<1x626x16xf32, #tpu.memory_space<hbm>>
      %dma_wait3A_44 = tpu.memref_squeeze %dma_wait3A_43 : memref<1x626x16xf32, #tpu.memory_space<hbm>> -> memref<626x16xf32, #tpu.memory_space<hbm>>
      %dma_wait3A_45 = arith.constant 0 : i32
      %dma_wait3A_46 = tpu.memref_slice %arg13[%mul3A_10, %dma_wait3A_45] : memref<10016x16xf32, #tpu.memory_space<vmem_shared>> -> memref<626x16xf32, #tpu.memory_space<vmem_shared>>
      tpu.wait_dma2 semaphore(%run_scoped3A : memref<!tpu.dma_semaphore, #tpu.memory_space<semaphore_mem>>) src(%dma_wait3A_46 : memref<626x16xf32, #tpu.memory_space<vmem_shared>>) dst(%dma_wait3A_44 : memref<626x16xf32, #tpu.memory_space<hbm>>)
      tpu.yield
    }) : () -> ()
    return
  }
}

#map = affine_map<(d0, d1) -> (0, 0)>
#map1 = affine_map<(d0, d1) -> (0, 0, 0)>
module attributes {stable_mosaic.version = 14 : i64} {
  func.func @_agg(%arg0: i32, %arg1: i32, %arg2: memref<40000x128xf32, #tpu.memory_space<hbm>>, %arg3: memref<2568x128xi32, #tpu.memory_space<hbm>>, %arg4: memref<2568x128xi32, #tpu.memory_space<hbm>>, %arg5: memref<10016x128xf32, #tpu.memory_space<hbm>>, %arg6: memref<2x10016x128xf32, #tpu.memory_space<hbm>>, %arg7: memref<40x128xi32, #tpu.memory_space<vmem>>, %arg8: memref<40x128xi32, #tpu.memory_space<vmem>>, %arg9: memref<128x128xf32, #tpu.memory_space<vmem>>, %arg10: memref<128x128xf32, #tpu.memory_space<vmem>>, %arg11: memref<!tpu.dma_semaphore, #tpu.memory_space<semaphore_mem>>, %arg12: memref<!tpu.dma_semaphore, #tpu.memory_space<semaphore_mem>>, %arg13: memref<10016x128xf32, #tpu.memory_space<vmem_shared>>) attributes {dimension_semantics = [#tpu.dimension_semantics<core_parallel>, #tpu.dimension_semantics<subcore_parallel>], iteration_bounds = array<i64: 2, 16>, scalar_prefetch = 0 : i64, scratch_operands = 7 : i64, tpu.core_type = #tpu.core_type<sc_vector_subcore>, window_params = [{transform_indices = #map}, {transform_indices = #map}, {transform_indices = #map}, {transform_indices = #map}, {transform_indices = #map1}]} {
    %eq3A = arith.constant 0 : i32
    %eq3A_0 = arith.cmpi eq, %arg0, %eq3A : i32
    %jit3A = arith.constant 104 : i32
    %jit3A_1 = arith.constant 54 : i32
    %select_n3A = arith.select %eq3A_0, %jit3A, %jit3A_1 : i32
    %eq3A_2 = arith.constant 0 : i32
    %eq3A_3 = arith.cmpi eq, %arg0, %eq3A_2 : i32
    %mul3A = arith.constant 104 : i32
    %mul3A_4 = arith.muli %arg1, %mul3A : i32
    %mul3A_5 = arith.constant 54 : i32
    %mul3A_6 = arith.muli %arg1, %mul3A_5 : i32
    %add3A = arith.constant 1664 : i32
    %add3A_7 = arith.addi %add3A, %mul3A_6 : i32
    %select_n3A_8 = arith.select %eq3A_3, %mul3A_4, %add3A_7 : i32
    %mul3A_9 = arith.constant 626 : i32
    %mul3A_10 = arith.muli %arg1, %mul3A_9 : i32
    "tpu.region"() ({
      %run_scoped3A = tpu.sem_alloc : memref<!tpu.dma_semaphore, #tpu.memory_space<semaphore_mem>>
      %dma_start3A = arith.constant 0 : i32
      %dma_start3A_39 = tpu.memref_slice %arg13[%mul3A_10, %dma_start3A] : memref<10016x128xf32, #tpu.memory_space<vmem_shared>> -> memref<626x128xf32, #tpu.memory_space<vmem_shared>>
      %dma_start3A_40 = arith.constant 0 : i32
      %dma_start3A_41 = tpu.memref_slice %arg5[%mul3A_10, %dma_start3A_40] : memref<10016x128xf32, #tpu.memory_space<hbm>> -> memref<626x128xf32, #tpu.memory_space<hbm>>
      tpu.enqueue_dma source(%dma_start3A_41 : memref<626x128xf32, #tpu.memory_space<hbm>>) target(%dma_start3A_39 : memref<626x128xf32, #tpu.memory_space<vmem_shared>>) target_semaphore(%run_scoped3A : memref<!tpu.dma_semaphore, #tpu.memory_space<semaphore_mem>>)
      %dma_wait3A = arith.constant 0 : i32
      %dma_wait3A_42 = tpu.memref_slice %arg13[%mul3A_10, %dma_wait3A] : memref<10016x128xf32, #tpu.memory_space<vmem_shared>> -> memref<626x128xf32, #tpu.memory_space<vmem_shared>>
      %dma_wait3A_43 = arith.constant 0 : i32
      %dma_wait3A_44 = tpu.memref_slice %arg5[%mul3A_10, %dma_wait3A_43] : memref<10016x128xf32, #tpu.memory_space<hbm>> -> memref<626x128xf32, #tpu.memory_space<hbm>>
      tpu.wait_dma2 semaphore(%run_scoped3A : memref<!tpu.dma_semaphore, #tpu.memory_space<semaphore_mem>>) src(%dma_wait3A_44 : memref<626x128xf32, #tpu.memory_space<hbm>>) dst(%dma_wait3A_42 : memref<626x128xf32, #tpu.memory_space<vmem_shared>>)
      tpu.yield
    }) : () -> ()
    %barrier3A = arith.constant 0 : index
    tpu.barrier barrier_id(%barrier3A)
    %sub3A = arith.constant 0 : i32
    %sub3A_11 = arith.subi %select_n3A, %sub3A : i32
    %jit3A_12 = arith.constant 0 : i32
    %jit3A_13 = arith.constant 40 : i32
    %max3A = arith.maxsi %jit3A_12, %sub3A_11 : i32
    %min3A = arith.minsi %jit3A_13, %max3A : i32
    %gt3A = arith.constant 0 : i32
    %gt3A_14 = arith.cmpi sgt, %min3A, %gt3A : i32
    %convert_element_type3A = arith.extui %gt3A_14 : i1 to i32
    %cond3A = arith.constant 0 : i32
    %cond3A_15 = arith.cmpi ne, %convert_element_type3A, %cond3A : i32
    scf.if %cond3A_15 {
      %add3A_39 = arith.constant 0 : i32
      %add3A_40 = arith.addi %select_n3A_8, %add3A_39 : i32
      "tpu.region"() ({
        %run_scoped3A = tpu.sem_alloc : memref<!tpu.dma_semaphore, #tpu.memory_space<semaphore_mem>>
        %dma_start3A_66 = arith.constant 0 : i32
        %dma_start3A_67 = tpu.memref_slice %arg3[%add3A_40, %dma_start3A_66] : memref<2568x128xi32, #tpu.memory_space<hbm>> -> memref<40x128xi32, #tpu.memory_space<hbm>>
        %dma_start3A_68 = arith.constant 0 : i32
        %dma_start3A_69 = tpu.memref_slice %arg3[%add3A_40, %dma_start3A_68] : memref<2568x128xi32, #tpu.memory_space<hbm>> -> memref<40x128xi32, #tpu.memory_space<hbm>>
        tpu.enqueue_dma source(%dma_start3A_69 : memref<40x128xi32, #tpu.memory_space<hbm>>) target(%arg7 : memref<40x128xi32, #tpu.memory_space<vmem>>) target_semaphore(%run_scoped3A : memref<!tpu.dma_semaphore, #tpu.memory_space<semaphore_mem>>)
        %dma_wait3A = arith.constant 0 : i32
        %dma_wait3A_70 = tpu.memref_slice %arg3[%add3A_40, %dma_wait3A] : memref<2568x128xi32, #tpu.memory_space<hbm>> -> memref<40x128xi32, #tpu.memory_space<hbm>>
        %dma_wait3A_71 = arith.constant 0 : i32
        %dma_wait3A_72 = tpu.memref_slice %arg3[%add3A_40, %dma_wait3A_71] : memref<2568x128xi32, #tpu.memory_space<hbm>> -> memref<40x128xi32, #tpu.memory_space<hbm>>
        tpu.wait_dma2 semaphore(%run_scoped3A : memref<!tpu.dma_semaphore, #tpu.memory_space<semaphore_mem>>) src(%dma_wait3A_72 : memref<40x128xi32, #tpu.memory_space<hbm>>) dst(%arg7 : memref<40x128xi32, #tpu.memory_space<vmem>>)
        tpu.yield
      }) : () -> ()
      %add3A_41 = arith.constant 0 : i32
      %add3A_42 = arith.addi %select_n3A_8, %add3A_41 : i32
      "tpu.region"() ({
        %run_scoped3A = tpu.sem_alloc : memref<!tpu.dma_semaphore, #tpu.memory_space<semaphore_mem>>
        %dma_start3A_66 = arith.constant 0 : i32
        %dma_start3A_67 = tpu.memref_slice %arg4[%add3A_42, %dma_start3A_66] : memref<2568x128xi32, #tpu.memory_space<hbm>> -> memref<40x128xi32, #tpu.memory_space<hbm>>
        %dma_start3A_68 = arith.constant 0 : i32
        %dma_start3A_69 = tpu.memref_slice %arg4[%add3A_42, %dma_start3A_68] : memref<2568x128xi32, #tpu.memory_space<hbm>> -> memref<40x128xi32, #tpu.memory_space<hbm>>
        tpu.enqueue_dma source(%dma_start3A_69 : memref<40x128xi32, #tpu.memory_space<hbm>>) target(%arg8 : memref<40x128xi32, #tpu.memory_space<vmem>>) target_semaphore(%run_scoped3A : memref<!tpu.dma_semaphore, #tpu.memory_space<semaphore_mem>>)
        %dma_wait3A = arith.constant 0 : i32
        %dma_wait3A_70 = tpu.memref_slice %arg4[%add3A_42, %dma_wait3A] : memref<2568x128xi32, #tpu.memory_space<hbm>> -> memref<40x128xi32, #tpu.memory_space<hbm>>
        %dma_wait3A_71 = arith.constant 0 : i32
        %dma_wait3A_72 = tpu.memref_slice %arg4[%add3A_42, %dma_wait3A_71] : memref<2568x128xi32, #tpu.memory_space<hbm>> -> memref<40x128xi32, #tpu.memory_space<hbm>>
        tpu.wait_dma2 semaphore(%run_scoped3A : memref<!tpu.dma_semaphore, #tpu.memory_space<semaphore_mem>>) src(%dma_wait3A_72 : memref<40x128xi32, #tpu.memory_space<hbm>>) dst(%arg8 : memref<40x128xi32, #tpu.memory_space<vmem>>)
        tpu.yield
      }) : () -> ()
      %dma_start3A = arith.constant 0 : i32
      %dma_start3A_43 = arith.constant 0 : i32
      %dma_start3A_44 = tpu.memref_slice %arg7[%dma_start3A, %dma_start3A_43] : memref<40x128xi32, #tpu.memory_space<vmem>> -> memref<1x128xi32, #tpu.memory_space<vmem>>
      %dma_start3A_45 = tpu.memref_squeeze %dma_start3A_44 : memref<1x128xi32, #tpu.memory_space<vmem>> -> memref<128xi32, #tpu.memory_space<vmem>>
      %dma_start3A_46 = arith.constant 0 : i32
      %dma_start3A_47 = arith.constant 0 : i32
      %dma_start3A_48 = tpu.memref_slice %arg2[%dma_start3A_46, %dma_start3A_47] : memref<40000x128xf32, #tpu.memory_space<hbm>> -> memref<40000x128xf32, #tpu.memory_space<hbm>>
      tpu.enqueue_indirect_dma source(%dma_start3A_48 : memref<40000x128xf32, #tpu.memory_space<hbm>>) target(%arg9 : memref<128x128xf32, #tpu.memory_space<vmem>>) offsets(%dma_start3A_45 : memref<128xi32, #tpu.memory_space<vmem>>) semaphore(%arg11 : memref<!tpu.dma_semaphore, #tpu.memory_space<semaphore_mem>>)
      %sub3A_49 = arith.constant 0 : i32
      %sub3A_50 = arith.subi %min3A, %sub3A_49 : i32
      %sub3A_51 = arith.constant 2 : i32
      %sub3A_52 = arith.constant 1 : i32
      %sub3A_53 = arith.subi %sub3A_51, %sub3A_52 : i32
      %add3A_54 = arith.addi %sub3A_50, %sub3A_53 : i32
      %div3A = arith.constant 2 : i32
      %div3A_55 = arith.divsi %add3A_54, %div3A : i32
      %while3A = arith.constant 2 : i32
      %while3A_56 = arith.constant 0 : i32
      %while3A_57 = arith.constant 0 : i32
      %while3A_58 = arith.subi %div3A_55, %while3A_57 : i32
      %while3A_59 = arith.addi %while3A_57, %while3A_58 : i32
      %while3A_60 = arith.constant 1 : i32
      %while3A_61 = arith.divsi %while3A_58, %while3A_60 : i32
      %while3A_62 = arith.muli %while3A_61, %while3A_60 : i32
      %while3A_63 = arith.addi %while3A_57, %while3A_62 : i32
      %while3A_64 = arith.constant 1 : i32
      scf.for %while3A_66 = %while3A_57 to %while3A_63 step %while3A_64  : i32 {
        %mul3A_67 = arith.muli %while3A_66, %while3A : i32
        %add3A_68 = arith.addi %while3A_56, %mul3A_67 : i32
        %add3A_69 = arith.constant 1 : i32
        %add3A_70 = arith.addi %add3A_68, %add3A_69 : i32
        %dma_start3A_71 = arith.constant 0 : i32
        %dma_start3A_72 = tpu.memref_slice %arg7[%add3A_70, %dma_start3A_71] : memref<40x128xi32, #tpu.memory_space<vmem>> -> memref<1x128xi32, #tpu.memory_space<vmem>>
        %dma_start3A_73 = tpu.memref_squeeze %dma_start3A_72 : memref<1x128xi32, #tpu.memory_space<vmem>> -> memref<128xi32, #tpu.memory_space<vmem>>
        %dma_start3A_74 = arith.constant 0 : i32
        %dma_start3A_75 = arith.constant 0 : i32
        %dma_start3A_76 = tpu.memref_slice %arg2[%dma_start3A_74, %dma_start3A_75] : memref<40000x128xf32, #tpu.memory_space<hbm>> -> memref<40000x128xf32, #tpu.memory_space<hbm>>
        tpu.enqueue_indirect_dma source(%dma_start3A_76 : memref<40000x128xf32, #tpu.memory_space<hbm>>) target(%arg10 : memref<128x128xf32, #tpu.memory_space<vmem>>) offsets(%dma_start3A_73 : memref<128xi32, #tpu.memory_space<vmem>>) semaphore(%arg12 : memref<!tpu.dma_semaphore, #tpu.memory_space<semaphore_mem>>)
        %dma_wait3A = arith.constant 0 : i32
        %dma_wait3A_77 = tpu.memref_slice %arg7[%add3A_68, %dma_wait3A] : memref<40x128xi32, #tpu.memory_space<vmem>> -> memref<1x128xi32, #tpu.memory_space<vmem>>
        %dma_wait3A_78 = tpu.memref_squeeze %dma_wait3A_77 : memref<1x128xi32, #tpu.memory_space<vmem>> -> memref<128xi32, #tpu.memory_space<vmem>>
        %dma_wait3A_79 = arith.constant 0 : i32
        %dma_wait3A_80 = arith.constant 0 : i32
        %dma_wait3A_81 = tpu.memref_slice %arg2[%dma_wait3A_79, %dma_wait3A_80] : memref<40000x128xf32, #tpu.memory_space<hbm>> -> memref<40000x128xf32, #tpu.memory_space<hbm>>
        tpu.wait_indirect_dma semaphore(%arg11 : memref<!tpu.dma_semaphore, #tpu.memory_space<semaphore_mem>>) src(%dma_wait3A_81 : memref<40000x128xf32, #tpu.memory_space<hbm>>) dst(%arg9 : memref<128x128xf32, #tpu.memory_space<vmem>>)
        "tpu.region"() ({
          %run_scoped3A = tpu.sem_alloc : memref<!tpu.dma_semaphore, #tpu.memory_space<semaphore_mem>>
          %dma_start3A_97 = arith.constant 0 : i32
          %dma_start3A_98 = tpu.memref_slice %arg8[%add3A_68, %dma_start3A_97] : memref<40x128xi32, #tpu.memory_space<vmem>> -> memref<1x128xi32, #tpu.memory_space<vmem>>
          %dma_start3A_99 = tpu.memref_squeeze %dma_start3A_98 : memref<1x128xi32, #tpu.memory_space<vmem>> -> memref<128xi32, #tpu.memory_space<vmem>>
          %dma_start3A_100 = arith.constant 0 : i32
          %dma_start3A_101 = arith.constant 0 : i32
          %dma_start3A_102 = tpu.memref_slice %arg13[%dma_start3A_100, %dma_start3A_101] : memref<10016x128xf32, #tpu.memory_space<vmem_shared>> -> memref<10016x128xf32, #tpu.memory_space<vmem_shared>>
          tpu.enqueue_indirect_dma source(%arg9 : memref<128x128xf32, #tpu.memory_space<vmem>>) target(%dma_start3A_102 : memref<10016x128xf32, #tpu.memory_space<vmem_shared>>) offsets(%dma_start3A_99 : memref<128xi32, #tpu.memory_space<vmem>>) semaphore(%run_scoped3A : memref<!tpu.dma_semaphore, #tpu.memory_space<semaphore_mem>>) {add = true}
          %dma_wait3A_103 = arith.constant 0 : i32
          %dma_wait3A_104 = tpu.memref_slice %arg8[%add3A_68, %dma_wait3A_103] : memref<40x128xi32, #tpu.memory_space<vmem>> -> memref<1x128xi32, #tpu.memory_space<vmem>>
          %dma_wait3A_105 = tpu.memref_squeeze %dma_wait3A_104 : memref<1x128xi32, #tpu.memory_space<vmem>> -> memref<128xi32, #tpu.memory_space<vmem>>
          %dma_wait3A_106 = arith.constant 0 : i32
          %dma_wait3A_107 = arith.constant 0 : i32
          %dma_wait3A_108 = tpu.memref_slice %arg13[%dma_wait3A_106, %dma_wait3A_107] : memref<10016x128xf32, #tpu.memory_space<vmem_shared>> -> memref<10016x128xf32, #tpu.memory_space<vmem_shared>>
          tpu.wait_indirect_dma semaphore(%run_scoped3A : memref<!tpu.dma_semaphore, #tpu.memory_space<semaphore_mem>>) src(%arg9 : memref<128x128xf32, #tpu.memory_space<vmem>>) dst(%dma_wait3A_108 : memref<10016x128xf32, #tpu.memory_space<vmem_shared>>)
          tpu.yield
        }) : () -> ()
        %add3A_82 = arith.constant 2 : i32
        %add3A_83 = arith.addi %add3A_68, %add3A_82 : i32
        %lt3A = arith.cmpi slt, %add3A_83, %min3A : i32
        %convert_element_type3A_84 = arith.extui %lt3A : i1 to i32
        %cond3A_85 = arith.constant 0 : i32
        %cond3A_86 = arith.cmpi ne, %convert_element_type3A_84, %cond3A_85 : i32
        scf.if %cond3A_86 {
          %add3A_97 = arith.constant 2 : i32
          %add3A_98 = arith.addi %add3A_68, %add3A_97 : i32
          %dma_start3A_99 = arith.constant 0 : i32
          %dma_start3A_100 = tpu.memref_slice %arg7[%add3A_98, %dma_start3A_99] : memref<40x128xi32, #tpu.memory_space<vmem>> -> memref<1x128xi32, #tpu.memory_space<vmem>>
          %dma_start3A_101 = tpu.memref_squeeze %dma_start3A_100 : memref<1x128xi32, #tpu.memory_space<vmem>> -> memref<128xi32, #tpu.memory_space<vmem>>
          %dma_start3A_102 = arith.constant 0 : i32
          %dma_start3A_103 = arith.constant 0 : i32
          %dma_start3A_104 = tpu.memref_slice %arg2[%dma_start3A_102, %dma_start3A_103] : memref<40000x128xf32, #tpu.memory_space<hbm>> -> memref<40000x128xf32, #tpu.memory_space<hbm>>
          tpu.enqueue_indirect_dma source(%dma_start3A_104 : memref<40000x128xf32, #tpu.memory_space<hbm>>) target(%arg9 : memref<128x128xf32, #tpu.memory_space<vmem>>) offsets(%dma_start3A_101 : memref<128xi32, #tpu.memory_space<vmem>>) semaphore(%arg11 : memref<!tpu.dma_semaphore, #tpu.memory_space<semaphore_mem>>)
        } else {
        }
        %add3A_87 = arith.constant 1 : i32
        %add3A_88 = arith.addi %add3A_68, %add3A_87 : i32
        %dma_wait3A_89 = arith.constant 0 : i32
        %dma_wait3A_90 = tpu.memref_slice %arg7[%add3A_88, %dma_wait3A_89] : memref<40x128xi32, #tpu.memory_space<vmem>> -> memref<1x128xi32, #tpu.memory_space<vmem>>
        %dma_wait3A_91 = tpu.memref_squeeze %dma_wait3A_90 : memref<1x128xi32, #tpu.memory_space<vmem>> -> memref<128xi32, #tpu.memory_space<vmem>>
        %dma_wait3A_92 = arith.constant 0 : i32
        %dma_wait3A_93 = arith.constant 0 : i32
        %dma_wait3A_94 = tpu.memref_slice %arg2[%dma_wait3A_92, %dma_wait3A_93] : memref<40000x128xf32, #tpu.memory_space<hbm>> -> memref<40000x128xf32, #tpu.memory_space<hbm>>
        tpu.wait_indirect_dma semaphore(%arg12 : memref<!tpu.dma_semaphore, #tpu.memory_space<semaphore_mem>>) src(%dma_wait3A_94 : memref<40000x128xf32, #tpu.memory_space<hbm>>) dst(%arg10 : memref<128x128xf32, #tpu.memory_space<vmem>>)
        %add3A_95 = arith.constant 1 : i32
        %add3A_96 = arith.addi %add3A_68, %add3A_95 : i32
        "tpu.region"() ({
          %run_scoped3A = tpu.sem_alloc : memref<!tpu.dma_semaphore, #tpu.memory_space<semaphore_mem>>
          %dma_start3A_97 = arith.constant 0 : i32
          %dma_start3A_98 = tpu.memref_slice %arg8[%add3A_96, %dma_start3A_97] : memref<40x128xi32, #tpu.memory_space<vmem>> -> memref<1x128xi32, #tpu.memory_space<vmem>>
          %dma_start3A_99 = tpu.memref_squeeze %dma_start3A_98 : memref<1x128xi32, #tpu.memory_space<vmem>> -> memref<128xi32, #tpu.memory_space<vmem>>
          %dma_start3A_100 = arith.constant 0 : i32
          %dma_start3A_101 = arith.constant 0 : i32
          %dma_start3A_102 = tpu.memref_slice %arg13[%dma_start3A_100, %dma_start3A_101] : memref<10016x128xf32, #tpu.memory_space<vmem_shared>> -> memref<10016x128xf32, #tpu.memory_space<vmem_shared>>
          tpu.enqueue_indirect_dma source(%arg10 : memref<128x128xf32, #tpu.memory_space<vmem>>) target(%dma_start3A_102 : memref<10016x128xf32, #tpu.memory_space<vmem_shared>>) offsets(%dma_start3A_99 : memref<128xi32, #tpu.memory_space<vmem>>) semaphore(%run_scoped3A : memref<!tpu.dma_semaphore, #tpu.memory_space<semaphore_mem>>) {add = true}
          %dma_wait3A_103 = arith.constant 0 : i32
          %dma_wait3A_104 = tpu.memref_slice %arg8[%add3A_96, %dma_wait3A_103] : memref<40x128xi32, #tpu.memory_space<vmem>> -> memref<1x128xi32, #tpu.memory_space<vmem>>
          %dma_wait3A_105 = tpu.memref_squeeze %dma_wait3A_104 : memref<1x128xi32, #tpu.memory_space<vmem>> -> memref<128xi32, #tpu.memory_space<vmem>>
          %dma_wait3A_106 = arith.constant 0 : i32
          %dma_wait3A_107 = arith.constant 0 : i32
          %dma_wait3A_108 = tpu.memref_slice %arg13[%dma_wait3A_106, %dma_wait3A_107] : memref<10016x128xf32, #tpu.memory_space<vmem_shared>> -> memref<10016x128xf32, #tpu.memory_space<vmem_shared>>
          tpu.wait_indirect_dma semaphore(%run_scoped3A : memref<!tpu.dma_semaphore, #tpu.memory_space<semaphore_mem>>) src(%arg10 : memref<128x128xf32, #tpu.memory_space<vmem>>) dst(%dma_wait3A_108 : memref<10016x128xf32, #tpu.memory_space<vmem_shared>>)
          tpu.yield
        }) : () -> ()
      }
      %while3A_65 = arith.constant 1 : i32
      scf.for %while3A_66 = %while3A_63 to %while3A_59 step %while3A_65  : i32 {
        %mul3A_67 = arith.muli %while3A_66, %while3A : i32
        %add3A_68 = arith.addi %while3A_56, %mul3A_67 : i32
        %add3A_69 = arith.constant 1 : i32
        %add3A_70 = arith.addi %add3A_68, %add3A_69 : i32
        %dma_start3A_71 = arith.constant 0 : i32
        %dma_start3A_72 = tpu.memref_slice %arg7[%add3A_70, %dma_start3A_71] : memref<40x128xi32, #tpu.memory_space<vmem>> -> memref<1x128xi32, #tpu.memory_space<vmem>>
        %dma_start3A_73 = tpu.memref_squeeze %dma_start3A_72 : memref<1x128xi32, #tpu.memory_space<vmem>> -> memref<128xi32, #tpu.memory_space<vmem>>
        %dma_start3A_74 = arith.constant 0 : i32
        %dma_start3A_75 = arith.constant 0 : i32
        %dma_start3A_76 = tpu.memref_slice %arg2[%dma_start3A_74, %dma_start3A_75] : memref<40000x128xf32, #tpu.memory_space<hbm>> -> memref<40000x128xf32, #tpu.memory_space<hbm>>
        tpu.enqueue_indirect_dma source(%dma_start3A_76 : memref<40000x128xf32, #tpu.memory_space<hbm>>) target(%arg10 : memref<128x128xf32, #tpu.memory_space<vmem>>) offsets(%dma_start3A_73 : memref<128xi32, #tpu.memory_space<vmem>>) semaphore(%arg12 : memref<!tpu.dma_semaphore, #tpu.memory_space<semaphore_mem>>)
        %dma_wait3A = arith.constant 0 : i32
        %dma_wait3A_77 = tpu.memref_slice %arg7[%add3A_68, %dma_wait3A] : memref<40x128xi32, #tpu.memory_space<vmem>> -> memref<1x128xi32, #tpu.memory_space<vmem>>
        %dma_wait3A_78 = tpu.memref_squeeze %dma_wait3A_77 : memref<1x128xi32, #tpu.memory_space<vmem>> -> memref<128xi32, #tpu.memory_space<vmem>>
        %dma_wait3A_79 = arith.constant 0 : i32
        %dma_wait3A_80 = arith.constant 0 : i32
        %dma_wait3A_81 = tpu.memref_slice %arg2[%dma_wait3A_79, %dma_wait3A_80] : memref<40000x128xf32, #tpu.memory_space<hbm>> -> memref<40000x128xf32, #tpu.memory_space<hbm>>
        tpu.wait_indirect_dma semaphore(%arg11 : memref<!tpu.dma_semaphore, #tpu.memory_space<semaphore_mem>>) src(%dma_wait3A_81 : memref<40000x128xf32, #tpu.memory_space<hbm>>) dst(%arg9 : memref<128x128xf32, #tpu.memory_space<vmem>>)
        "tpu.region"() ({
          %run_scoped3A = tpu.sem_alloc : memref<!tpu.dma_semaphore, #tpu.memory_space<semaphore_mem>>
          %dma_start3A_97 = arith.constant 0 : i32
          %dma_start3A_98 = tpu.memref_slice %arg8[%add3A_68, %dma_start3A_97] : memref<40x128xi32, #tpu.memory_space<vmem>> -> memref<1x128xi32, #tpu.memory_space<vmem>>
          %dma_start3A_99 = tpu.memref_squeeze %dma_start3A_98 : memref<1x128xi32, #tpu.memory_space<vmem>> -> memref<128xi32, #tpu.memory_space<vmem>>
          %dma_start3A_100 = arith.constant 0 : i32
          %dma_start3A_101 = arith.constant 0 : i32
          %dma_start3A_102 = tpu.memref_slice %arg13[%dma_start3A_100, %dma_start3A_101] : memref<10016x128xf32, #tpu.memory_space<vmem_shared>> -> memref<10016x128xf32, #tpu.memory_space<vmem_shared>>
          tpu.enqueue_indirect_dma source(%arg9 : memref<128x128xf32, #tpu.memory_space<vmem>>) target(%dma_start3A_102 : memref<10016x128xf32, #tpu.memory_space<vmem_shared>>) offsets(%dma_start3A_99 : memref<128xi32, #tpu.memory_space<vmem>>) semaphore(%run_scoped3A : memref<!tpu.dma_semaphore, #tpu.memory_space<semaphore_mem>>) {add = true}
          %dma_wait3A_103 = arith.constant 0 : i32
          %dma_wait3A_104 = tpu.memref_slice %arg8[%add3A_68, %dma_wait3A_103] : memref<40x128xi32, #tpu.memory_space<vmem>> -> memref<1x128xi32, #tpu.memory_space<vmem>>
          %dma_wait3A_105 = tpu.memref_squeeze %dma_wait3A_104 : memref<1x128xi32, #tpu.memory_space<vmem>> -> memref<128xi32, #tpu.memory_space<vmem>>
          %dma_wait3A_106 = arith.constant 0 : i32
          %dma_wait3A_107 = arith.constant 0 : i32
          %dma_wait3A_108 = tpu.memref_slice %arg13[%dma_wait3A_106, %dma_wait3A_107] : memref<10016x128xf32, #tpu.memory_space<vmem_shared>> -> memref<10016x128xf32, #tpu.memory_space<vmem_shared>>
          tpu.wait_indirect_dma semaphore(%run_scoped3A : memref<!tpu.dma_semaphore, #tpu.memory_space<semaphore_mem>>) src(%arg9 : memref<128x128xf32, #tpu.memory_space<vmem>>) dst(%dma_wait3A_108 : memref<10016x128xf32, #tpu.memory_space<vmem_shared>>)
          tpu.yield
        }) : () -> ()
        %add3A_82 = arith.constant 2 : i32
        %add3A_83 = arith.addi %add3A_68, %add3A_82 : i32
        %lt3A = arith.cmpi slt, %add3A_83, %min3A : i32
        %convert_element_type3A_84 = arith.extui %lt3A : i1 to i32
        %cond3A_85 = arith.constant 0 : i32
        %cond3A_86 = arith.cmpi ne, %convert_element_type3A_84, %cond3A_85 : i32
        scf.if %cond3A_86 {
          %add3A_97 = arith.constant 2 : i32
          %add3A_98 = arith.addi %add3A_68, %add3A_97 : i32
          %dma_start3A_99 = arith.constant 0 : i32
          %dma_start3A_100 = tpu.memref_slice %arg7[%add3A_98, %dma_start3A_99] : memref<40x128xi32, #tpu.memory_space<vmem>> -> memref<1x128xi32, #tpu.memory_space<vmem>>
          %dma_start3A_101 = tpu.memref_squeeze %dma_start3A_100 : memref<1x128xi32, #tpu.memory_space<vmem>> -> memref<128xi32, #tpu.memory_space<vmem>>
          %dma_start3A_102 = arith.constant 0 : i32
          %dma_start3A_103 = arith.constant 0 : i32
          %dma_start3A_104 = tpu.memref_slice %arg2[%dma_start3A_102, %dma_start3A_103] : memref<40000x128xf32, #tpu.memory_space<hbm>> -> memref<40000x128xf32, #tpu.memory_space<hbm>>
          tpu.enqueue_indirect_dma source(%dma_start3A_104 : memref<40000x128xf32, #tpu.memory_space<hbm>>) target(%arg9 : memref<128x128xf32, #tpu.memory_space<vmem>>) offsets(%dma_start3A_101 : memref<128xi32, #tpu.memory_space<vmem>>) semaphore(%arg11 : memref<!tpu.dma_semaphore, #tpu.memory_space<semaphore_mem>>)
        } else {
        }
        %add3A_87 = arith.constant 1 : i32
        %add3A_88 = arith.addi %add3A_68, %add3A_87 : i32
        %dma_wait3A_89 = arith.constant 0 : i32
        %dma_wait3A_90 = tpu.memref_slice %arg7[%add3A_88, %dma_wait3A_89] : memref<40x128xi32, #tpu.memory_space<vmem>> -> memref<1x128xi32, #tpu.memory_space<vmem>>
        %dma_wait3A_91 = tpu.memref_squeeze %dma_wait3A_90 : memref<1x128xi32, #tpu.memory_space<vmem>> -> memref<128xi32, #tpu.memory_space<vmem>>
        %dma_wait3A_92 = arith.constant 0 : i32
        %dma_wait3A_93 = arith.constant 0 : i32
        %dma_wait3A_94 = tpu.memref_slice %arg2[%dma_wait3A_92, %dma_wait3A_93] : memref<40000x128xf32, #tpu.memory_space<hbm>> -> memref<40000x128xf32, #tpu.memory_space<hbm>>
        tpu.wait_indirect_dma semaphore(%arg12 : memref<!tpu.dma_semaphore, #tpu.memory_space<semaphore_mem>>) src(%dma_wait3A_94 : memref<40000x128xf32, #tpu.memory_space<hbm>>) dst(%arg10 : memref<128x128xf32, #tpu.memory_space<vmem>>)
        %add3A_95 = arith.constant 1 : i32
        %add3A_96 = arith.addi %add3A_68, %add3A_95 : i32
        "tpu.region"() ({
          %run_scoped3A = tpu.sem_alloc : memref<!tpu.dma_semaphore, #tpu.memory_space<semaphore_mem>>
          %dma_start3A_97 = arith.constant 0 : i32
          %dma_start3A_98 = tpu.memref_slice %arg8[%add3A_96, %dma_start3A_97] : memref<40x128xi32, #tpu.memory_space<vmem>> -> memref<1x128xi32, #tpu.memory_space<vmem>>
          %dma_start3A_99 = tpu.memref_squeeze %dma_start3A_98 : memref<1x128xi32, #tpu.memory_space<vmem>> -> memref<128xi32, #tpu.memory_space<vmem>>
          %dma_start3A_100 = arith.constant 0 : i32
          %dma_start3A_101 = arith.constant 0 : i32
          %dma_start3A_102 = tpu.memref_slice %arg13[%dma_start3A_100, %dma_start3A_101] : memref<10016x128xf32, #tpu.memory_space<vmem_shared>> -> memref<10016x128xf32, #tpu.memory_space<vmem_shared>>
          tpu.enqueue_indirect_dma source(%arg10 : memref<128x128xf32, #tpu.memory_space<vmem>>) target(%dma_start3A_102 : memref<10016x128xf32, #tpu.memory_space<vmem_shared>>) offsets(%dma_start3A_99 : memref<128xi32, #tpu.memory_space<vmem>>) semaphore(%run_scoped3A : memref<!tpu.dma_semaphore, #tpu.memory_space<semaphore_mem>>) {add = true}
          %dma_wait3A_103 = arith.constant 0 : i32
          %dma_wait3A_104 = tpu.memref_slice %arg8[%add3A_96, %dma_wait3A_103] : memref<40x128xi32, #tpu.memory_space<vmem>> -> memref<1x128xi32, #tpu.memory_space<vmem>>
          %dma_wait3A_105 = tpu.memref_squeeze %dma_wait3A_104 : memref<1x128xi32, #tpu.memory_space<vmem>> -> memref<128xi32, #tpu.memory_space<vmem>>
          %dma_wait3A_106 = arith.constant 0 : i32
          %dma_wait3A_107 = arith.constant 0 : i32
          %dma_wait3A_108 = tpu.memref_slice %arg13[%dma_wait3A_106, %dma_wait3A_107] : memref<10016x128xf32, #tpu.memory_space<vmem_shared>> -> memref<10016x128xf32, #tpu.memory_space<vmem_shared>>
          tpu.wait_indirect_dma semaphore(%run_scoped3A : memref<!tpu.dma_semaphore, #tpu.memory_space<semaphore_mem>>) src(%arg10 : memref<128x128xf32, #tpu.memory_space<vmem>>) dst(%dma_wait3A_108 : memref<10016x128xf32, #tpu.memory_space<vmem_shared>>)
          tpu.yield
        }) : () -> ()
      }
    } else {
    }
    %sub3A_16 = arith.constant 40 : i32
    %sub3A_17 = arith.subi %select_n3A, %sub3A_16 : i32
    %jit3A_18 = arith.constant 0 : i32
    %jit3A_19 = arith.constant 40 : i32
    %max3A_20 = arith.maxsi %jit3A_18, %sub3A_17 : i32
    %min3A_21 = arith.minsi %jit3A_19, %max3A_20 : i32
    %gt3A_22 = arith.constant 0 : i32
    %gt3A_23 = arith.cmpi sgt, %min3A_21, %gt3A_22 : i32
    %convert_element_type3A_24 = arith.extui %gt3A_23 : i1 to i32
    %cond3A_25 = arith.constant 0 : i32
    %cond3A_26 = arith.cmpi ne, %convert_element_type3A_24, %cond3A_25 : i32
    scf.if %cond3A_26 {
      %add3A_39 = arith.constant 40 : i32
      %add3A_40 = arith.addi %select_n3A_8, %add3A_39 : i32
      "tpu.region"() ({
        %run_scoped3A = tpu.sem_alloc : memref<!tpu.dma_semaphore, #tpu.memory_space<semaphore_mem>>
        %dma_start3A_66 = arith.constant 0 : i32
        %dma_start3A_67 = tpu.memref_slice %arg3[%add3A_40, %dma_start3A_66] : memref<2568x128xi32, #tpu.memory_space<hbm>> -> memref<40x128xi32, #tpu.memory_space<hbm>>
        %dma_start3A_68 = arith.constant 0 : i32
        %dma_start3A_69 = tpu.memref_slice %arg3[%add3A_40, %dma_start3A_68] : memref<2568x128xi32, #tpu.memory_space<hbm>> -> memref<40x128xi32, #tpu.memory_space<hbm>>
        tpu.enqueue_dma source(%dma_start3A_69 : memref<40x128xi32, #tpu.memory_space<hbm>>) target(%arg7 : memref<40x128xi32, #tpu.memory_space<vmem>>) target_semaphore(%run_scoped3A : memref<!tpu.dma_semaphore, #tpu.memory_space<semaphore_mem>>)
        %dma_wait3A = arith.constant 0 : i32
        %dma_wait3A_70 = tpu.memref_slice %arg3[%add3A_40, %dma_wait3A] : memref<2568x128xi32, #tpu.memory_space<hbm>> -> memref<40x128xi32, #tpu.memory_space<hbm>>
        %dma_wait3A_71 = arith.constant 0 : i32
        %dma_wait3A_72 = tpu.memref_slice %arg3[%add3A_40, %dma_wait3A_71] : memref<2568x128xi32, #tpu.memory_space<hbm>> -> memref<40x128xi32, #tpu.memory_space<hbm>>
        tpu.wait_dma2 semaphore(%run_scoped3A : memref<!tpu.dma_semaphore, #tpu.memory_space<semaphore_mem>>) src(%dma_wait3A_72 : memref<40x128xi32, #tpu.memory_space<hbm>>) dst(%arg7 : memref<40x128xi32, #tpu.memory_space<vmem>>)
        tpu.yield
      }) : () -> ()
      %add3A_41 = arith.constant 40 : i32
      %add3A_42 = arith.addi %select_n3A_8, %add3A_41 : i32
      "tpu.region"() ({
        %run_scoped3A = tpu.sem_alloc : memref<!tpu.dma_semaphore, #tpu.memory_space<semaphore_mem>>
        %dma_start3A_66 = arith.constant 0 : i32
        %dma_start3A_67 = tpu.memref_slice %arg4[%add3A_42, %dma_start3A_66] : memref<2568x128xi32, #tpu.memory_space<hbm>> -> memref<40x128xi32, #tpu.memory_space<hbm>>
        %dma_start3A_68 = arith.constant 0 : i32
        %dma_start3A_69 = tpu.memref_slice %arg4[%add3A_42, %dma_start3A_68] : memref<2568x128xi32, #tpu.memory_space<hbm>> -> memref<40x128xi32, #tpu.memory_space<hbm>>
        tpu.enqueue_dma source(%dma_start3A_69 : memref<40x128xi32, #tpu.memory_space<hbm>>) target(%arg8 : memref<40x128xi32, #tpu.memory_space<vmem>>) target_semaphore(%run_scoped3A : memref<!tpu.dma_semaphore, #tpu.memory_space<semaphore_mem>>)
        %dma_wait3A = arith.constant 0 : i32
        %dma_wait3A_70 = tpu.memref_slice %arg4[%add3A_42, %dma_wait3A] : memref<2568x128xi32, #tpu.memory_space<hbm>> -> memref<40x128xi32, #tpu.memory_space<hbm>>
        %dma_wait3A_71 = arith.constant 0 : i32
        %dma_wait3A_72 = tpu.memref_slice %arg4[%add3A_42, %dma_wait3A_71] : memref<2568x128xi32, #tpu.memory_space<hbm>> -> memref<40x128xi32, #tpu.memory_space<hbm>>
        tpu.wait_dma2 semaphore(%run_scoped3A : memref<!tpu.dma_semaphore, #tpu.memory_space<semaphore_mem>>) src(%dma_wait3A_72 : memref<40x128xi32, #tpu.memory_space<hbm>>) dst(%arg8 : memref<40x128xi32, #tpu.memory_space<vmem>>)
        tpu.yield
      }) : () -> ()
      %dma_start3A = arith.constant 0 : i32
      %dma_start3A_43 = arith.constant 0 : i32
      %dma_start3A_44 = tpu.memref_slice %arg7[%dma_start3A, %dma_start3A_43] : memref<40x128xi32, #tpu.memory_space<vmem>> -> memref<1x128xi32, #tpu.memory_space<vmem>>
      %dma_start3A_45 = tpu.memref_squeeze %dma_start3A_44 : memref<1x128xi32, #tpu.memory_space<vmem>> -> memref<128xi32, #tpu.memory_space<vmem>>
      %dma_start3A_46 = arith.constant 0 : i32
      %dma_start3A_47 = arith.constant 0 : i32
      %dma_start3A_48 = tpu.memref_slice %arg2[%dma_start3A_46, %dma_start3A_47] : memref<40000x128xf32, #tpu.memory_space<hbm>> -> memref<40000x128xf32, #tpu.memory_space<hbm>>
      tpu.enqueue_indirect_dma source(%dma_start3A_48 : memref<40000x128xf32, #tpu.memory_space<hbm>>) target(%arg9 : memref<128x128xf32, #tpu.memory_space<vmem>>) offsets(%dma_start3A_45 : memref<128xi32, #tpu.memory_space<vmem>>) semaphore(%arg11 : memref<!tpu.dma_semaphore, #tpu.memory_space<semaphore_mem>>)
      %sub3A_49 = arith.constant 0 : i32
      %sub3A_50 = arith.subi %min3A_21, %sub3A_49 : i32
      %sub3A_51 = arith.constant 2 : i32
      %sub3A_52 = arith.constant 1 : i32
      %sub3A_53 = arith.subi %sub3A_51, %sub3A_52 : i32
      %add3A_54 = arith.addi %sub3A_50, %sub3A_53 : i32
      %div3A = arith.constant 2 : i32
      %div3A_55 = arith.divsi %add3A_54, %div3A : i32
      %while3A = arith.constant 2 : i32
      %while3A_56 = arith.constant 0 : i32
      %while3A_57 = arith.constant 0 : i32
      %while3A_58 = arith.subi %div3A_55, %while3A_57 : i32
      %while3A_59 = arith.addi %while3A_57, %while3A_58 : i32
      %while3A_60 = arith.constant 1 : i32
      %while3A_61 = arith.divsi %while3A_58, %while3A_60 : i32
      %while3A_62 = arith.muli %while3A_61, %while3A_60 : i32
      %while3A_63 = arith.addi %while3A_57, %while3A_62 : i32
      %while3A_64 = arith.constant 1 : i32
      scf.for %while3A_66 = %while3A_57 to %while3A_63 step %while3A_64  : i32 {
        %mul3A_67 = arith.muli %while3A_66, %while3A : i32
        %add3A_68 = arith.addi %while3A_56, %mul3A_67 : i32
        %add3A_69 = arith.constant 1 : i32
        %add3A_70 = arith.addi %add3A_68, %add3A_69 : i32
        %dma_start3A_71 = arith.constant 0 : i32
        %dma_start3A_72 = tpu.memref_slice %arg7[%add3A_70, %dma_start3A_71] : memref<40x128xi32, #tpu.memory_space<vmem>> -> memref<1x128xi32, #tpu.memory_space<vmem>>
        %dma_start3A_73 = tpu.memref_squeeze %dma_start3A_72 : memref<1x128xi32, #tpu.memory_space<vmem>> -> memref<128xi32, #tpu.memory_space<vmem>>
        %dma_start3A_74 = arith.constant 0 : i32
        %dma_start3A_75 = arith.constant 0 : i32
        %dma_start3A_76 = tpu.memref_slice %arg2[%dma_start3A_74, %dma_start3A_75] : memref<40000x128xf32, #tpu.memory_space<hbm>> -> memref<40000x128xf32, #tpu.memory_space<hbm>>
        tpu.enqueue_indirect_dma source(%dma_start3A_76 : memref<40000x128xf32, #tpu.memory_space<hbm>>) target(%arg10 : memref<128x128xf32, #tpu.memory_space<vmem>>) offsets(%dma_start3A_73 : memref<128xi32, #tpu.memory_space<vmem>>) semaphore(%arg12 : memref<!tpu.dma_semaphore, #tpu.memory_space<semaphore_mem>>)
        %dma_wait3A = arith.constant 0 : i32
        %dma_wait3A_77 = tpu.memref_slice %arg7[%add3A_68, %dma_wait3A] : memref<40x128xi32, #tpu.memory_space<vmem>> -> memref<1x128xi32, #tpu.memory_space<vmem>>
        %dma_wait3A_78 = tpu.memref_squeeze %dma_wait3A_77 : memref<1x128xi32, #tpu.memory_space<vmem>> -> memref<128xi32, #tpu.memory_space<vmem>>
        %dma_wait3A_79 = arith.constant 0 : i32
        %dma_wait3A_80 = arith.constant 0 : i32
        %dma_wait3A_81 = tpu.memref_slice %arg2[%dma_wait3A_79, %dma_wait3A_80] : memref<40000x128xf32, #tpu.memory_space<hbm>> -> memref<40000x128xf32, #tpu.memory_space<hbm>>
        tpu.wait_indirect_dma semaphore(%arg11 : memref<!tpu.dma_semaphore, #tpu.memory_space<semaphore_mem>>) src(%dma_wait3A_81 : memref<40000x128xf32, #tpu.memory_space<hbm>>) dst(%arg9 : memref<128x128xf32, #tpu.memory_space<vmem>>)
        "tpu.region"() ({
          %run_scoped3A = tpu.sem_alloc : memref<!tpu.dma_semaphore, #tpu.memory_space<semaphore_mem>>
          %dma_start3A_97 = arith.constant 0 : i32
          %dma_start3A_98 = tpu.memref_slice %arg8[%add3A_68, %dma_start3A_97] : memref<40x128xi32, #tpu.memory_space<vmem>> -> memref<1x128xi32, #tpu.memory_space<vmem>>
          %dma_start3A_99 = tpu.memref_squeeze %dma_start3A_98 : memref<1x128xi32, #tpu.memory_space<vmem>> -> memref<128xi32, #tpu.memory_space<vmem>>
          %dma_start3A_100 = arith.constant 0 : i32
          %dma_start3A_101 = arith.constant 0 : i32
          %dma_start3A_102 = tpu.memref_slice %arg13[%dma_start3A_100, %dma_start3A_101] : memref<10016x128xf32, #tpu.memory_space<vmem_shared>> -> memref<10016x128xf32, #tpu.memory_space<vmem_shared>>
          tpu.enqueue_indirect_dma source(%arg9 : memref<128x128xf32, #tpu.memory_space<vmem>>) target(%dma_start3A_102 : memref<10016x128xf32, #tpu.memory_space<vmem_shared>>) offsets(%dma_start3A_99 : memref<128xi32, #tpu.memory_space<vmem>>) semaphore(%run_scoped3A : memref<!tpu.dma_semaphore, #tpu.memory_space<semaphore_mem>>) {add = true}
          %dma_wait3A_103 = arith.constant 0 : i32
          %dma_wait3A_104 = tpu.memref_slice %arg8[%add3A_68, %dma_wait3A_103] : memref<40x128xi32, #tpu.memory_space<vmem>> -> memref<1x128xi32, #tpu.memory_space<vmem>>
          %dma_wait3A_105 = tpu.memref_squeeze %dma_wait3A_104 : memref<1x128xi32, #tpu.memory_space<vmem>> -> memref<128xi32, #tpu.memory_space<vmem>>
          %dma_wait3A_106 = arith.constant 0 : i32
          %dma_wait3A_107 = arith.constant 0 : i32
          %dma_wait3A_108 = tpu.memref_slice %arg13[%dma_wait3A_106, %dma_wait3A_107] : memref<10016x128xf32, #tpu.memory_space<vmem_shared>> -> memref<10016x128xf32, #tpu.memory_space<vmem_shared>>
          tpu.wait_indirect_dma semaphore(%run_scoped3A : memref<!tpu.dma_semaphore, #tpu.memory_space<semaphore_mem>>) src(%arg9 : memref<128x128xf32, #tpu.memory_space<vmem>>) dst(%dma_wait3A_108 : memref<10016x128xf32, #tpu.memory_space<vmem_shared>>)
          tpu.yield
        }) : () -> ()
        %add3A_82 = arith.constant 2 : i32
        %add3A_83 = arith.addi %add3A_68, %add3A_82 : i32
        %lt3A = arith.cmpi slt, %add3A_83, %min3A_21 : i32
        %convert_element_type3A_84 = arith.extui %lt3A : i1 to i32
        %cond3A_85 = arith.constant 0 : i32
        %cond3A_86 = arith.cmpi ne, %convert_element_type3A_84, %cond3A_85 : i32
        scf.if %cond3A_86 {
          %add3A_97 = arith.constant 2 : i32
          %add3A_98 = arith.addi %add3A_68, %add3A_97 : i32
          %dma_start3A_99 = arith.constant 0 : i32
          %dma_start3A_100 = tpu.memref_slice %arg7[%add3A_98, %dma_start3A_99] : memref<40x128xi32, #tpu.memory_space<vmem>> -> memref<1x128xi32, #tpu.memory_space<vmem>>
          %dma_start3A_101 = tpu.memref_squeeze %dma_start3A_100 : memref<1x128xi32, #tpu.memory_space<vmem>> -> memref<128xi32, #tpu.memory_space<vmem>>
          %dma_start3A_102 = arith.constant 0 : i32
          %dma_start3A_103 = arith.constant 0 : i32
          %dma_start3A_104 = tpu.memref_slice %arg2[%dma_start3A_102, %dma_start3A_103] : memref<40000x128xf32, #tpu.memory_space<hbm>> -> memref<40000x128xf32, #tpu.memory_space<hbm>>
          tpu.enqueue_indirect_dma source(%dma_start3A_104 : memref<40000x128xf32, #tpu.memory_space<hbm>>) target(%arg9 : memref<128x128xf32, #tpu.memory_space<vmem>>) offsets(%dma_start3A_101 : memref<128xi32, #tpu.memory_space<vmem>>) semaphore(%arg11 : memref<!tpu.dma_semaphore, #tpu.memory_space<semaphore_mem>>)
        } else {
        }
        %add3A_87 = arith.constant 1 : i32
        %add3A_88 = arith.addi %add3A_68, %add3A_87 : i32
        %dma_wait3A_89 = arith.constant 0 : i32
        %dma_wait3A_90 = tpu.memref_slice %arg7[%add3A_88, %dma_wait3A_89] : memref<40x128xi32, #tpu.memory_space<vmem>> -> memref<1x128xi32, #tpu.memory_space<vmem>>
        %dma_wait3A_91 = tpu.memref_squeeze %dma_wait3A_90 : memref<1x128xi32, #tpu.memory_space<vmem>> -> memref<128xi32, #tpu.memory_space<vmem>>
        %dma_wait3A_92 = arith.constant 0 : i32
        %dma_wait3A_93 = arith.constant 0 : i32
        %dma_wait3A_94 = tpu.memref_slice %arg2[%dma_wait3A_92, %dma_wait3A_93] : memref<40000x128xf32, #tpu.memory_space<hbm>> -> memref<40000x128xf32, #tpu.memory_space<hbm>>
        tpu.wait_indirect_dma semaphore(%arg12 : memref<!tpu.dma_semaphore, #tpu.memory_space<semaphore_mem>>) src(%dma_wait3A_94 : memref<40000x128xf32, #tpu.memory_space<hbm>>) dst(%arg10 : memref<128x128xf32, #tpu.memory_space<vmem>>)
        %add3A_95 = arith.constant 1 : i32
        %add3A_96 = arith.addi %add3A_68, %add3A_95 : i32
        "tpu.region"() ({
          %run_scoped3A = tpu.sem_alloc : memref<!tpu.dma_semaphore, #tpu.memory_space<semaphore_mem>>
          %dma_start3A_97 = arith.constant 0 : i32
          %dma_start3A_98 = tpu.memref_slice %arg8[%add3A_96, %dma_start3A_97] : memref<40x128xi32, #tpu.memory_space<vmem>> -> memref<1x128xi32, #tpu.memory_space<vmem>>
          %dma_start3A_99 = tpu.memref_squeeze %dma_start3A_98 : memref<1x128xi32, #tpu.memory_space<vmem>> -> memref<128xi32, #tpu.memory_space<vmem>>
          %dma_start3A_100 = arith.constant 0 : i32
          %dma_start3A_101 = arith.constant 0 : i32
          %dma_start3A_102 = tpu.memref_slice %arg13[%dma_start3A_100, %dma_start3A_101] : memref<10016x128xf32, #tpu.memory_space<vmem_shared>> -> memref<10016x128xf32, #tpu.memory_space<vmem_shared>>
          tpu.enqueue_indirect_dma source(%arg10 : memref<128x128xf32, #tpu.memory_space<vmem>>) target(%dma_start3A_102 : memref<10016x128xf32, #tpu.memory_space<vmem_shared>>) offsets(%dma_start3A_99 : memref<128xi32, #tpu.memory_space<vmem>>) semaphore(%run_scoped3A : memref<!tpu.dma_semaphore, #tpu.memory_space<semaphore_mem>>) {add = true}
          %dma_wait3A_103 = arith.constant 0 : i32
          %dma_wait3A_104 = tpu.memref_slice %arg8[%add3A_96, %dma_wait3A_103] : memref<40x128xi32, #tpu.memory_space<vmem>> -> memref<1x128xi32, #tpu.memory_space<vmem>>
          %dma_wait3A_105 = tpu.memref_squeeze %dma_wait3A_104 : memref<1x128xi32, #tpu.memory_space<vmem>> -> memref<128xi32, #tpu.memory_space<vmem>>
          %dma_wait3A_106 = arith.constant 0 : i32
          %dma_wait3A_107 = arith.constant 0 : i32
          %dma_wait3A_108 = tpu.memref_slice %arg13[%dma_wait3A_106, %dma_wait3A_107] : memref<10016x128xf32, #tpu.memory_space<vmem_shared>> -> memref<10016x128xf32, #tpu.memory_space<vmem_shared>>
          tpu.wait_indirect_dma semaphore(%run_scoped3A : memref<!tpu.dma_semaphore, #tpu.memory_space<semaphore_mem>>) src(%arg10 : memref<128x128xf32, #tpu.memory_space<vmem>>) dst(%dma_wait3A_108 : memref<10016x128xf32, #tpu.memory_space<vmem_shared>>)
          tpu.yield
        }) : () -> ()
      }
      %while3A_65 = arith.constant 1 : i32
      scf.for %while3A_66 = %while3A_63 to %while3A_59 step %while3A_65  : i32 {
        %mul3A_67 = arith.muli %while3A_66, %while3A : i32
        %add3A_68 = arith.addi %while3A_56, %mul3A_67 : i32
        %add3A_69 = arith.constant 1 : i32
        %add3A_70 = arith.addi %add3A_68, %add3A_69 : i32
        %dma_start3A_71 = arith.constant 0 : i32
        %dma_start3A_72 = tpu.memref_slice %arg7[%add3A_70, %dma_start3A_71] : memref<40x128xi32, #tpu.memory_space<vmem>> -> memref<1x128xi32, #tpu.memory_space<vmem>>
        %dma_start3A_73 = tpu.memref_squeeze %dma_start3A_72 : memref<1x128xi32, #tpu.memory_space<vmem>> -> memref<128xi32, #tpu.memory_space<vmem>>
        %dma_start3A_74 = arith.constant 0 : i32
        %dma_start3A_75 = arith.constant 0 : i32
        %dma_start3A_76 = tpu.memref_slice %arg2[%dma_start3A_74, %dma_start3A_75] : memref<40000x128xf32, #tpu.memory_space<hbm>> -> memref<40000x128xf32, #tpu.memory_space<hbm>>
        tpu.enqueue_indirect_dma source(%dma_start3A_76 : memref<40000x128xf32, #tpu.memory_space<hbm>>) target(%arg10 : memref<128x128xf32, #tpu.memory_space<vmem>>) offsets(%dma_start3A_73 : memref<128xi32, #tpu.memory_space<vmem>>) semaphore(%arg12 : memref<!tpu.dma_semaphore, #tpu.memory_space<semaphore_mem>>)
        %dma_wait3A = arith.constant 0 : i32
        %dma_wait3A_77 = tpu.memref_slice %arg7[%add3A_68, %dma_wait3A] : memref<40x128xi32, #tpu.memory_space<vmem>> -> memref<1x128xi32, #tpu.memory_space<vmem>>
        %dma_wait3A_78 = tpu.memref_squeeze %dma_wait3A_77 : memref<1x128xi32, #tpu.memory_space<vmem>> -> memref<128xi32, #tpu.memory_space<vmem>>
        %dma_wait3A_79 = arith.constant 0 : i32
        %dma_wait3A_80 = arith.constant 0 : i32
        %dma_wait3A_81 = tpu.memref_slice %arg2[%dma_wait3A_79, %dma_wait3A_80] : memref<40000x128xf32, #tpu.memory_space<hbm>> -> memref<40000x128xf32, #tpu.memory_space<hbm>>
        tpu.wait_indirect_dma semaphore(%arg11 : memref<!tpu.dma_semaphore, #tpu.memory_space<semaphore_mem>>) src(%dma_wait3A_81 : memref<40000x128xf32, #tpu.memory_space<hbm>>) dst(%arg9 : memref<128x128xf32, #tpu.memory_space<vmem>>)
        "tpu.region"() ({
          %run_scoped3A = tpu.sem_alloc : memref<!tpu.dma_semaphore, #tpu.memory_space<semaphore_mem>>
          %dma_start3A_97 = arith.constant 0 : i32
          %dma_start3A_98 = tpu.memref_slice %arg8[%add3A_68, %dma_start3A_97] : memref<40x128xi32, #tpu.memory_space<vmem>> -> memref<1x128xi32, #tpu.memory_space<vmem>>
          %dma_start3A_99 = tpu.memref_squeeze %dma_start3A_98 : memref<1x128xi32, #tpu.memory_space<vmem>> -> memref<128xi32, #tpu.memory_space<vmem>>
          %dma_start3A_100 = arith.constant 0 : i32
          %dma_start3A_101 = arith.constant 0 : i32
          %dma_start3A_102 = tpu.memref_slice %arg13[%dma_start3A_100, %dma_start3A_101] : memref<10016x128xf32, #tpu.memory_space<vmem_shared>> -> memref<10016x128xf32, #tpu.memory_space<vmem_shared>>
          tpu.enqueue_indirect_dma source(%arg9 : memref<128x128xf32, #tpu.memory_space<vmem>>) target(%dma_start3A_102 : memref<10016x128xf32, #tpu.memory_space<vmem_shared>>) offsets(%dma_start3A_99 : memref<128xi32, #tpu.memory_space<vmem>>) semaphore(%run_scoped3A : memref<!tpu.dma_semaphore, #tpu.memory_space<semaphore_mem>>) {add = true}
          %dma_wait3A_103 = arith.constant 0 : i32
          %dma_wait3A_104 = tpu.memref_slice %arg8[%add3A_68, %dma_wait3A_103] : memref<40x128xi32, #tpu.memory_space<vmem>> -> memref<1x128xi32, #tpu.memory_space<vmem>>
          %dma_wait3A_105 = tpu.memref_squeeze %dma_wait3A_104 : memref<1x128xi32, #tpu.memory_space<vmem>> -> memref<128xi32, #tpu.memory_space<vmem>>
          %dma_wait3A_106 = arith.constant 0 : i32
          %dma_wait3A_107 = arith.constant 0 : i32
          %dma_wait3A_108 = tpu.memref_slice %arg13[%dma_wait3A_106, %dma_wait3A_107] : memref<10016x128xf32, #tpu.memory_space<vmem_shared>> -> memref<10016x128xf32, #tpu.memory_space<vmem_shared>>
          tpu.wait_indirect_dma semaphore(%run_scoped3A : memref<!tpu.dma_semaphore, #tpu.memory_space<semaphore_mem>>) src(%arg9 : memref<128x128xf32, #tpu.memory_space<vmem>>) dst(%dma_wait3A_108 : memref<10016x128xf32, #tpu.memory_space<vmem_shared>>)
          tpu.yield
        }) : () -> ()
        %add3A_82 = arith.constant 2 : i32
        %add3A_83 = arith.addi %add3A_68, %add3A_82 : i32
        %lt3A = arith.cmpi slt, %add3A_83, %min3A_21 : i32
        %convert_element_type3A_84 = arith.extui %lt3A : i1 to i32
        %cond3A_85 = arith.constant 0 : i32
        %cond3A_86 = arith.cmpi ne, %convert_element_type3A_84, %cond3A_85 : i32
        scf.if %cond3A_86 {
          %add3A_97 = arith.constant 2 : i32
          %add3A_98 = arith.addi %add3A_68, %add3A_97 : i32
          %dma_start3A_99 = arith.constant 0 : i32
          %dma_start3A_100 = tpu.memref_slice %arg7[%add3A_98, %dma_start3A_99] : memref<40x128xi32, #tpu.memory_space<vmem>> -> memref<1x128xi32, #tpu.memory_space<vmem>>
          %dma_start3A_101 = tpu.memref_squeeze %dma_start3A_100 : memref<1x128xi32, #tpu.memory_space<vmem>> -> memref<128xi32, #tpu.memory_space<vmem>>
          %dma_start3A_102 = arith.constant 0 : i32
          %dma_start3A_103 = arith.constant 0 : i32
          %dma_start3A_104 = tpu.memref_slice %arg2[%dma_start3A_102, %dma_start3A_103] : memref<40000x128xf32, #tpu.memory_space<hbm>> -> memref<40000x128xf32, #tpu.memory_space<hbm>>
          tpu.enqueue_indirect_dma source(%dma_start3A_104 : memref<40000x128xf32, #tpu.memory_space<hbm>>) target(%arg9 : memref<128x128xf32, #tpu.memory_space<vmem>>) offsets(%dma_start3A_101 : memref<128xi32, #tpu.memory_space<vmem>>) semaphore(%arg11 : memref<!tpu.dma_semaphore, #tpu.memory_space<semaphore_mem>>)
        } else {
        }
        %add3A_87 = arith.constant 1 : i32
        %add3A_88 = arith.addi %add3A_68, %add3A_87 : i32
        %dma_wait3A_89 = arith.constant 0 : i32
        %dma_wait3A_90 = tpu.memref_slice %arg7[%add3A_88, %dma_wait3A_89] : memref<40x128xi32, #tpu.memory_space<vmem>> -> memref<1x128xi32, #tpu.memory_space<vmem>>
        %dma_wait3A_91 = tpu.memref_squeeze %dma_wait3A_90 : memref<1x128xi32, #tpu.memory_space<vmem>> -> memref<128xi32, #tpu.memory_space<vmem>>
        %dma_wait3A_92 = arith.constant 0 : i32
        %dma_wait3A_93 = arith.constant 0 : i32
        %dma_wait3A_94 = tpu.memref_slice %arg2[%dma_wait3A_92, %dma_wait3A_93] : memref<40000x128xf32, #tpu.memory_space<hbm>> -> memref<40000x128xf32, #tpu.memory_space<hbm>>
        tpu.wait_indirect_dma semaphore(%arg12 : memref<!tpu.dma_semaphore, #tpu.memory_space<semaphore_mem>>) src(%dma_wait3A_94 : memref<40000x128xf32, #tpu.memory_space<hbm>>) dst(%arg10 : memref<128x128xf32, #tpu.memory_space<vmem>>)
        %add3A_95 = arith.constant 1 : i32
        %add3A_96 = arith.addi %add3A_68, %add3A_95 : i32
        "tpu.region"() ({
          %run_scoped3A = tpu.sem_alloc : memref<!tpu.dma_semaphore, #tpu.memory_space<semaphore_mem>>
          %dma_start3A_97 = arith.constant 0 : i32
          %dma_start3A_98 = tpu.memref_slice %arg8[%add3A_96, %dma_start3A_97] : memref<40x128xi32, #tpu.memory_space<vmem>> -> memref<1x128xi32, #tpu.memory_space<vmem>>
          %dma_start3A_99 = tpu.memref_squeeze %dma_start3A_98 : memref<1x128xi32, #tpu.memory_space<vmem>> -> memref<128xi32, #tpu.memory_space<vmem>>
          %dma_start3A_100 = arith.constant 0 : i32
          %dma_start3A_101 = arith.constant 0 : i32
          %dma_start3A_102 = tpu.memref_slice %arg13[%dma_start3A_100, %dma_start3A_101] : memref<10016x128xf32, #tpu.memory_space<vmem_shared>> -> memref<10016x128xf32, #tpu.memory_space<vmem_shared>>
          tpu.enqueue_indirect_dma source(%arg10 : memref<128x128xf32, #tpu.memory_space<vmem>>) target(%dma_start3A_102 : memref<10016x128xf32, #tpu.memory_space<vmem_shared>>) offsets(%dma_start3A_99 : memref<128xi32, #tpu.memory_space<vmem>>) semaphore(%run_scoped3A : memref<!tpu.dma_semaphore, #tpu.memory_space<semaphore_mem>>) {add = true}
          %dma_wait3A_103 = arith.constant 0 : i32
          %dma_wait3A_104 = tpu.memref_slice %arg8[%add3A_96, %dma_wait3A_103] : memref<40x128xi32, #tpu.memory_space<vmem>> -> memref<1x128xi32, #tpu.memory_space<vmem>>
          %dma_wait3A_105 = tpu.memref_squeeze %dma_wait3A_104 : memref<1x128xi32, #tpu.memory_space<vmem>> -> memref<128xi32, #tpu.memory_space<vmem>>
          %dma_wait3A_106 = arith.constant 0 : i32
          %dma_wait3A_107 = arith.constant 0 : i32
          %dma_wait3A_108 = tpu.memref_slice %arg13[%dma_wait3A_106, %dma_wait3A_107] : memref<10016x128xf32, #tpu.memory_space<vmem_shared>> -> memref<10016x128xf32, #tpu.memory_space<vmem_shared>>
          tpu.wait_indirect_dma semaphore(%run_scoped3A : memref<!tpu.dma_semaphore, #tpu.memory_space<semaphore_mem>>) src(%arg10 : memref<128x128xf32, #tpu.memory_space<vmem>>) dst(%dma_wait3A_108 : memref<10016x128xf32, #tpu.memory_space<vmem_shared>>)
          tpu.yield
        }) : () -> ()
      }
    } else {
    }
    %sub3A_27 = arith.constant 80 : i32
    %sub3A_28 = arith.subi %select_n3A, %sub3A_27 : i32
    %jit3A_29 = arith.constant 0 : i32
    %jit3A_30 = arith.constant 40 : i32
    %max3A_31 = arith.maxsi %jit3A_29, %sub3A_28 : i32
    %min3A_32 = arith.minsi %jit3A_30, %max3A_31 : i32
    %gt3A_33 = arith.constant 0 : i32
    %gt3A_34 = arith.cmpi sgt, %min3A_32, %gt3A_33 : i32
    %convert_element_type3A_35 = arith.extui %gt3A_34 : i1 to i32
    %cond3A_36 = arith.constant 0 : i32
    %cond3A_37 = arith.cmpi ne, %convert_element_type3A_35, %cond3A_36 : i32
    scf.if %cond3A_37 {
      %add3A_39 = arith.constant 80 : i32
      %add3A_40 = arith.addi %select_n3A_8, %add3A_39 : i32
      "tpu.region"() ({
        %run_scoped3A = tpu.sem_alloc : memref<!tpu.dma_semaphore, #tpu.memory_space<semaphore_mem>>
        %dma_start3A_66 = arith.constant 0 : i32
        %dma_start3A_67 = tpu.memref_slice %arg3[%add3A_40, %dma_start3A_66] : memref<2568x128xi32, #tpu.memory_space<hbm>> -> memref<40x128xi32, #tpu.memory_space<hbm>>
        %dma_start3A_68 = arith.constant 0 : i32
        %dma_start3A_69 = tpu.memref_slice %arg3[%add3A_40, %dma_start3A_68] : memref<2568x128xi32, #tpu.memory_space<hbm>> -> memref<40x128xi32, #tpu.memory_space<hbm>>
        tpu.enqueue_dma source(%dma_start3A_69 : memref<40x128xi32, #tpu.memory_space<hbm>>) target(%arg7 : memref<40x128xi32, #tpu.memory_space<vmem>>) target_semaphore(%run_scoped3A : memref<!tpu.dma_semaphore, #tpu.memory_space<semaphore_mem>>)
        %dma_wait3A = arith.constant 0 : i32
        %dma_wait3A_70 = tpu.memref_slice %arg3[%add3A_40, %dma_wait3A] : memref<2568x128xi32, #tpu.memory_space<hbm>> -> memref<40x128xi32, #tpu.memory_space<hbm>>
        %dma_wait3A_71 = arith.constant 0 : i32
        %dma_wait3A_72 = tpu.memref_slice %arg3[%add3A_40, %dma_wait3A_71] : memref<2568x128xi32, #tpu.memory_space<hbm>> -> memref<40x128xi32, #tpu.memory_space<hbm>>
        tpu.wait_dma2 semaphore(%run_scoped3A : memref<!tpu.dma_semaphore, #tpu.memory_space<semaphore_mem>>) src(%dma_wait3A_72 : memref<40x128xi32, #tpu.memory_space<hbm>>) dst(%arg7 : memref<40x128xi32, #tpu.memory_space<vmem>>)
        tpu.yield
      }) : () -> ()
      %add3A_41 = arith.constant 80 : i32
      %add3A_42 = arith.addi %select_n3A_8, %add3A_41 : i32
      "tpu.region"() ({
        %run_scoped3A = tpu.sem_alloc : memref<!tpu.dma_semaphore, #tpu.memory_space<semaphore_mem>>
        %dma_start3A_66 = arith.constant 0 : i32
        %dma_start3A_67 = tpu.memref_slice %arg4[%add3A_42, %dma_start3A_66] : memref<2568x128xi32, #tpu.memory_space<hbm>> -> memref<40x128xi32, #tpu.memory_space<hbm>>
        %dma_start3A_68 = arith.constant 0 : i32
        %dma_start3A_69 = tpu.memref_slice %arg4[%add3A_42, %dma_start3A_68] : memref<2568x128xi32, #tpu.memory_space<hbm>> -> memref<40x128xi32, #tpu.memory_space<hbm>>
        tpu.enqueue_dma source(%dma_start3A_69 : memref<40x128xi32, #tpu.memory_space<hbm>>) target(%arg8 : memref<40x128xi32, #tpu.memory_space<vmem>>) target_semaphore(%run_scoped3A : memref<!tpu.dma_semaphore, #tpu.memory_space<semaphore_mem>>)
        %dma_wait3A = arith.constant 0 : i32
        %dma_wait3A_70 = tpu.memref_slice %arg4[%add3A_42, %dma_wait3A] : memref<2568x128xi32, #tpu.memory_space<hbm>> -> memref<40x128xi32, #tpu.memory_space<hbm>>
        %dma_wait3A_71 = arith.constant 0 : i32
        %dma_wait3A_72 = tpu.memref_slice %arg4[%add3A_42, %dma_wait3A_71] : memref<2568x128xi32, #tpu.memory_space<hbm>> -> memref<40x128xi32, #tpu.memory_space<hbm>>
        tpu.wait_dma2 semaphore(%run_scoped3A : memref<!tpu.dma_semaphore, #tpu.memory_space<semaphore_mem>>) src(%dma_wait3A_72 : memref<40x128xi32, #tpu.memory_space<hbm>>) dst(%arg8 : memref<40x128xi32, #tpu.memory_space<vmem>>)
        tpu.yield
      }) : () -> ()
      %dma_start3A = arith.constant 0 : i32
      %dma_start3A_43 = arith.constant 0 : i32
      %dma_start3A_44 = tpu.memref_slice %arg7[%dma_start3A, %dma_start3A_43] : memref<40x128xi32, #tpu.memory_space<vmem>> -> memref<1x128xi32, #tpu.memory_space<vmem>>
      %dma_start3A_45 = tpu.memref_squeeze %dma_start3A_44 : memref<1x128xi32, #tpu.memory_space<vmem>> -> memref<128xi32, #tpu.memory_space<vmem>>
      %dma_start3A_46 = arith.constant 0 : i32
      %dma_start3A_47 = arith.constant 0 : i32
      %dma_start3A_48 = tpu.memref_slice %arg2[%dma_start3A_46, %dma_start3A_47] : memref<40000x128xf32, #tpu.memory_space<hbm>> -> memref<40000x128xf32, #tpu.memory_space<hbm>>
      tpu.enqueue_indirect_dma source(%dma_start3A_48 : memref<40000x128xf32, #tpu.memory_space<hbm>>) target(%arg9 : memref<128x128xf32, #tpu.memory_space<vmem>>) offsets(%dma_start3A_45 : memref<128xi32, #tpu.memory_space<vmem>>) semaphore(%arg11 : memref<!tpu.dma_semaphore, #tpu.memory_space<semaphore_mem>>)
      %sub3A_49 = arith.constant 0 : i32
      %sub3A_50 = arith.subi %min3A_32, %sub3A_49 : i32
      %sub3A_51 = arith.constant 2 : i32
      %sub3A_52 = arith.constant 1 : i32
      %sub3A_53 = arith.subi %sub3A_51, %sub3A_52 : i32
      %add3A_54 = arith.addi %sub3A_50, %sub3A_53 : i32
      %div3A = arith.constant 2 : i32
      %div3A_55 = arith.divsi %add3A_54, %div3A : i32
      %while3A = arith.constant 2 : i32
      %while3A_56 = arith.constant 0 : i32
      %while3A_57 = arith.constant 0 : i32
      %while3A_58 = arith.subi %div3A_55, %while3A_57 : i32
      %while3A_59 = arith.addi %while3A_57, %while3A_58 : i32
      %while3A_60 = arith.constant 1 : i32
      %while3A_61 = arith.divsi %while3A_58, %while3A_60 : i32
      %while3A_62 = arith.muli %while3A_61, %while3A_60 : i32
      %while3A_63 = arith.addi %while3A_57, %while3A_62 : i32
      %while3A_64 = arith.constant 1 : i32
      scf.for %while3A_66 = %while3A_57 to %while3A_63 step %while3A_64  : i32 {
        %mul3A_67 = arith.muli %while3A_66, %while3A : i32
        %add3A_68 = arith.addi %while3A_56, %mul3A_67 : i32
        %add3A_69 = arith.constant 1 : i32
        %add3A_70 = arith.addi %add3A_68, %add3A_69 : i32
        %dma_start3A_71 = arith.constant 0 : i32
        %dma_start3A_72 = tpu.memref_slice %arg7[%add3A_70, %dma_start3A_71] : memref<40x128xi32, #tpu.memory_space<vmem>> -> memref<1x128xi32, #tpu.memory_space<vmem>>
        %dma_start3A_73 = tpu.memref_squeeze %dma_start3A_72 : memref<1x128xi32, #tpu.memory_space<vmem>> -> memref<128xi32, #tpu.memory_space<vmem>>
        %dma_start3A_74 = arith.constant 0 : i32
        %dma_start3A_75 = arith.constant 0 : i32
        %dma_start3A_76 = tpu.memref_slice %arg2[%dma_start3A_74, %dma_start3A_75] : memref<40000x128xf32, #tpu.memory_space<hbm>> -> memref<40000x128xf32, #tpu.memory_space<hbm>>
        tpu.enqueue_indirect_dma source(%dma_start3A_76 : memref<40000x128xf32, #tpu.memory_space<hbm>>) target(%arg10 : memref<128x128xf32, #tpu.memory_space<vmem>>) offsets(%dma_start3A_73 : memref<128xi32, #tpu.memory_space<vmem>>) semaphore(%arg12 : memref<!tpu.dma_semaphore, #tpu.memory_space<semaphore_mem>>)
        %dma_wait3A = arith.constant 0 : i32
        %dma_wait3A_77 = tpu.memref_slice %arg7[%add3A_68, %dma_wait3A] : memref<40x128xi32, #tpu.memory_space<vmem>> -> memref<1x128xi32, #tpu.memory_space<vmem>>
        %dma_wait3A_78 = tpu.memref_squeeze %dma_wait3A_77 : memref<1x128xi32, #tpu.memory_space<vmem>> -> memref<128xi32, #tpu.memory_space<vmem>>
        %dma_wait3A_79 = arith.constant 0 : i32
        %dma_wait3A_80 = arith.constant 0 : i32
        %dma_wait3A_81 = tpu.memref_slice %arg2[%dma_wait3A_79, %dma_wait3A_80] : memref<40000x128xf32, #tpu.memory_space<hbm>> -> memref<40000x128xf32, #tpu.memory_space<hbm>>
        tpu.wait_indirect_dma semaphore(%arg11 : memref<!tpu.dma_semaphore, #tpu.memory_space<semaphore_mem>>) src(%dma_wait3A_81 : memref<40000x128xf32, #tpu.memory_space<hbm>>) dst(%arg9 : memref<128x128xf32, #tpu.memory_space<vmem>>)
        "tpu.region"() ({
          %run_scoped3A = tpu.sem_alloc : memref<!tpu.dma_semaphore, #tpu.memory_space<semaphore_mem>>
          %dma_start3A_97 = arith.constant 0 : i32
          %dma_start3A_98 = tpu.memref_slice %arg8[%add3A_68, %dma_start3A_97] : memref<40x128xi32, #tpu.memory_space<vmem>> -> memref<1x128xi32, #tpu.memory_space<vmem>>
          %dma_start3A_99 = tpu.memref_squeeze %dma_start3A_98 : memref<1x128xi32, #tpu.memory_space<vmem>> -> memref<128xi32, #tpu.memory_space<vmem>>
          %dma_start3A_100 = arith.constant 0 : i32
          %dma_start3A_101 = arith.constant 0 : i32
          %dma_start3A_102 = tpu.memref_slice %arg13[%dma_start3A_100, %dma_start3A_101] : memref<10016x128xf32, #tpu.memory_space<vmem_shared>> -> memref<10016x128xf32, #tpu.memory_space<vmem_shared>>
          tpu.enqueue_indirect_dma source(%arg9 : memref<128x128xf32, #tpu.memory_space<vmem>>) target(%dma_start3A_102 : memref<10016x128xf32, #tpu.memory_space<vmem_shared>>) offsets(%dma_start3A_99 : memref<128xi32, #tpu.memory_space<vmem>>) semaphore(%run_scoped3A : memref<!tpu.dma_semaphore, #tpu.memory_space<semaphore_mem>>) {add = true}
          %dma_wait3A_103 = arith.constant 0 : i32
          %dma_wait3A_104 = tpu.memref_slice %arg8[%add3A_68, %dma_wait3A_103] : memref<40x128xi32, #tpu.memory_space<vmem>> -> memref<1x128xi32, #tpu.memory_space<vmem>>
          %dma_wait3A_105 = tpu.memref_squeeze %dma_wait3A_104 : memref<1x128xi32, #tpu.memory_space<vmem>> -> memref<128xi32, #tpu.memory_space<vmem>>
          %dma_wait3A_106 = arith.constant 0 : i32
          %dma_wait3A_107 = arith.constant 0 : i32
          %dma_wait3A_108 = tpu.memref_slice %arg13[%dma_wait3A_106, %dma_wait3A_107] : memref<10016x128xf32, #tpu.memory_space<vmem_shared>> -> memref<10016x128xf32, #tpu.memory_space<vmem_shared>>
          tpu.wait_indirect_dma semaphore(%run_scoped3A : memref<!tpu.dma_semaphore, #tpu.memory_space<semaphore_mem>>) src(%arg9 : memref<128x128xf32, #tpu.memory_space<vmem>>) dst(%dma_wait3A_108 : memref<10016x128xf32, #tpu.memory_space<vmem_shared>>)
          tpu.yield
        }) : () -> ()
        %add3A_82 = arith.constant 2 : i32
        %add3A_83 = arith.addi %add3A_68, %add3A_82 : i32
        %lt3A = arith.cmpi slt, %add3A_83, %min3A_32 : i32
        %convert_element_type3A_84 = arith.extui %lt3A : i1 to i32
        %cond3A_85 = arith.constant 0 : i32
        %cond3A_86 = arith.cmpi ne, %convert_element_type3A_84, %cond3A_85 : i32
        scf.if %cond3A_86 {
          %add3A_97 = arith.constant 2 : i32
          %add3A_98 = arith.addi %add3A_68, %add3A_97 : i32
          %dma_start3A_99 = arith.constant 0 : i32
          %dma_start3A_100 = tpu.memref_slice %arg7[%add3A_98, %dma_start3A_99] : memref<40x128xi32, #tpu.memory_space<vmem>> -> memref<1x128xi32, #tpu.memory_space<vmem>>
          %dma_start3A_101 = tpu.memref_squeeze %dma_start3A_100 : memref<1x128xi32, #tpu.memory_space<vmem>> -> memref<128xi32, #tpu.memory_space<vmem>>
          %dma_start3A_102 = arith.constant 0 : i32
          %dma_start3A_103 = arith.constant 0 : i32
          %dma_start3A_104 = tpu.memref_slice %arg2[%dma_start3A_102, %dma_start3A_103] : memref<40000x128xf32, #tpu.memory_space<hbm>> -> memref<40000x128xf32, #tpu.memory_space<hbm>>
          tpu.enqueue_indirect_dma source(%dma_start3A_104 : memref<40000x128xf32, #tpu.memory_space<hbm>>) target(%arg9 : memref<128x128xf32, #tpu.memory_space<vmem>>) offsets(%dma_start3A_101 : memref<128xi32, #tpu.memory_space<vmem>>) semaphore(%arg11 : memref<!tpu.dma_semaphore, #tpu.memory_space<semaphore_mem>>)
        } else {
        }
        %add3A_87 = arith.constant 1 : i32
        %add3A_88 = arith.addi %add3A_68, %add3A_87 : i32
        %dma_wait3A_89 = arith.constant 0 : i32
        %dma_wait3A_90 = tpu.memref_slice %arg7[%add3A_88, %dma_wait3A_89] : memref<40x128xi32, #tpu.memory_space<vmem>> -> memref<1x128xi32, #tpu.memory_space<vmem>>
        %dma_wait3A_91 = tpu.memref_squeeze %dma_wait3A_90 : memref<1x128xi32, #tpu.memory_space<vmem>> -> memref<128xi32, #tpu.memory_space<vmem>>
        %dma_wait3A_92 = arith.constant 0 : i32
        %dma_wait3A_93 = arith.constant 0 : i32
        %dma_wait3A_94 = tpu.memref_slice %arg2[%dma_wait3A_92, %dma_wait3A_93] : memref<40000x128xf32, #tpu.memory_space<hbm>> -> memref<40000x128xf32, #tpu.memory_space<hbm>>
        tpu.wait_indirect_dma semaphore(%arg12 : memref<!tpu.dma_semaphore, #tpu.memory_space<semaphore_mem>>) src(%dma_wait3A_94 : memref<40000x128xf32, #tpu.memory_space<hbm>>) dst(%arg10 : memref<128x128xf32, #tpu.memory_space<vmem>>)
        %add3A_95 = arith.constant 1 : i32
        %add3A_96 = arith.addi %add3A_68, %add3A_95 : i32
        "tpu.region"() ({
          %run_scoped3A = tpu.sem_alloc : memref<!tpu.dma_semaphore, #tpu.memory_space<semaphore_mem>>
          %dma_start3A_97 = arith.constant 0 : i32
          %dma_start3A_98 = tpu.memref_slice %arg8[%add3A_96, %dma_start3A_97] : memref<40x128xi32, #tpu.memory_space<vmem>> -> memref<1x128xi32, #tpu.memory_space<vmem>>
          %dma_start3A_99 = tpu.memref_squeeze %dma_start3A_98 : memref<1x128xi32, #tpu.memory_space<vmem>> -> memref<128xi32, #tpu.memory_space<vmem>>
          %dma_start3A_100 = arith.constant 0 : i32
          %dma_start3A_101 = arith.constant 0 : i32
          %dma_start3A_102 = tpu.memref_slice %arg13[%dma_start3A_100, %dma_start3A_101] : memref<10016x128xf32, #tpu.memory_space<vmem_shared>> -> memref<10016x128xf32, #tpu.memory_space<vmem_shared>>
          tpu.enqueue_indirect_dma source(%arg10 : memref<128x128xf32, #tpu.memory_space<vmem>>) target(%dma_start3A_102 : memref<10016x128xf32, #tpu.memory_space<vmem_shared>>) offsets(%dma_start3A_99 : memref<128xi32, #tpu.memory_space<vmem>>) semaphore(%run_scoped3A : memref<!tpu.dma_semaphore, #tpu.memory_space<semaphore_mem>>) {add = true}
          %dma_wait3A_103 = arith.constant 0 : i32
          %dma_wait3A_104 = tpu.memref_slice %arg8[%add3A_96, %dma_wait3A_103] : memref<40x128xi32, #tpu.memory_space<vmem>> -> memref<1x128xi32, #tpu.memory_space<vmem>>
          %dma_wait3A_105 = tpu.memref_squeeze %dma_wait3A_104 : memref<1x128xi32, #tpu.memory_space<vmem>> -> memref<128xi32, #tpu.memory_space<vmem>>
          %dma_wait3A_106 = arith.constant 0 : i32
          %dma_wait3A_107 = arith.constant 0 : i32
          %dma_wait3A_108 = tpu.memref_slice %arg13[%dma_wait3A_106, %dma_wait3A_107] : memref<10016x128xf32, #tpu.memory_space<vmem_shared>> -> memref<10016x128xf32, #tpu.memory_space<vmem_shared>>
          tpu.wait_indirect_dma semaphore(%run_scoped3A : memref<!tpu.dma_semaphore, #tpu.memory_space<semaphore_mem>>) src(%arg10 : memref<128x128xf32, #tpu.memory_space<vmem>>) dst(%dma_wait3A_108 : memref<10016x128xf32, #tpu.memory_space<vmem_shared>>)
          tpu.yield
        }) : () -> ()
      }
      %while3A_65 = arith.constant 1 : i32
      scf.for %while3A_66 = %while3A_63 to %while3A_59 step %while3A_65  : i32 {
        %mul3A_67 = arith.muli %while3A_66, %while3A : i32
        %add3A_68 = arith.addi %while3A_56, %mul3A_67 : i32
        %add3A_69 = arith.constant 1 : i32
        %add3A_70 = arith.addi %add3A_68, %add3A_69 : i32
        %dma_start3A_71 = arith.constant 0 : i32
        %dma_start3A_72 = tpu.memref_slice %arg7[%add3A_70, %dma_start3A_71] : memref<40x128xi32, #tpu.memory_space<vmem>> -> memref<1x128xi32, #tpu.memory_space<vmem>>
        %dma_start3A_73 = tpu.memref_squeeze %dma_start3A_72 : memref<1x128xi32, #tpu.memory_space<vmem>> -> memref<128xi32, #tpu.memory_space<vmem>>
        %dma_start3A_74 = arith.constant 0 : i32
        %dma_start3A_75 = arith.constant 0 : i32
        %dma_start3A_76 = tpu.memref_slice %arg2[%dma_start3A_74, %dma_start3A_75] : memref<40000x128xf32, #tpu.memory_space<hbm>> -> memref<40000x128xf32, #tpu.memory_space<hbm>>
        tpu.enqueue_indirect_dma source(%dma_start3A_76 : memref<40000x128xf32, #tpu.memory_space<hbm>>) target(%arg10 : memref<128x128xf32, #tpu.memory_space<vmem>>) offsets(%dma_start3A_73 : memref<128xi32, #tpu.memory_space<vmem>>) semaphore(%arg12 : memref<!tpu.dma_semaphore, #tpu.memory_space<semaphore_mem>>)
        %dma_wait3A = arith.constant 0 : i32
        %dma_wait3A_77 = tpu.memref_slice %arg7[%add3A_68, %dma_wait3A] : memref<40x128xi32, #tpu.memory_space<vmem>> -> memref<1x128xi32, #tpu.memory_space<vmem>>
        %dma_wait3A_78 = tpu.memref_squeeze %dma_wait3A_77 : memref<1x128xi32, #tpu.memory_space<vmem>> -> memref<128xi32, #tpu.memory_space<vmem>>
        %dma_wait3A_79 = arith.constant 0 : i32
        %dma_wait3A_80 = arith.constant 0 : i32
        %dma_wait3A_81 = tpu.memref_slice %arg2[%dma_wait3A_79, %dma_wait3A_80] : memref<40000x128xf32, #tpu.memory_space<hbm>> -> memref<40000x128xf32, #tpu.memory_space<hbm>>
        tpu.wait_indirect_dma semaphore(%arg11 : memref<!tpu.dma_semaphore, #tpu.memory_space<semaphore_mem>>) src(%dma_wait3A_81 : memref<40000x128xf32, #tpu.memory_space<hbm>>) dst(%arg9 : memref<128x128xf32, #tpu.memory_space<vmem>>)
        "tpu.region"() ({
          %run_scoped3A = tpu.sem_alloc : memref<!tpu.dma_semaphore, #tpu.memory_space<semaphore_mem>>
          %dma_start3A_97 = arith.constant 0 : i32
          %dma_start3A_98 = tpu.memref_slice %arg8[%add3A_68, %dma_start3A_97] : memref<40x128xi32, #tpu.memory_space<vmem>> -> memref<1x128xi32, #tpu.memory_space<vmem>>
          %dma_start3A_99 = tpu.memref_squeeze %dma_start3A_98 : memref<1x128xi32, #tpu.memory_space<vmem>> -> memref<128xi32, #tpu.memory_space<vmem>>
          %dma_start3A_100 = arith.constant 0 : i32
          %dma_start3A_101 = arith.constant 0 : i32
          %dma_start3A_102 = tpu.memref_slice %arg13[%dma_start3A_100, %dma_start3A_101] : memref<10016x128xf32, #tpu.memory_space<vmem_shared>> -> memref<10016x128xf32, #tpu.memory_space<vmem_shared>>
          tpu.enqueue_indirect_dma source(%arg9 : memref<128x128xf32, #tpu.memory_space<vmem>>) target(%dma_start3A_102 : memref<10016x128xf32, #tpu.memory_space<vmem_shared>>) offsets(%dma_start3A_99 : memref<128xi32, #tpu.memory_space<vmem>>) semaphore(%run_scoped3A : memref<!tpu.dma_semaphore, #tpu.memory_space<semaphore_mem>>) {add = true}
          %dma_wait3A_103 = arith.constant 0 : i32
          %dma_wait3A_104 = tpu.memref_slice %arg8[%add3A_68, %dma_wait3A_103] : memref<40x128xi32, #tpu.memory_space<vmem>> -> memref<1x128xi32, #tpu.memory_space<vmem>>
          %dma_wait3A_105 = tpu.memref_squeeze %dma_wait3A_104 : memref<1x128xi32, #tpu.memory_space<vmem>> -> memref<128xi32, #tpu.memory_space<vmem>>
          %dma_wait3A_106 = arith.constant 0 : i32
          %dma_wait3A_107 = arith.constant 0 : i32
          %dma_wait3A_108 = tpu.memref_slice %arg13[%dma_wait3A_106, %dma_wait3A_107] : memref<10016x128xf32, #tpu.memory_space<vmem_shared>> -> memref<10016x128xf32, #tpu.memory_space<vmem_shared>>
          tpu.wait_indirect_dma semaphore(%run_scoped3A : memref<!tpu.dma_semaphore, #tpu.memory_space<semaphore_mem>>) src(%arg9 : memref<128x128xf32, #tpu.memory_space<vmem>>) dst(%dma_wait3A_108 : memref<10016x128xf32, #tpu.memory_space<vmem_shared>>)
          tpu.yield
        }) : () -> ()
        %add3A_82 = arith.constant 2 : i32
        %add3A_83 = arith.addi %add3A_68, %add3A_82 : i32
        %lt3A = arith.cmpi slt, %add3A_83, %min3A_32 : i32
        %convert_element_type3A_84 = arith.extui %lt3A : i1 to i32
        %cond3A_85 = arith.constant 0 : i32
        %cond3A_86 = arith.cmpi ne, %convert_element_type3A_84, %cond3A_85 : i32
        scf.if %cond3A_86 {
          %add3A_97 = arith.constant 2 : i32
          %add3A_98 = arith.addi %add3A_68, %add3A_97 : i32
          %dma_start3A_99 = arith.constant 0 : i32
          %dma_start3A_100 = tpu.memref_slice %arg7[%add3A_98, %dma_start3A_99] : memref<40x128xi32, #tpu.memory_space<vmem>> -> memref<1x128xi32, #tpu.memory_space<vmem>>
          %dma_start3A_101 = tpu.memref_squeeze %dma_start3A_100 : memref<1x128xi32, #tpu.memory_space<vmem>> -> memref<128xi32, #tpu.memory_space<vmem>>
          %dma_start3A_102 = arith.constant 0 : i32
          %dma_start3A_103 = arith.constant 0 : i32
          %dma_start3A_104 = tpu.memref_slice %arg2[%dma_start3A_102, %dma_start3A_103] : memref<40000x128xf32, #tpu.memory_space<hbm>> -> memref<40000x128xf32, #tpu.memory_space<hbm>>
          tpu.enqueue_indirect_dma source(%dma_start3A_104 : memref<40000x128xf32, #tpu.memory_space<hbm>>) target(%arg9 : memref<128x128xf32, #tpu.memory_space<vmem>>) offsets(%dma_start3A_101 : memref<128xi32, #tpu.memory_space<vmem>>) semaphore(%arg11 : memref<!tpu.dma_semaphore, #tpu.memory_space<semaphore_mem>>)
        } else {
        }
        %add3A_87 = arith.constant 1 : i32
        %add3A_88 = arith.addi %add3A_68, %add3A_87 : i32
        %dma_wait3A_89 = arith.constant 0 : i32
        %dma_wait3A_90 = tpu.memref_slice %arg7[%add3A_88, %dma_wait3A_89] : memref<40x128xi32, #tpu.memory_space<vmem>> -> memref<1x128xi32, #tpu.memory_space<vmem>>
        %dma_wait3A_91 = tpu.memref_squeeze %dma_wait3A_90 : memref<1x128xi32, #tpu.memory_space<vmem>> -> memref<128xi32, #tpu.memory_space<vmem>>
        %dma_wait3A_92 = arith.constant 0 : i32
        %dma_wait3A_93 = arith.constant 0 : i32
        %dma_wait3A_94 = tpu.memref_slice %arg2[%dma_wait3A_92, %dma_wait3A_93] : memref<40000x128xf32, #tpu.memory_space<hbm>> -> memref<40000x128xf32, #tpu.memory_space<hbm>>
        tpu.wait_indirect_dma semaphore(%arg12 : memref<!tpu.dma_semaphore, #tpu.memory_space<semaphore_mem>>) src(%dma_wait3A_94 : memref<40000x128xf32, #tpu.memory_space<hbm>>) dst(%arg10 : memref<128x128xf32, #tpu.memory_space<vmem>>)
        %add3A_95 = arith.constant 1 : i32
        %add3A_96 = arith.addi %add3A_68, %add3A_95 : i32
        "tpu.region"() ({
          %run_scoped3A = tpu.sem_alloc : memref<!tpu.dma_semaphore, #tpu.memory_space<semaphore_mem>>
          %dma_start3A_97 = arith.constant 0 : i32
          %dma_start3A_98 = tpu.memref_slice %arg8[%add3A_96, %dma_start3A_97] : memref<40x128xi32, #tpu.memory_space<vmem>> -> memref<1x128xi32, #tpu.memory_space<vmem>>
          %dma_start3A_99 = tpu.memref_squeeze %dma_start3A_98 : memref<1x128xi32, #tpu.memory_space<vmem>> -> memref<128xi32, #tpu.memory_space<vmem>>
          %dma_start3A_100 = arith.constant 0 : i32
          %dma_start3A_101 = arith.constant 0 : i32
          %dma_start3A_102 = tpu.memref_slice %arg13[%dma_start3A_100, %dma_start3A_101] : memref<10016x128xf32, #tpu.memory_space<vmem_shared>> -> memref<10016x128xf32, #tpu.memory_space<vmem_shared>>
          tpu.enqueue_indirect_dma source(%arg10 : memref<128x128xf32, #tpu.memory_space<vmem>>) target(%dma_start3A_102 : memref<10016x128xf32, #tpu.memory_space<vmem_shared>>) offsets(%dma_start3A_99 : memref<128xi32, #tpu.memory_space<vmem>>) semaphore(%run_scoped3A : memref<!tpu.dma_semaphore, #tpu.memory_space<semaphore_mem>>) {add = true}
          %dma_wait3A_103 = arith.constant 0 : i32
          %dma_wait3A_104 = tpu.memref_slice %arg8[%add3A_96, %dma_wait3A_103] : memref<40x128xi32, #tpu.memory_space<vmem>> -> memref<1x128xi32, #tpu.memory_space<vmem>>
          %dma_wait3A_105 = tpu.memref_squeeze %dma_wait3A_104 : memref<1x128xi32, #tpu.memory_space<vmem>> -> memref<128xi32, #tpu.memory_space<vmem>>
          %dma_wait3A_106 = arith.constant 0 : i32
          %dma_wait3A_107 = arith.constant 0 : i32
          %dma_wait3A_108 = tpu.memref_slice %arg13[%dma_wait3A_106, %dma_wait3A_107] : memref<10016x128xf32, #tpu.memory_space<vmem_shared>> -> memref<10016x128xf32, #tpu.memory_space<vmem_shared>>
          tpu.wait_indirect_dma semaphore(%run_scoped3A : memref<!tpu.dma_semaphore, #tpu.memory_space<semaphore_mem>>) src(%arg10 : memref<128x128xf32, #tpu.memory_space<vmem>>) dst(%dma_wait3A_108 : memref<10016x128xf32, #tpu.memory_space<vmem_shared>>)
          tpu.yield
        }) : () -> ()
      }
    } else {
    }
    %barrier3A_38 = arith.constant 0 : index
    tpu.barrier barrier_id(%barrier3A_38)
    "tpu.region"() ({
      %run_scoped3A = tpu.sem_alloc : memref<!tpu.dma_semaphore, #tpu.memory_space<semaphore_mem>>
      %dma_start3A = arith.constant 0 : i32
      %dma_start3A_39 = tpu.memref_slice %arg6[%arg0, %mul3A_10, %dma_start3A] : memref<2x10016x128xf32, #tpu.memory_space<hbm>> -> memref<1x626x128xf32, #tpu.memory_space<hbm>>
      %dma_start3A_40 = tpu.memref_squeeze %dma_start3A_39 : memref<1x626x128xf32, #tpu.memory_space<hbm>> -> memref<626x128xf32, #tpu.memory_space<hbm>>
      %dma_start3A_41 = arith.constant 0 : i32
      %dma_start3A_42 = tpu.memref_slice %arg13[%mul3A_10, %dma_start3A_41] : memref<10016x128xf32, #tpu.memory_space<vmem_shared>> -> memref<626x128xf32, #tpu.memory_space<vmem_shared>>
      tpu.enqueue_dma source(%dma_start3A_42 : memref<626x128xf32, #tpu.memory_space<vmem_shared>>) target(%dma_start3A_40 : memref<626x128xf32, #tpu.memory_space<hbm>>) target_semaphore(%run_scoped3A : memref<!tpu.dma_semaphore, #tpu.memory_space<semaphore_mem>>)
      %dma_wait3A = arith.constant 0 : i32
      %dma_wait3A_43 = tpu.memref_slice %arg6[%arg0, %mul3A_10, %dma_wait3A] : memref<2x10016x128xf32, #tpu.memory_space<hbm>> -> memref<1x626x128xf32, #tpu.memory_space<hbm>>
      %dma_wait3A_44 = tpu.memref_squeeze %dma_wait3A_43 : memref<1x626x128xf32, #tpu.memory_space<hbm>> -> memref<626x128xf32, #tpu.memory_space<hbm>>
      %dma_wait3A_45 = arith.constant 0 : i32
      %dma_wait3A_46 = tpu.memref_slice %arg13[%mul3A_10, %dma_wait3A_45] : memref<10016x128xf32, #tpu.memory_space<vmem_shared>> -> memref<626x128xf32, #tpu.memory_space<vmem_shared>>
      tpu.wait_dma2 semaphore(%run_scoped3A : memref<!tpu.dma_semaphore, #tpu.memory_space<semaphore_mem>>) src(%dma_wait3A_46 : memref<626x128xf32, #tpu.memory_space<vmem_shared>>) dst(%dma_wait3A_44 : memref<626x128xf32, #tpu.memory_space<hbm>>)
      tpu.yield
    }) : () -> ()
    return
  }
}

module attributes {stable_mosaic.version = 14 : i64} {
  func.func @_prep_body(%arg0: memref<2568x128xi32, #tpu.memory_space<vmem>>, %arg1: memref<2568x128xi32, #tpu.memory_space<vmem>>, %arg2: memref<2568x128xi32, #tpu.memory_space<vmem>>) attributes {dimension_semantics = [], scalar_prefetch = 0 : i64, scratch_operands = 0 : i64, tpu.core_type = #tpu.core_type<tc>} {
    %get3A = arith.constant 0 : index
    %get3A_0 = arith.constant 0 : index
    %get3A_1 = vector.load %arg1[%get3A, %get3A_0] : memref<2568x128xi32, #tpu.memory_space<vmem>>, vector<2568x128xi32>
    %mul3A = arith.constant 10000 : i32
    %mul3A_2 = vector.broadcast %mul3A : i32 to vector<2568x128xi32>
    %mul3A_3 = arith.muli %get3A_1, %mul3A_2 : vector<2568x128xi32>
    %get3A_4 = arith.constant 0 : index
    %get3A_5 = arith.constant 0 : index
    %get3A_6 = vector.load %arg0[%get3A_4, %get3A_5] : memref<2568x128xi32, #tpu.memory_space<vmem>>, vector<2568x128xi32>
    %add3A = arith.addi %mul3A_3, %get3A_6 : vector<2568x128xi32>
    %swap3A = arith.constant 0 : index
    %swap3A_7 = arith.constant 0 : index
    %swap3A_8 = vector.load %arg2[%swap3A, %swap3A_7] : memref<2568x128xi32, #tpu.memory_space<vmem>>, vector<2568x128xi32>
    tpu.vector_store %arg2[%swap3A, %swap3A_7], %add3A {strides = array<i32>} : memref<2568x128xi32, #tpu.memory_space<vmem>>, vector<2568x128xi32>,
    return
  }
}

module attributes {stable_mosaic.version = 14 : i64} {
  func.func @_tab1_body(%arg0: i32, %arg1: memref<2x10016x16xf32, #tpu.memory_space<vmem>>, %arg2: memref<10000x128xf32, #tpu.memory_space<vmem>>, %arg3: memref<1x128x128xf32, #tpu.memory_space<vmem>>, %arg4: memref<1x10000x128xf32, #tpu.memory_space<vmem>>) attributes {dimension_semantics = [#tpu.dimension_semantics<arbitrary>], iteration_bounds = array<i64: 4>, scalar_prefetch = 0 : i64, scratch_operands = 0 : i64, tpu.core_type = #tpu.core_type<tc>, window_params = [{pipeline_mode = #tpu.pipeline_mode<synchronous>, transform_indices = @transform_0, window_bounds = array<i64: 2, 10016, 16>}, {pipeline_mode = #tpu.pipeline_mode<synchronous>, transform_indices = @transform_1, window_bounds = array<i64: 10000, 128>}, {transform_indices = @transform_2, window_bounds = array<i64: 1, 128, 128>}, {transform_indices = @transform_3, window_bounds = array<i64: 1, 10000, 128>}]} {
    %get3A = arith.constant 0 : index
    %get3A_0 = arith.constant 0 : index
    %get3A_1 = arith.constant 0 : index
    %get3A_2 = vector.load %arg1[%get3A, %get3A_0, %get3A_1] : memref<2x10016x16xf32, #tpu.memory_space<vmem>>, vector<2x10016x16xf32>
    %slice3A = vector.extract_strided_slice %get3A_2 {offsets = [0, 0, 0], sizes = [1, 10016, 16], strides = [1, 1, 1]} : vector<2x10016x16xf32> to vector<1x10016x16xf32>
    %squeeze3A = vector.shape_cast %slice3A : vector<1x10016x16xf32> to vector<10016x16xf32>
    %slice3A_3 = vector.extract_strided_slice %get3A_2 {offsets = [1, 0, 0], sizes = [1, 10016, 16], strides = [1, 1, 1]} : vector<2x10016x16xf32> to vector<1x10016x16xf32>
    %squeeze3A_4 = vector.shape_cast %slice3A_3 : vector<1x10016x16xf32> to vector<10016x16xf32>
    %add3A = arith.addf %squeeze3A, %squeeze3A_4 : vector<10016x16xf32>
    %gt3A = arith.constant 0.000000e+00 : f32
    %gt3A_5 = vector.broadcast %gt3A : f32 to vector<10016x16xf32>
    %gt3A_6 = arith.cmpf ogt, %add3A, %gt3A_5 : vector<10016x16xf32>
    %rsqrt3A = math.rsqrt %add3A : vector<10016x16xf32>
    %jit3A = arith.constant 0.000000e+00 : f32
    %broadcast_in_dim3A = vector.broadcast %jit3A : f32 to vector<10016x16xf32>
    %select_n3A = arith.select %gt3A_6, %rsqrt3A, %broadcast_in_dim3A : vector<10016x16xi1>, vector<10016x16xf32>
    %slice3A_7 = vector.extract_strided_slice %select_n3A {offsets = [0, 0], sizes = [10000, 1], strides = [1, 1]} : vector<10016x16xf32> to vector<10000x1xf32>
    %get3A_8 = arith.constant 0 : index
    %get3A_9 = arith.constant 0 : index
    %get3A_10 = vector.load %arg2[%get3A_8, %get3A_9] : memref<10000x128xf32, #tpu.memory_space<vmem>>, vector<10000x128xf32>
    %mul3A = vector.broadcast %slice3A_7 : vector<10000x1xf32> to vector<10000x128xf32>
    %mul3A_11 = arith.mulf %get3A_10, %mul3A : vector<10000x128xf32>
    %get3A_12 = arith.constant 0 : index
    %get3A_13 = arith.constant 0 : index
    %get3A_14 = arith.constant 0 : index
    %get3A_15 = vector.load %arg3[%get3A_12, %get3A_13, %get3A_14] : memref<1x128x128xf32, #tpu.memory_space<vmem>>, vector<1x128x128xf32>
    %get3A_16 = vector.shape_cast %get3A_15 : vector<1x128x128xf32> to vector<128x128xf32>
    %dot_general3A = arith.constant dense<0.000000e+00> : vector<10000x128xf32>
    %dot_general3A_17 = tpu.matmul %mul3A_11, %get3A_16, %dot_general3A {dimension_numbers = #tpu.dot_dimension_numbers<[1], [0], [0], [1], [0, 0, 1, 1], [], []>, transpose_lhs_hint = false} : vector<10000x128xf32>, vector<128x128xf32>, vector<10000x128xf32> -> vector<10000x128xf32>
    %swap3A = arith.constant 0 : index
    %swap3A_18 = arith.constant 0 : index
    %swap3A_19 = arith.constant 0 : index
    %swap3A_20 = vector.load %arg4[%swap3A, %swap3A_18, %swap3A_19] : memref<1x10000x128xf32, #tpu.memory_space<vmem>>, vector<1x10000x128xf32>
    %swap3A_21 = vector.shape_cast %swap3A_20 : vector<1x10000x128xf32> to vector<10000x128xf32>
    %swap3A_22 = vector.shape_cast %dot_general3A_17 : vector<10000x128xf32> to vector<1x10000x128xf32>
    tpu.vector_store %arg4[%swap3A, %swap3A_18, %swap3A_19], %swap3A_22 {strides = array<i32>} : memref<1x10000x128xf32, #tpu.memory_space<vmem>>, vector<1x10000x128xf32>,
    return
  }
  func.func @transform_0(%arg0: i32) -> (i32, i32, i32) {
    %c0_i32 = arith.constant 0 : i32
    %c0_i32_0 = arith.constant 0 : i32
    %c0_i32_1 = arith.constant 0 : i32
    %c0_i32_2 = arith.constant 0 : i32
    return %c0_i32, %c0_i32_0, %c0_i32_1 : i32, i32, i32
  }
  func.func @transform_1(%arg0: i32) -> (i32, i32) {
    %c0_i32 = arith.constant 0 : i32
    %c0_i32_0 = arith.constant 0 : i32
    %c0_i32_1 = arith.constant 0 : i32
    return %c0_i32, %c0_i32_0 : i32, i32
  }
  func.func @transform_2(%arg0: i32) -> (i32, i32, i32) {
    %c0_i32 = arith.constant 0 : i32
    %c0_i32_0 = arith.constant 0 : i32
    %c0_i32_1 = arith.constant 0 : i32
    return %arg0, %c0_i32, %c0_i32_0 : i32, i32, i32
  }
  func.func @transform_3(%arg0: i32) -> (i32, i32, i32) {
    %c0_i32 = arith.constant 0 : i32
    %c0_i32_0 = arith.constant 0 : i32
    %c0_i32_1 = arith.constant 0 : i32
    return %arg0, %c0_i32, %c0_i32_0 : i32, i32, i32
  }
}

module attributes {stable_mosaic.version = 14 : i64} {
  func.func @_tab2_body(%arg0: i32, %arg1: memref<2x10016x16xf32, #tpu.memory_space<vmem>>, %arg2: memref<2x10016x128xf32, #tpu.memory_space<vmem>>, %arg3: memref<1x128xf32, #tpu.memory_space<vmem>>, %arg4: memref<1x128x16xf32, #tpu.memory_space<vmem>>, %arg5: memref<1x10000x16xf32, #tpu.memory_space<vmem>>) attributes {dimension_semantics = [#tpu.dimension_semantics<arbitrary>], iteration_bounds = array<i64: 4>, scalar_prefetch = 0 : i64, scratch_operands = 0 : i64, tpu.core_type = #tpu.core_type<tc>, window_params = [{pipeline_mode = #tpu.pipeline_mode<synchronous>, transform_indices = @transform_0, window_bounds = array<i64: 2, 10016, 16>}, {pipeline_mode = #tpu.pipeline_mode<synchronous>, transform_indices = @transform_1, window_bounds = array<i64: 2, 10016, 128>}, {pipeline_mode = #tpu.pipeline_mode<synchronous>, transform_indices = @transform_2, window_bounds = array<i64: 1, 128>}, {transform_indices = @transform_3, window_bounds = array<i64: 1, 128, 16>}, {transform_indices = @transform_4, window_bounds = array<i64: 1, 10000, 16>}]} {
    %get3A = arith.constant 0 : index
    %get3A_0 = arith.constant 0 : index
    %get3A_1 = arith.constant 0 : index
    %get3A_2 = vector.load %arg1[%get3A, %get3A_0, %get3A_1] : memref<2x10016x16xf32, #tpu.memory_space<vmem>>, vector<2x10016x16xf32>
    %slice3A = vector.extract_strided_slice %get3A_2 {offsets = [0, 0, 0], sizes = [1, 10016, 16], strides = [1, 1, 1]} : vector<2x10016x16xf32> to vector<1x10016x16xf32>
    %squeeze3A = vector.shape_cast %slice3A : vector<1x10016x16xf32> to vector<10016x16xf32>
    %slice3A_3 = vector.extract_strided_slice %get3A_2 {offsets = [1, 0, 0], sizes = [1, 10016, 16], strides = [1, 1, 1]} : vector<2x10016x16xf32> to vector<1x10016x16xf32>
    %squeeze3A_4 = vector.shape_cast %slice3A_3 : vector<1x10016x16xf32> to vector<10016x16xf32>
    %add3A = arith.addf %squeeze3A, %squeeze3A_4 : vector<10016x16xf32>
    %gt3A = arith.constant 0.000000e+00 : f32
    %gt3A_5 = vector.broadcast %gt3A : f32 to vector<10016x16xf32>
    %gt3A_6 = arith.cmpf ogt, %add3A, %gt3A_5 : vector<10016x16xf32>
    %rsqrt3A = math.rsqrt %add3A : vector<10016x16xf32>
    %jit3A = arith.constant 0.000000e+00 : f32
    %broadcast_in_dim3A = vector.broadcast %jit3A : f32 to vector<10016x16xf32>
    %select_n3A = arith.select %gt3A_6, %rsqrt3A, %broadcast_in_dim3A : vector<10016x16xi1>, vector<10016x16xf32>
    %slice3A_7 = vector.extract_strided_slice %select_n3A {offsets = [0, 0], sizes = [10000, 1], strides = [1, 1]} : vector<10016x16xf32> to vector<10000x1xf32>
    %get3A_8 = arith.constant 0 : index
    %get3A_9 = arith.constant 0 : index
    %get3A_10 = arith.constant 0 : index
    %get3A_11 = vector.load %arg2[%get3A_8, %get3A_9, %get3A_10] : memref<2x10016x128xf32, #tpu.memory_space<vmem>>, vector<1x10000x128xf32>
    %get3A_12 = vector.shape_cast %get3A_11 : vector<1x10000x128xf32> to vector<10000x128xf32>
    %get3A_13 = arith.constant 1 : index
    %get3A_14 = arith.constant 0 : index
    %get3A_15 = arith.constant 0 : index
    %get3A_16 = vector.load %arg2[%get3A_13, %get3A_14, %get3A_15] : memref<2x10016x128xf32, #tpu.memory_space<vmem>>, vector<1x10000x128xf32>
    %get3A_17 = vector.shape_cast %get3A_16 : vector<1x10000x128xf32> to vector<10000x128xf32>
    %add3A_18 = arith.addf %get3A_12, %get3A_17 : vector<10000x128xf32>
    %mul3A = vector.broadcast %slice3A_7 : vector<10000x1xf32> to vector<10000x128xf32>
    %mul3A_19 = arith.mulf %mul3A, %add3A_18 : vector<10000x128xf32>
    %get3A_20 = arith.constant 0 : index
    %get3A_21 = arith.constant 0 : index
    %get3A_22 = vector.load %arg3[%get3A_20, %get3A_21] : memref<1x128xf32, #tpu.memory_space<vmem>>, vector<1x128xf32>
    %add3A_23 = vector.broadcast %get3A_22 : vector<1x128xf32> to vector<10000x128xf32>
    %add3A_24 = arith.addf %mul3A_19, %add3A_23 : vector<10000x128xf32>
    %mul3A_25 = vector.broadcast %slice3A_7 : vector<10000x1xf32> to vector<10000x128xf32>
    %mul3A_26 = arith.mulf %mul3A_25, %add3A_24 : vector<10000x128xf32>
    %get3A_27 = arith.constant 0 : index
    %get3A_28 = arith.constant 0 : index
    %get3A_29 = arith.constant 0 : index
    %get3A_30 = vector.load %arg4[%get3A_27, %get3A_28, %get3A_29] : memref<1x128x16xf32, #tpu.memory_space<vmem>>, vector<1x128x16xf32>
    %get3A_31 = vector.shape_cast %get3A_30 : vector<1x128x16xf32> to vector<128x16xf32>
    %dot_general3A = arith.constant dense<0.000000e+00> : vector<10000x16xf32>
    %dot_general3A_32 = tpu.matmul %mul3A_26, %get3A_31, %dot_general3A {dimension_numbers = #tpu.dot_dimension_numbers<[1], [0], [0], [1], [0, 0, 1, 1], [], []>, transpose_lhs_hint = false} : vector<10000x128xf32>, vector<128x16xf32>, vector<10000x16xf32> -> vector<10000x16xf32>
    %swap3A = arith.constant 0 : index
    %swap3A_33 = arith.constant 0 : index
    %swap3A_34 = arith.constant 0 : index
    %swap3A_35 = vector.load %arg5[%swap3A, %swap3A_33, %swap3A_34] : memref<1x10000x16xf32, #tpu.memory_space<vmem>>, vector<1x10000x16xf32>
    %swap3A_36 = vector.shape_cast %swap3A_35 : vector<1x10000x16xf32> to vector<10000x16xf32>
    %swap3A_37 = vector.shape_cast %dot_general3A_32 : vector<10000x16xf32> to vector<1x10000x16xf32>
    tpu.vector_store %arg5[%swap3A, %swap3A_33, %swap3A_34], %swap3A_37 {strides = array<i32>} : memref<1x10000x16xf32, #tpu.memory_space<vmem>>, vector<1x10000x16xf32>,
    return
  }
  func.func @transform_0(%arg0: i32) -> (i32, i32, i32) {
    %c0_i32 = arith.constant 0 : i32
    %c0_i32_0 = arith.constant 0 : i32
    %c0_i32_1 = arith.constant 0 : i32
    %c0_i32_2 = arith.constant 0 : i32
    return %c0_i32, %c0_i32_0, %c0_i32_1 : i32, i32, i32
  }
  func.func @transform_1(%arg0: i32) -> (i32, i32, i32) {
    %c0_i32 = arith.constant 0 : i32
    %c0_i32_0 = arith.constant 0 : i32
    %c0_i32_1 = arith.constant 0 : i32
    %c0_i32_2 = arith.constant 0 : i32
    return %c0_i32, %c0_i32_0, %c0_i32_1 : i32, i32, i32
  }
  func.func @transform_2(%arg0: i32) -> (i32, i32) {
    %c0_i32 = arith.constant 0 : i32
    %c0_i32_0 = arith.constant 0 : i32
    %c0_i32_1 = arith.constant 0 : i32
    return %c0_i32, %c0_i32_0 : i32, i32
  }
  func.func @transform_3(%arg0: i32) -> (i32, i32, i32) {
    %c0_i32 = arith.constant 0 : i32
    %c0_i32_0 = arith.constant 0 : i32
    %c0_i32_1 = arith.constant 0 : i32
    return %arg0, %c0_i32, %c0_i32_0 : i32, i32, i32
  }
  func.func @transform_4(%arg0: i32) -> (i32, i32, i32) {
    %c0_i32 = arith.constant 0 : i32
    %c0_i32_0 = arith.constant 0 : i32
    %c0_i32_1 = arith.constant 0 : i32
    return %arg0, %c0_i32, %c0_i32_0 : i32, i32, i32
  }
}

module attributes {stable_mosaic.version = 14 : i64} {
  func.func @_final_body(%arg0: memref<2x10016x16xf32, #tpu.memory_space<vmem>>, %arg1: memref<2x10016x16xf32, #tpu.memory_space<vmem>>, %arg2: memref<1x8xf32, #tpu.memory_space<vmem>>, %arg3: memref<10000x8xf32, #tpu.memory_space<vmem>>) attributes {dimension_semantics = [], scalar_prefetch = 0 : i64, scratch_operands = 0 : i64, tpu.core_type = #tpu.core_type<tc>} {
    %get3A = arith.constant 0 : index
    %get3A_0 = arith.constant 0 : index
    %get3A_1 = arith.constant 0 : index
    %get3A_2 = vector.load %arg0[%get3A, %get3A_0, %get3A_1] : memref<2x10016x16xf32, #tpu.memory_space<vmem>>, vector<2x10016x16xf32>
    %slice3A = vector.extract_strided_slice %get3A_2 {offsets = [0, 0, 0], sizes = [1, 10016, 16], strides = [1, 1, 1]} : vector<2x10016x16xf32> to vector<1x10016x16xf32>
    %squeeze3A = vector.shape_cast %slice3A : vector<1x10016x16xf32> to vector<10016x16xf32>
    %slice3A_3 = vector.extract_strided_slice %get3A_2 {offsets = [1, 0, 0], sizes = [1, 10016, 16], strides = [1, 1, 1]} : vector<2x10016x16xf32> to vector<1x10016x16xf32>
    %squeeze3A_4 = vector.shape_cast %slice3A_3 : vector<1x10016x16xf32> to vector<10016x16xf32>
    %add3A = arith.addf %squeeze3A, %squeeze3A_4 : vector<10016x16xf32>
    %gt3A = arith.constant 0.000000e+00 : f32
    %gt3A_5 = vector.broadcast %gt3A : f32 to vector<10016x16xf32>
    %gt3A_6 = arith.cmpf ogt, %add3A, %gt3A_5 : vector<10016x16xf32>
    %rsqrt3A = math.rsqrt %add3A : vector<10016x16xf32>
    %jit3A = arith.constant 0.000000e+00 : f32
    %broadcast_in_dim3A = vector.broadcast %jit3A : f32 to vector<10016x16xf32>
    %select_n3A = arith.select %gt3A_6, %rsqrt3A, %broadcast_in_dim3A : vector<10016x16xi1>, vector<10016x16xf32>
    %slice3A_7 = vector.extract_strided_slice %select_n3A {offsets = [0, 0], sizes = [10000, 1], strides = [1, 1]} : vector<10016x16xf32> to vector<10000x1xf32>
    %get3A_8 = arith.constant 0 : index
    %get3A_9 = arith.constant 0 : index
    %get3A_10 = arith.constant 0 : index
    %get3A_11 = vector.load %arg1[%get3A_8, %get3A_9, %get3A_10] : memref<2x10016x16xf32, #tpu.memory_space<vmem>>, vector<1x10000x16xf32>
    %get3A_12 = vector.shape_cast %get3A_11 : vector<1x10000x16xf32> to vector<10000x16xf32>
    %get3A_13 = arith.constant 1 : index
    %get3A_14 = arith.constant 0 : index
    %get3A_15 = arith.constant 0 : index
    %get3A_16 = vector.load %arg1[%get3A_13, %get3A_14, %get3A_15] : memref<2x10016x16xf32, #tpu.memory_space<vmem>>, vector<1x10000x16xf32>
    %get3A_17 = vector.shape_cast %get3A_16 : vector<1x10000x16xf32> to vector<10000x16xf32>
    %add3A_18 = arith.addf %get3A_12, %get3A_17 : vector<10000x16xf32>
    %slice3A_19 = vector.extract_strided_slice %add3A_18 {offsets = [0, 0], sizes = [10000, 8], strides = [1, 1]} : vector<10000x16xf32> to vector<10000x8xf32>
    %mul3A = vector.broadcast %slice3A_7 : vector<10000x1xf32> to vector<10000x8xf32>
    %mul3A_20 = arith.mulf %mul3A, %slice3A_19 : vector<10000x8xf32>
    %get3A_21 = arith.constant 0 : index
    %get3A_22 = arith.constant 0 : index
    %get3A_23 = vector.load %arg2[%get3A_21, %get3A_22] : memref<1x8xf32, #tpu.memory_space<vmem>>, vector<1x8xf32>
    %add3A_24 = vector.broadcast %get3A_23 : vector<1x8xf32> to vector<10000x8xf32>
    %add3A_25 = arith.addf %mul3A_20, %add3A_24 : vector<10000x8xf32>
    %reduce_max3A = arith.constant dense<0xFF800000> : vector<10000xf32>
    %reduce_max3A_26 = vector.multi_reduction <maximumf>, %add3A_25, %reduce_max3A [1] : vector<10000x8xf32> to vector<10000xf32>
    %broadcast_in_dim3A_27 = vector.shape_cast %reduce_max3A_26 : vector<10000xf32> to vector<10000x1xf32>
    %sub3A = vector.broadcast %broadcast_in_dim3A_27 : vector<10000x1xf32> to vector<10000x8xf32>
    %sub3A_28 = arith.subf %add3A_25, %sub3A : vector<10000x8xf32>
    %exp3A = math.exp %sub3A_28 : vector<10000x8xf32>
    %reduce_sum3A = arith.constant dense<0.000000e+00> : vector<10000xf32>
    %reduce_sum3A_29 = vector.multi_reduction <add>, %exp3A, %reduce_sum3A [1] : vector<10000x8xf32> to vector<10000xf32>
    %broadcast_in_dim3A_30 = vector.shape_cast %reduce_sum3A_29 : vector<10000xf32> to vector<10000x1xf32>
    %log3A = math.log %broadcast_in_dim3A_30 : vector<10000x1xf32>
    %add3A_31 = arith.addf %broadcast_in_dim3A_27, %log3A : vector<10000x1xf32>
    %sub3A_32 = vector.broadcast %add3A_31 : vector<10000x1xf32> to vector<10000x8xf32>
    %sub3A_33 = arith.subf %add3A_25, %sub3A_32 : vector<10000x8xf32>
    %swap3A = arith.constant 0 : index
    %swap3A_34 = arith.constant 0 : index
    %swap3A_35 = vector.load %arg3[%swap3A, %swap3A_34] : memref<10000x8xf32, #tpu.memory_space<vmem>>, vector<10000x8xf32>
    tpu.vector_store %arg3[%swap3A, %swap3A_34], %sub3A_33 {strides = array<i32>} : memref<10000x8xf32, #tpu.memory_space<vmem>>, vector<10000x8xf32>,
    return
  }
}

</mosaic_0001>

<sc_bundles>
// kernel: kernel.12.cloned.1.call-start
scs
__scs_entry_jumppad:
0x0: {  	(pc) =	sbr.rel $0x88, $3  }
0x1: {  	(tag) =	ssettag $0x0;
	lr =	simm.s32 $0x1  }
0x2: {  	[smem:$0x3F9A] =	sst lr;
	_ =	strace $0xD0000000  }
0x3: {  	_ = 	snop  }
0x4: {  	_ = 	snop  }
0x5: {  	_ = 	snop  }
0x6: {  	_ = 	snop  }
0x7: {  	_ = 	snop  }
__scs_overlays_trampoline_lowered:
0x8: {  	[smem:$0x3FA9] =	sst s0  }
0x9: {  	[smem:$0x3FAA] =	sst s1  }
0xa: {  	[smem:$0x3FAB] =	sst s2  }
0xb: {  	[smem:$0x3FAC] =	sst s3  }
0xc: {  	[smem:$0x3FAD] =	sst s4  }
0xd: {  	[smem:$0x3FAE] =	sst s5  }
0xe: {  	[smem:$0x3FAF] =	sst s6  }
0xf: {  	[smem:$0x3FB0] =	sst s7  }
0x10: {  	[smem:$0x3FB1] =	sst s8  }
0x11: {  	[smem:$0x3FB2] =	sst s9;
	s0 =	simm.s32 @!p0 $0x0  }
0x12: {  	s1 =	sld [smem:$0x3F98];
	s0 =	simm.s32 @p0 $0x1  }
0x13: {  	[smem:$0x3FB3] =	sst s0;
	s0 =	simm.s32 @!p1 $0x0  }
0x14: {  	s2 =	sld [smem:$0x3F97];
	s0 =	simm.s32 @p1 $0x1  }
0x15: {  	[smem:$0x3FB4] =	sst s0;
	s0 =	simm.s32 @!p2 $0x0  }
0x16: {  	s3 =	sld [smem:$0x3FDB];
	s0 =	simm.s32 @p2 $0x1  }
0x17: {  	s4 =	simm.s32 $0x1BF5;
	[smem:$0x3FB6] =	sst s0  }
0x18: {  	s0 =	sld [smem:$0x3F99];
	_ =	swait.ge [sflag:s4], $0x0  }
0x19: {  	s7 =	sld [smem:$0x3F9A]  }
0x1a: {  	s8 =	sadd.s32 $0xFFFFE003, lr  }
0x1b: {  	s9 =	sadd.s32 $0xFFFFFEF7, lr;
	s5 =	simm.s32 $0xFFFFFFFF;
	p2 =	slt.u32 s8, $0xFFFFF086  }
0x1c: {  	p1 =	slt.u32 s9, $0xF7A;
	s5 =	simm.s32 @!p2 $0x0  }
0x1d: {  	s5 =	simm.s32 @p1 $0x1;
	p0 =	seq.s32 s7, s2  }
0x1e: {  	s7 =	smul.u32 @!p0 $0xF7A, s2;
	p2 =	seq.s32 @!p0 s5, $0x0  }
0x1f: {  	s9 =	smul.u32 $0xF7A, s1;
	s8 =	simm.s32 @!p0 $0x1BF5;
	p2 =	por !p2, p0  }
0x20: {  	[sflag:s8] =	ssyncset.s32 @!p0 $0xFFFFF086;
	s6 =	sadd.s32 @!p0 s3, s7;
	s7 =	simm.s32 @!p0 $0x108  }
0x21: {  	s3 =	sadd.s32 s3, s9;
	s6 =	sadd.s32 @!p0 $0x88, s6;
	s7 =	simm.s32 @p2 $0x1082  }
0x22: {  	[simem:s7], [sflag:s8] =	dma.local @!p0 [hbm:s6], $0xF7A  }
0x23: {  	s9 =	sor.u32 $0xD0000000, s2;
	s6 =	simm.s32 $0x108;
	_ =	swait.ge @!p0 [sflag:s8], $0x0  }
0x24: {  	s3 =	sadd.s32 $0x88, s3;
	s6 =	simm.s32 @!p1 $0x1082;
	[sflag:s4] =	ssyncset.s32 $0xFFFFF086  }
0x25: {  	[simem:s6], [sflag:s4] =	dma.local [hbm:s3], $0xF7A  }
0x26: {  	[smem:$0x3F9A] =	sst s1;
	(tag) =	ssettag s2;
	_ =	strace s9  }
0x27: {  	s1 =	sld [smem:$0x3FAA]  }
0x28: {  	s2 =	sld [smem:$0x3FAB]  }
0x29: {  	s4 =	sld [smem:$0x3FAD]  }
0x2a: {  	p0 =	seq.s32 s5, $0x0;
	s5 =	sld [smem:$0x3FAE]  }
0x2b: {  	s6 =	sld [smem:$0x3FAF]  }
0x2c: {  	s7 =	sld [smem:$0x3FB0]  }
0x2d: {  	s3 =	simm.s32 $0x108;
	s8 =	sld [smem:$0x3FB1]  }
0x2e: {  	s3 =	simm.s32 @!p0 $0x1082;
	s9 =	sld [smem:$0x3FB2]  }
0x2f: {  	lr =	sadd.s32 s0, s3;
	s0 =	sld [smem:$0x3FA9]  }
0x30: {  	s3 =	sld [smem:$0x3FAC]  }
0x31: {  	[smem:$0x3FB5] =	sst s10  }
0x32: {  	s10 =	sld [smem:$0x3FB3];
	_ =	sdelay $0x3  }
0x33: {  	p0 =	seq.s32 s10, $0x1;
	s10 =	sld [smem:$0x3FB5];
	_ =	sdelay $0x3  }
0x34: {  	[smem:$0x3FB5] =	sst s10  }
0x35: {  	s10 =	sld [smem:$0x3FB4];
	_ =	sdelay $0x3  }
0x36: {  	p1 =	seq.s32 s10, $0x1;
	s10 =	sld [smem:$0x3FB5];
	_ =	sdelay $0x3  }
0x37: {  	[smem:$0x3FB5] =	sst s10  }
0x38: {  	s10 =	sld [smem:$0x3FB6]  }
0x39: {  	_ = 	snop;
	(pc) =	sbr.ind lr, $3  }
0x3a: {  	_ = 	snop  }
0x3b: {  	_ = 	snop  }
0x3c: {  	p2 =	seq.s32 s10, $0x1;
	s10 =	sld [smem:$0x3FB5]  }
0x3d: {  	_ =	shalt  }
0x3e: {  	_ =	shalt  }
0x3f: {  	_ =	shalt  }
0x40: {  	_ =	shalt  }
0x41: {  	_ =	shalt  }
0x42: {  	_ =	shalt  }
0x43: {  	_ =	shalt  }
0x44: {  	_ =	shalt  }
0x45: {  	_ =	shalt  }
0x46: {  	_ =	shalt  }
0x47: {  	_ =	shalt  }
0x48: {  	_ =	shalt  }
0x49: {  	_ =	shalt  }
0x4a: {  	_ =	shalt  }
0x4b: {  	_ =	shalt  }
0x4c: {  	_ =	shalt  }
0x4d: {  	_ =	shalt  }
0x4e: {  	_ =	shalt  }
0x4f: {  	_ =	shalt  }
0x50: {  	_ =	shalt  }
0x51: {  	_ =	shalt  }
0x52: {  	_ =	shalt  }
0x53: {  	_ =	shalt  }
0x54: {  	_ =	shalt  }
0x55: {  	_ =	shalt  }
0x56: {  	_ =	shalt  }
0x57: {  	_ =	shalt  }
0x58: {  	_ =	shalt  }
0x59: {  	_ =	shalt  }
0x5a: {  	_ =	shalt  }
0x5b: {  	_ =	shalt  }
0x5c: {  	_ =	shalt  }
0x5d: {  	_ =	shalt  }
0x5e: {  	_ =	shalt  }
0x5f: {  	_ =	shalt  }
0x60: {  	_ =	shalt  }
0x61: {  	_ =	shalt  }
0x62: {  	_ =	shalt  }
0x63: {  	_ =	shalt  }
0x64: {  	_ =	shalt  }
0x65: {  	_ =	shalt  }
0x66: {  	_ =	shalt  }
0x67: {  	_ =	shalt  }
0x68: {  	_ =	shalt  }
0x69: {  	_ =	shalt  }
0x6a: {  	_ =	shalt  }
0x6b: {  	_ =	shalt  }
0x6c: {  	_ =	shalt  }
0x6d: {  	_ =	shalt  }
0x6e: {  	_ =	shalt  }
0x6f: {  	_ =	shalt  }
0x70: {  	_ =	shalt  }
0x71: {  	_ =	shalt  }
0x72: {  	_ =	shalt  }
0x73: {  	_ =	shalt  }
0x74: {  	_ =	shalt  }
0x75: {  	_ =	shalt  }
0x76: {  	_ =	shalt  }
0x77: {  	_ =	shalt  }
0x78: {  	_ =	shalt  }
0x79: {  	_ =	shalt  }
0x7a: {  	_ =	shalt  }
0x7b: {  	_ =	shalt  }
0x7c: {  	_ =	shalt  }
0x7d: {  	_ =	shalt  }
0x7e: {  	_ =	shalt  }
0x7f: {  	_ =	shalt  }
0x80: {  	_ =	shalt  }
0x81: {  	_ =	shalt  }
0x82: {  	_ =	shalt  }
0x83: {  	_ =	shalt  }
0x84: {  	_ =	shalt  }
0x85: {  	_ =	shalt  }
0x86: {  	_ =	shalt  }
0x87: {  	_ =	shalt  }
.Lfunc_end0:
.L_simem_size_0:
called_computation.1_lowered:
.L_overlay_start_0:
0x88: {  	s2 =	sld [smem:$0x3FD9]  }
0x89: {  	s3 =	sld [smem:$0x3FFE];
	_ =	sdelay $0x1  }
0x8a: {  	s1 =	srdreg.scid  }
0x8b: {  	s0 =	sand.u32 $0x1, s1  }
0x8c: {  	s16 =	sshll.u32 s0, $0xA;
	s2 =	sadd.s32 s3, s2  }
0x8d: {  	s2 =	sadd.s32 s2, s16  }
0x8e: {  	[smem:$0x3FC1] =	sst s2  }
0x8f: {  	_ = 	snop  }
0x90: {  	(tm) =	ssettm $0x1  }
0x91: {  	s17 =	sld [smem:$0x3FFB];
	_ =	sdelay $0x3  }
0x92: {  	_ =	strace s17  }
0x93: {  	s2 =	sld [smem:$0x3FFC];
	_ =	sdelay $0x3  }
0x94: {  	_ =	strace s2  }
0x95: {  	s2 =	sld [smem:$0x3FFD];
	_ =	sdelay $0x3  }
0x96: {  	_ =	strace s2  }
0x97: {  	_ =	strace $0x8FFFFFFF  }
0x98: {  	s18 =	sld [smem:$0x3FDB];
	_ =	sdelay $0x1  }
0x99: {  	s19 =	simm.s32 $_scs_section_size  }
0x9a: {  	s4 =	simm.s32 $_size__tile_overlayer_lowered;
	s5 =	simm.s32 $_tile_overlayer_lowered  }
0x9b: {  	s22 =	simm.s32 $0x1BFF;
	s21 =	sshll.u32 s5, $0x1;
	s2 =	sadd.s32 s19, s18  }
0x9c: {  	s6 =	simm.s32 $0x0;
	s20 =	sshll.u32 s4, $0x1;
	s4 =	sadd.s32 s21, s2  }
0x9d: {  	[timem:s6], [sflag:s22] =	dma.local [hbm:s4], s20  }
0x9e: {  	_ =	swait.ge [sflag:s22], s20  }
0x9f: {  	s3 =	ssub.s32 $0x0, s20;
	[sflag:s22] =	ssyncset.done $0x0  }
0xa0: {  	[sflag:s22] =	ssyncadd.s32 s3;
	_ =	sdelay $0x1  }
0xa1: {  	s23 =	simm.s32 $0x1B8B  }
0xa2: {  	_ =	swait.ge [sflag:s23], $0x1  }
0xa3: {  	[sflag:s23] =	ssyncset.done $0x0  }
0xa4: {  	s25 =	simm.s32 $0x1B8E;
	s24 =	sld [smem:$0x3FFE];
	[sflag:s23] =	ssyncadd.s32 $0xFFFFFFFF  }
0xa5: {  	s26 =	simm.s32 $execute0_lowered;
	[smem:$0x3FD2] =	sst s25  }
0xa6: {  	s4 =	sshll.u32 s26, $0x1;
	_ =	strace $0x80000049;
	[dreg:$0x1] =	wrdreg $0xFFFFFFFF  }
0xa7: {  	s28 =	simm.s32 $_size_execute0_lowered;
	s2 =	sadd.s32 s2, s4;
	[dreg:$0x0] =	wrdreg $0x0  }
0xa8: {  	s4 =	sshll.u32 s28, $0x1;
	[dreg:$0x2] =	wrdreg s2  }
0xa9: {  	[dreg:$0x3] =	wrdreg s4  }
0xaa: {  	[dreg:$0x4] =	wrdreg $0xC0  }
0xab: {  	_ =	task [dreg:s6], $0x5FFFF  }
0xac: {  	[dreg:$0x1] =	wrdreg $0xFFFFFFFF  }
0xad: {  	[dreg:$0x0] =	wrdreg $0x60  }
0xae: {  	[dreg:$0x2] =	wrdreg s24  }
0xaf: {  	[dreg:$0x3] =	wrdreg $0xA8000  }
0xb0: {  	[dreg:$0x4] =	wrdreg $0x9  }
0xb1: {  	_ =	task.clear_ibuf [dreg:s6], $0x5FFFF;
	_ =	strace $0x90000049  }
0xb2: {  	s29 =	simm.s32 $0x9;
	_ =	strace $0x8000004B  }
0xb3: {  	_ =	swait.ge [sflag:s29], $0x1  }
0xb4: {  	[sflag:s29] =	ssyncadd.s32 $0xFFFFFFFF  }
0xb5: {  	_ =	strace $0x9000004B  }
0xb6: {  	_ =	sfence  }
0xb7: {  	s30 =	sld [smem:$0x0];
	_ =	sdelay $0x2  }
0xb8: {  	s31 =	sshll.u32 s1, $0xD;
	s1 =	sshrl.u32 s1, $0x2  }
0xb9: {  	s3 =	sand.u32 $0x4000, s31;
	s1 =	sadd.s32 s1, s30  }
0xba: {  	s0 =	sor.u32 s3, s0;
	s1 =	sshll.u32 s1, $0x11  }
0xbb: {  	s0 =	sor.u32 s1, s0  }
0xbc: {  	s0 =	sadd.s32 $0x8F2B, s0  }
0xbd: {  	[sflag:s0] =	ssyncadd.remote.s32 $0x1  }
0xbe: {  	_ =	sfence.sel $0xFFFF  }
0xbf: {  	[dreg:$0x0] =	wrdreg $0xFFFFFFFF;
	(pc) =	sbr.abs _section_cstart, $3  }
0xc0: {  	[dreg:$0x1] =	wrdreg $0xFFFFFFFF  }
0xc1: {  	_ =	task.clear_ibuf [dreg:s6], $0x2FFFF;
	_ =	strace $0x9FFFFFFF  }
0xc2: {  	(tm) =	ssettm $0x7FFFFFFF  }
0xc3: {  	_ =	shalt  }
tec
execute0_lowered:
.L_overlay_start_1:
0x0: {  	(tag) =	ssettag $0x1  }
0x1: {  	s0 =	rddreg [dreg:$0x0]  }
0x2: {  	s2 =	rddreg [dreg:$0x1]  }
0x3: {  	s3 =	simm.s32 $0x0;
	s11 =	stileid.u32;
	s1 =	srdreg.scid  }
0x4: {  	s20 =	simm.s32 $0x3;
	s22 =	simm.s32 $0x80;
	s30 =	simm.s32 $0x2780  }
0x5: {  	s31 =	simm.s32 $0x0;
	[smem:$0x7FF] =	sst s3;
	s5 =	smul.u32 $0x13900, s11  }
0x6: {  	s1 =	sand.u32 $0x1, s1;
	s4 =	sadd.s32 $0x2EC00, s0;
	s9 =	smul.u32 $0x36, s11  }
0x7: {  	s15 =	sadd.s32 $0x24A00, s0;
	s16 =	sadd.s32 $0x1A800, s0;
	s10 =	smul.u32 $0x68, s11  }
0x8: {  	s24 =	sshll.u32 s11, $0x6;
	_ =	strace $0x8000004A;
	s6 =	smul.u32 $0x139000, s1  }
0x9: {  	s8 =	ssub.s32 $0x2, s1;
	p0 =	seq.s32 s1, $0x1;
	s1 =	simm.s32 $0x36  }
0xa: {  	s7 =	sshrl.u32 s5, $0x3;
	s23 =	sshrl.u32 s8, $0x1;
	s9 =	sadd.s32 $0x680, s9  }
0xb: {  	s1 =	simm.s32 @!p0 $0x68;
	s7 =	sadd.s32 s7, s0;
	s6 =	sadd.s32 s5, s6  }
0xc: {  	s19 =	ssub.s32 s8, s23;
	s10 =	smov.u32 @p0 s9;
	s5 =	sadd.s32 s5, s2  }
0xd: {  	s25 =	smin.u32 s1, $0x50;
	s1 =	smax.u32 s1, $0x50;
	s23 =	simm.s32 $0x2800  }
0xe: {  	s6 =	sshrl.u32 s6, $0x3;
	s14 =	sshll.u32 s10, $0x4;
	s10 =	sadd.s32 $0xFFFFFFD8, s25  }
0xf: {  	s13 =	sadd.s32 $0xFFFFFFB0, s1;
	s19 =	smax.u32 s19, $0x1;
	s25 =	simm.s32 $0x1  }
0x10: {  	s0 =	sadd.s32 s6, s0;
	s6 =	sadd.s32 $0xCB000, s7;
	s7 =	sor.u32 $0x1C03, s24  }
0x11: {  	s8 =	sadd.s32 s15, s14;
	s9 =	sadd.s32 s16, s14;
	s12 =	sadd.s32 $0x280, s14  }
.Ltmp0:
0x12: {  	s26 =	sadd.s32 $0x500, s14;
	s14 =	sshrl.u32 s10, $0x1;
	(pc) =	sbr.rel .LBB2_1-.Ltmp0, $4  }
0x13: {  	s28 =	sshrl.u32 s13, $0x1;
	s11 =	sadd.s32 s15, s12;
	s15 =	sadd.s32 s15, s26  }
0x14: {  	s24 =	simm.s32 $0x6800;
	s1 =	sadd.s32 s16, s26;
	[dreg:$0x3] =	wrdreg s15  }
0x15: {  	s12 =	sadd.s32 s16, s12;
	s29 =	smax.u32 s28, $0x1;
	[dreg:$0x4] =	wrdreg s1  }
0x16: {  	s17 =	sadd.s32 $0xF2200, s0;
	s26 =	simm.s32 $0x2;
	[dreg:$0x5] =	wrdreg s29  }
.LBB2_8:
0x17: {  	[sflag:s20] =	ssyncset.done $0x0  }
0x18: {  	[sflag:s20] =	ssyncadd.s32 $0xFFFFC000  }
.LBB2_9:
0x19: {  	s31 =	sadd.s32 $0x1, s31  }
0x1a: {  	p1 =	sne.s32 s31, s19  }
.Ltmp1:
0x1b: {  	[bflag:$0x0] =	sbarrier.arrive $0xFFFF;
	(pc) =	sbr.rel @!p1 .LBB2_10-.Ltmp1, $4  }
0x1c: {  	[hbm:s17], [sflag:s7] =	dma.local [spmem:s0], $0x2720  }
0x1d: {  	_ =	swait.ge [sflag:s20], $0x2720  }
0x1e: {  	[sflag:s20] =	ssyncset.done $0x0  }
0x1f: {  	[sflag:s20] =	ssyncadd.s32 $0xFFFFD8E0  }
.LBB2_1:
0x20: {  	s0 =	sshrl.u32 s5, $0x3  }
0x21: {  	[spmem:s0], [sflag:s7] =	dma.local [hbm:s6], $0x2720  }
0x22: {  	_ =	swait.ge [sflag:s20], $0x2720  }
0x23: {  	[sflag:s20] =	ssyncset.done $0x0  }
0x24: {  	[sflag:s20] =	ssyncadd.s32 $0xFFFFD8E0  }
0x25: {  	[bflag:$0x0] =	sbarrier.arrive $0xFFFF  }
0x26: {  	[tilespmem:s3], [sflag:$0x3] =	stream.linear.gather [hbm4b:s8+s3], $0x1400, $0x38;
	[tilespmem:$0x1E100] =	vst v63  }
0x27: {  	_ =	swait.ge [sflag:s20], $0x1400  }
0x28: {  	[sflag:s20] =	ssyncset.done $0x0  }
0x29: {  	s1 =	simm.s32 $0x1400;
	[sflag:s20] =	ssyncadd.s32 $0xFFFFEC00  }
0x2a: {  	[tilespmem:s1], [sflag:$0x3] =	stream.linear.gather [hbm4b:s9+s3], $0x1400, $0x38;
	[tilespmem:$0x1E100] =	vst v63  }
0x2b: {  	_ =	swait.ge [sflag:s20], $0x1400  }
0x2c: {  	[sflag:s20] =	ssyncset.done $0x0  }
0x2d: {  	[sflag:s20] =	ssyncadd.s32 $0xFFFFEC00  }
0x2e: {  	[tilespmem:s23], [sflag:$0x1] =	stream.indirect.gather [hbm4b:s4+s22], $0x80, s3, s22, $0xb8;
	[tilespmem:$0x1E100] =	vst v63  }
0x2f: {  	s18 =	simm.s32 $0x80  }
0x30: {  	[tilespmem:s24], [sflag:$0x2] =	stream.indirect.gather [hbm4b:s4+s22], $0x80, s18, s22, $0xb8;
	[tilespmem:$0x1E100] =	vst v63  }
0x31: {  	_ =	swait.ge [sflag:s25], $0x4000  }
0x32: {  	[sflag:s25] =	ssyncset.done $0x0  }
0x33: {  	s21 =	simm.s32 $0x1400;
	[sflag:s25] =	ssyncadd.s32 $0xFFFFC000  }
0x34: {  	[spmem:s2] =	stream.indirect.scatter.add.f32 [tilespmem:s23], [sflag:$0x3], $0x80, s21, s22, $0xb8;
	[tilespmem:$0x1E100] =	vst v63  }
0x35: {  	_ =	swait.ge [sflag:s20], $0x4000  }
0x36: {  	[sflag:s20] =	ssyncset.done $0x0  }
0x37: {  	s28 =	simm.s32 $0x100;
	[sflag:s20] =	ssyncadd.s32 $0xFFFFC000  }
0x38: {  	[tilespmem:s23], [sflag:$0x1] =	stream.indirect.gather [hbm4b:s4+s22], $0x80, s28, s22, $0xb8;
	[tilespmem:$0x1E100] =	vst v63  }
0x39: {  	_ =	swait.ge [sflag:s26], $0x4000  }
0x3a: {  	[sflag:s26] =	ssyncset.done $0x0  }
0x3b: {  	s29 =	simm.s32 $0x1480;
	[sflag:s26] =	ssyncadd.s32 $0xFFFFC000  }
0x3c: {  	[spmem:s2] =	stream.indirect.scatter.add.f32 [tilespmem:s24], [sflag:$0x3], $0x80, s29, s22, $0xb8;
	[tilespmem:$0x1E100] =	vst v63  }
0x3d: {  	_ =	swait.ge [sflag:s20], $0x4000  }
0x3e: {  	s15 =	simm.s32 $0x800;
	s1 =	simm.s32 $0x100;
	[sflag:s20] =	ssyncset.done $0x0  }
.LBB2_2:
0x3f: {  	s16 =	sadd.s32 $0x80, s1  }
0x40: {  	[sflag:s20] =	ssyncadd.s32 $0xFFFFC000;
	s21 =	smov.u32 s15;
	s28 =	sadd.s32 $0x400, s15  }
0x41: {  	[tilespmem:s24], [sflag:$0x2] =	stream.indirect.gather [hbm4b:s4+s22], $0x80, s16, s22, $0xb8;
	[tilespmem:$0x1E100] =	vst v63  }
0x42: {  	p1 =	sne.s32 s15, $0x4800;
	_ =	swait.ge [sflag:s25], $0x4000  }
0x43: {  	[sflag:s25] =	ssyncset.done $0x0  }
0x44: {  	s15 =	sadd.s32 $0x1400, s1;
	[sflag:s25] =	ssyncadd.s32 $0xFFFFC000  }
0x45: {  	[spmem:s2] =	stream.indirect.scatter.add.f32 [tilespmem:s23], [sflag:$0x3], $0x80, s15, s22, $0xb8;
	[tilespmem:$0x1E100] =	vst v63  }
0x46: {  	_ =	swait.ge [sflag:s20], $0x4000  }
0x47: {  	[sflag:s20] =	ssyncset.done $0x0  }
0x48: {  	s15 =	sadd.s32 $0x100, s1;
	[sflag:s20] =	ssyncadd.s32 $0xFFFFC000  }
0x49: {  	[tilespmem:s23], [sflag:$0x1] =	stream.indirect.gather [hbm4b:s4+s22], $0x80, s15, s22, $0xb8;
	[tilespmem:$0x1E100] =	vst v63  }
0x4a: {  	_ =	swait.ge [sflag:s26], $0x4000  }
.Ltmp2:
0x4b: {  	[sflag:s26] =	ssyncset.done $0x0;
	(pc) =	sbr.rel @p1 .LBB2_2-.Ltmp2, $4  }
0x4c: {  	s1 =	sadd.s32 $0x1480, s1;
	[sflag:s26] =	ssyncadd.s32 $0xFFFFC000  }
0x4d: {  	[spmem:s2] =	stream.indirect.scatter.add.f32 [tilespmem:s24], [sflag:$0x3], $0x80, s1, s22, $0xb8;
	[tilespmem:$0x1E100] =	vst v63  }
0x4e: {  	_ =	swait.ge [sflag:s20], $0x4000  }
0x4f: {  	s15 =	smov.u32 s28;
	s1 =	sshra.s32 s21, $0x2;
	[sflag:s20] =	ssyncset.done $0x0  }
0x50: {  	s15 =	sadd.s32 $0x80, s1;
	[sflag:s20] =	ssyncadd.s32 $0xFFFFC000  }
0x51: {  	[tilespmem:s24], [sflag:$0x2] =	stream.indirect.gather [hbm4b:s4+s22], $0x80, s15, s22, $0xb8;
	[tilespmem:$0x1E100] =	vst v63  }
0x52: {  	_ =	swait.ge [sflag:s25], $0x4000  }
0x53: {  	[sflag:s25] =	ssyncset.done $0x0  }
0x54: {  	s28 =	sadd.s32 $0x1400, s1;
	[sflag:s25] =	ssyncadd.s32 $0xFFFFC000  }
0x55: {  	[spmem:s2] =	stream.indirect.scatter.add.f32 [tilespmem:s23], [sflag:$0x3], $0x80, s28, s22, $0xb8;
	[tilespmem:$0x1E100] =	vst v63  }
0x56: {  	_ =	swait.ge [sflag:s20], $0x4000  }
0x57: {  	[sflag:s20] =	ssyncset.done $0x0  }
0x58: {  	s29 =	sadd.s32 $0x100, s1;
	[sflag:s20] =	ssyncadd.s32 $0xFFFFC000  }
0x59: {  	[tilespmem:s23], [sflag:$0x1] =	stream.indirect.gather [hbm4b:s4+s22], $0x80, s29, s22, $0xb8;
	[tilespmem:$0x1E100] =	vst v63  }
0x5a: {  	_ =	swait.ge [sflag:s26], $0x4000  }
0x5b: {  	[sflag:s26] =	ssyncset.done $0x0  }
0x5c: {  	s15 =	sadd.s32 $0x1480, s1;
	[sflag:s26] =	ssyncadd.s32 $0xFFFFC000  }
0x5d: {  	[spmem:s2] =	stream.indirect.scatter.add.f32 [tilespmem:s24], [sflag:$0x3], $0x80, s15, s22, $0xb8;
	[tilespmem:$0x1E100] =	vst v63  }
0x5e: {  	_ =	swait.ge [sflag:s20], $0x4000  }
0x5f: {  	[sflag:s20] =	ssyncset.done $0x0  }
0x60: {  	s16 =	simm.s32 $0x80;
	s18 =	simm.s32 $0x1380;
	[sflag:s20] =	ssyncadd.s32 $0xFFFFC000  }
0x61: {  	[tilespmem:s24], [sflag:$0x2] =	stream.indirect.gather [hbm4b:s4+s16], $0x80, s18, s16, $0xb8;
	[tilespmem:$0x1E100] =	vst v63  }
0x62: {  	_ =	swait.ge [sflag:s25], $0x4000  }
0x63: {  	[sflag:s25] =	ssyncset.done $0x0  }
0x64: {  	s21 =	simm.s32 $0x2700;
	[sflag:s25] =	ssyncadd.s32 $0xFFFFC000  }
0x65: {  	[spmem:s2] =	stream.indirect.scatter.add.f32 [tilespmem:s23], [sflag:$0x3], $0x80, s21, s16, $0xb8;
	[tilespmem:$0x1E100] =	vst v63  }
0x66: {  	_ =	swait.ge [sflag:s20], $0x4000  }
0x67: {  	[sflag:s20] =	ssyncset.done $0x0  }
0x68: {  	s28 =	simm.s32 $0x2;
	[sflag:s20] =	ssyncadd.s32 $0xFFFFC000  }
0x69: {  	_ =	swait.ge [sflag:s28], $0x4000  }
0x6a: {  	[sflag:s28] =	ssyncset.done $0x0  }
0x6b: {  	[sflag:s28] =	ssyncadd.s32 $0xFFFFC000  }
0x6c: {  	[spmem:s2] =	stream.indirect.scatter.add.f32 [tilespmem:s24], [sflag:$0x3], $0x80, s30, s16, $0xb8;
	[tilespmem:$0x1E100] =	vst v63  }
0x6d: {  	_ =	swait.ge [sflag:s20], $0x4000  }
0x6e: {  	[sflag:s20] =	ssyncset.done $0x0  }
0x6f: {  	[sflag:s20] =	ssyncadd.s32 $0xFFFFC000  }
0x70: {  	[tilespmem:s3], [sflag:$0x3] =	stream.linear.gather [hbm4b:s11+s3], $0x1400, $0x38;
	[tilespmem:$0x1E100] =	vst v63  }
0x71: {  	_ =	swait.ge [sflag:s20], $0x1400  }
0x72: {  	[sflag:s20] =	ssyncset.done $0x0  }
0x73: {  	s1 =	simm.s32 $0x1400;
	[sflag:s20] =	ssyncadd.s32 $0xFFFFEC00  }
0x74: {  	[tilespmem:s1], [sflag:$0x3] =	stream.linear.gather [hbm4b:s12+s3], $0x1400, $0x38;
	[tilespmem:$0x1E100] =	vst v63  }
0x75: {  	_ =	swait.ge [sflag:s20], $0x1400  }
0x76: {  	[sflag:s20] =	ssyncset.done $0x0  }
0x77: {  	[sflag:s20] =	ssyncadd.s32 $0xFFFFEC00  }
0x78: {  	[tilespmem:s23], [sflag:$0x1] =	stream.indirect.gather [hbm4b:s4+s16], $0x80, s3, s16, $0xb8;
	[tilespmem:$0x1E100] =	vst v63  }
0x79: {  	_ = 	snop  }
0x7a: {  	[tilespmem:s24], [sflag:$0x2] =	stream.indirect.gather [hbm4b:s4+s22], $0x80, s16, s22, $0xb8;
	[tilespmem:$0x1E100] =	vst v63  }
0x7b: {  	_ =	swait.ge [sflag:s25], $0x4000  }
0x7c: {  	[sflag:s25] =	ssyncset.done $0x0  }
0x7d: {  	[sflag:s25] =	ssyncadd.s32 $0xFFFFC000  }
0x7e: {  	[spmem:s2] =	stream.indirect.scatter.add.f32 [tilespmem:s23], [sflag:$0x3], $0x80, s1, s22, $0xb8;
	[tilespmem:$0x1E100] =	vst v63  }
0x7f: {  	p1 =	sle.s32 s10, $0x2;
	_ =	swait.ge [sflag:s20], $0x4000  }
0x80: {  	s15 =	simm.s32 @!p1 $0x100;
	[sflag:s20] =	ssyncset.done $0x0  }
0x81: {  	s21 =	simm.s32 @!p1 $0x2800;
	s16 =	simm.s32 @!p1 $0x80;
	[sflag:s20] =	ssyncadd.s32 $0xFFFFC000  }
0x82: {  	[tilespmem:s21], [sflag:$0x1] =	stream.indirect.gather @!p1 [hbm4b:s4+s16], $0x80, s15, s16, $0xb8;
	[tilespmem:$0x1E100] =	vst v63  }
0x83: {  	s21 =	sadd.s32 $0xFFFFFFFF, s14  }
0x84: {  	p1 =	sne.s32 s21, $0x0  }
.Ltmp3:
0x85: {  	_ =	swait.ge [sflag:s26], $0x4000;
	(pc) =	sbr.rel @!p1 .LBB2_5-.Ltmp3, $4  }
0x86: {  	[sflag:s26] =	ssyncset.done $0x0  }
0x87: {  	s29 =	simm.s32 $0x1480;
	[sflag:s26] =	ssyncadd.s32 $0xFFFFC000  }
0x88: {  	[spmem:s2] =	stream.indirect.scatter.add.f32 [tilespmem:s24], [sflag:$0x3], $0x80, s29, s22, $0xb8;
	[tilespmem:$0x1E100] =	vst v63  }
0x89: {  	s15 =	simm.s32 $0x180;
	s16 =	simm.s32 $0x4;
	_ =	swait.ge [sflag:s20], $0x4000  }
.LBB2_4:
0x8a: {  	s21 =	sadd.s32 $0xFFFFFFFF, s21;
	[sflag:s20] =	ssyncset.done $0x0;
	s1 =	sadd.s32 $0x100, s1  }
0x8b: {  	p1 =	sne.s32 s21, $0x0;
	[sflag:s20] =	ssyncadd.s32 $0xFFFFC000  }
0x8c: {  	[tilespmem:s24], [sflag:$0x2] =	stream.indirect.gather [hbm4b:s4+s22], $0x80, s15, s22, $0xb8;
	[tilespmem:$0x1E100] =	vst v63  }
0x8d: {  	_ =	swait.ge [sflag:s25], $0x4000  }
0x8e: {  	[sflag:s25] =	ssyncset.done $0x0  }
0x8f: {  	[sflag:s25] =	ssyncadd.s32 $0xFFFFC000  }
0x90: {  	[spmem:s2] =	stream.indirect.scatter.add.f32 [tilespmem:s23], [sflag:$0x3], $0x80, s1, s22, $0xb8;
	[tilespmem:$0x1E100] =	vst v63  }
0x91: {  	p2 =	sge.s32 s16, s10;
	_ =	swait.ge [sflag:s20], $0x4000  }
0x92: {  	s28 =	sadd.s32 @!p2 $0x80, s15;
	s18 =	simm.s32 @!p2 $0x80;
	[sflag:s20] =	ssyncset.done $0x0  }
0x93: {  	s29 =	simm.s32 @!p2 $0x2800;
	[sflag:s20] =	ssyncadd.s32 $0xFFFFC000  }
0x94: {  	[tilespmem:s29], [sflag:$0x1] =	stream.indirect.gather @!p2 [hbm4b:s4+s18], $0x80, s28, s18, $0xb8;
	[tilespmem:$0x1E100] =	vst v63  }
.Ltmp4:
0x95: {  	_ =	swait.ge [sflag:s26], $0x4000;
	(pc) =	sbr.rel @p1 .LBB2_4-.Ltmp4, $4  }
0x96: {  	s18 =	sadd.s32 $0x80, s1;
	[sflag:s26] =	ssyncset.done $0x0  }
0x97: {  	[sflag:s26] =	ssyncadd.s32 $0xFFFFC000  }
0x98: {  	[spmem:s2] =	stream.indirect.scatter.add.f32 [tilespmem:s24], [sflag:$0x3], $0x80, s18, s22, $0xb8;
	[tilespmem:$0x1E100] =	vst v63  }
0x99: {  	s16 =	sadd.s32 $0x2, s16;
	s15 =	sadd.s32 $0x100, s15;
	_ =	swait.ge [sflag:s20], $0x4000  }
.LBB2_5:
.Ltmp5:
0x9a: {  	(pc) =	sbr.rel @p0 .LBB2_9-.Ltmp5, $3  }
0x9b: {  	_ =	sdelay $0x1  }
0x9c: {  	[sflag:s20] =	ssyncset.done $0x0  }
0x9d: {  	[sflag:s20] =	ssyncadd.s32 $0xFFFFC000  }
0x9e: {  	s1 =	rddreg [dreg:$0x3]  }
0x9f: {  	[tilespmem:s3], [sflag:$0x3] =	stream.linear.gather [hbm4b:s1+s3], $0x1400, $0x38;
	[tilespmem:$0x1E100] =	vst v63  }
0xa0: {  	_ =	swait.ge [sflag:s20], $0x1400  }
0xa1: {  	[sflag:s20] =	ssyncset.done $0x0  }
0xa2: {  	s1 =	simm.s32 $0x1400;
	s15 =	rddreg [dreg:$0x4];
	[sflag:s20] =	ssyncadd.s32 $0xFFFFEC00  }
0xa3: {  	[tilespmem:s1], [sflag:$0x3] =	stream.linear.gather [hbm4b:s15+s3], $0x1400, $0x38;
	[tilespmem:$0x1E100] =	vst v63  }
0xa4: {  	_ =	swait.ge [sflag:s20], $0x1400  }
0xa5: {  	[sflag:s20] =	ssyncset.done $0x0  }
0xa6: {  	s21 =	simm.s32 $0x80;
	[sflag:s20] =	ssyncadd.s32 $0xFFFFEC00  }
0xa7: {  	[tilespmem:s23], [sflag:$0x1] =	stream.indirect.gather [hbm4b:s4+s21], $0x80, s3, s21, $0xb8;
	[tilespmem:$0x1E100] =	vst v63  }
0xa8: {  	_ = 	snop  }
0xa9: {  	[tilespmem:s24], [sflag:$0x2] =	stream.indirect.gather [hbm4b:s4+s22], $0x80, s21, s22, $0xb8;
	[tilespmem:$0x1E100] =	vst v63  }
0xaa: {  	_ =	swait.ge [sflag:s25], $0x4000  }
0xab: {  	[sflag:s25] =	ssyncset.done $0x0  }
0xac: {  	[sflag:s25] =	ssyncadd.s32 $0xFFFFC000  }
0xad: {  	[spmem:s2] =	stream.indirect.scatter.add.f32 [tilespmem:s23], [sflag:$0x3], $0x80, s1, s22, $0xb8;
	[tilespmem:$0x1E100] =	vst v63  }
0xae: {  	p1 =	sle.u32 s13, $0x2;
	_ =	swait.ge [sflag:s20], $0x4000  }
0xaf: {  	s16 =	simm.s32 @!p1 $0x80;
	[sflag:s20] =	ssyncset.done $0x0  }
0xb0: {  	s18 =	simm.s32 @!p1 $0x2800;
	s15 =	simm.s32 @!p1 $0x100;
	[sflag:s20] =	ssyncadd.s32 $0xFFFFC000  }
0xb1: {  	[tilespmem:s18], [sflag:$0x1] =	stream.indirect.gather @!p1 [hbm4b:s4+s16], $0x80, s15, s16, $0xb8;
	[tilespmem:$0x1E100] =	vst v63  }
0xb2: {  	_ =	swait.ge [sflag:s26], $0x4000  }
0xb3: {  	s28 =	rddreg [dreg:$0x5]  }
0xb4: {  	s21 =	sadd.s32 $0xFFFFFFFF, s28  }
0xb5: {  	p1 =	sne.s32 s21, $0x0  }
.Ltmp6:
0xb6: {  	_ = 	snop;
	(pc) =	sbr.rel @!p1 .LBB2_8-.Ltmp6, $4  }
0xb7: {  	[sflag:s26] =	ssyncset.done $0x0  }
0xb8: {  	s29 =	simm.s32 $0x1480;
	[sflag:s26] =	ssyncadd.s32 $0xFFFFC000  }
0xb9: {  	[spmem:s2] =	stream.indirect.scatter.add.f32 [tilespmem:s24], [sflag:$0x3], $0x80, s29, s22, $0xb8;
	[tilespmem:$0x1E100] =	vst v63  }
0xba: {  	s15 =	simm.s32 $0x180;
	s16 =	simm.s32 $0x4;
	_ =	swait.ge [sflag:s20], $0x4000  }
.LBB2_7:
0xbb: {  	s21 =	sadd.s32 $0xFFFFFFFF, s21;
	[sflag:s20] =	ssyncset.done $0x0;
	s1 =	sadd.s32 $0x100, s1  }
0xbc: {  	p1 =	sne.s32 s21, $0x0;
	[sflag:s20] =	ssyncadd.s32 $0xFFFFC000  }
0xbd: {  	[tilespmem:s24], [sflag:$0x2] =	stream.indirect.gather [hbm4b:s4+s22], $0x80, s15, s22, $0xb8;
	[tilespmem:$0x1E100] =	vst v63  }
0xbe: {  	_ =	swait.ge [sflag:s25], $0x4000  }
0xbf: {  	[sflag:s25] =	ssyncset.done $0x0  }
0xc0: {  	[sflag:s25] =	ssyncadd.s32 $0xFFFFC000  }
0xc1: {  	[spmem:s2] =	stream.indirect.scatter.add.f32 [tilespmem:s23], [sflag:$0x3], $0x80, s1, s22, $0xb8;
	[tilespmem:$0x1E100] =	vst v63  }
0xc2: {  	p2 =	sge.u32 s16, s13;
	_ =	swait.ge [sflag:s20], $0x4000  }
0xc3: {  	s18 =	sadd.s32 @!p2 $0x80, s15;
	s28 =	simm.s32 @!p2 $0x80;
	[sflag:s20] =	ssyncset.done $0x0  }
0xc4: {  	s29 =	simm.s32 @!p2 $0x2800;
	[sflag:s20] =	ssyncadd.s32 $0xFFFFC000  }
0xc5: {  	[tilespmem:s29], [sflag:$0x1] =	stream.indirect.gather @!p2 [hbm4b:s4+s28], $0x80, s18, s28, $0xb8;
	[tilespmem:$0x1E100] =	vst v63  }
.Ltmp7:
0xc6: {  	_ =	swait.ge [sflag:s26], $0x4000;
	(pc) =	sbr.rel @p1 .LBB2_7-.Ltmp7, $4  }
0xc7: {  	s18 =	sadd.s32 $0x80, s1;
	[sflag:s26] =	ssyncset.done $0x0  }
0xc8: {  	[sflag:s26] =	ssyncadd.s32 $0xFFFFC000  }
0xc9: {  	[spmem:s2] =	stream.indirect.scatter.add.f32 [tilespmem:s24], [sflag:$0x3], $0x80, s18, s22, $0xb8;
	[tilespmem:$0x1E100] =	vst v63  }
0xca: {  	s16 =	sadd.s32 $0x2, s16;
	s15 =	sadd.s32 $0x100, s15;
	_ =	swait.ge [sflag:s20], $0x4000  }
.Ltmp8:
0xcb: {  	_ = 	snop;
	(pc) =	sbr.rel .LBB2_8-.Ltmp8, $1  }
0xcc: {  	_ =	sdelay $0x3  }
.LBB2_10:
0xcd: {  	_ =	sfence.sel $0x180000  }
0xce: {  	[bflag:$0x0] =	sbarrier.arrive $0xFFFF  }
0xcf: {  	_ =	strace $0x9000004A  }
0xd0: {  	s0 =	stileid.u32;
	[bflag:$0x2] =	sbarrier.arrive $0xFFFF  }
0xd1: {  	p0 =	sne.s32 s0, $0x0;
	s0 =	rddreg [dreg:$0x2]  }
0xd2: {  	s0 =	sadd.s32 @!p0 $0x100000, s0  }
0xd3: {  	[sflag:s0] =	ssyncadd.tile.s32 @!p0 $0x1;
	_ =	shalt  }
.Lfunc_end2:
_tile_overlayer_lowered:
.L_overlay_start_2:
0xd4: {  	(tag) =	ssettag $0x2  }
0xd5: {  	s0 =	rddreg [dreg:$0x0];
	s2 =	stileid.u32  }
0xd6: {  	s1 =	rddreg [dreg:$0x1];
	p0 =	sne.s32 s2, $0x0  }
0xd7: {  	s3 =	rddreg [dreg:$0x2];
	[bflag:$0x3] =	sbarrier.arrive $0xFFFF;
	s2 =	simm.s32 @!p0 $0x1C03  }
0xd8: {  	[timem:s3], [sflag:s2] =	dma.local @!p0 [hbm:s0], s1  }
0xd9: {  	s0 =	simm.s32 @!p0 $0x3  }
0xda: {  	_ =	swait.ge @!p0 [sflag:s0], s1  }
0xdb: {  	s1 =	ssub.s32 @!p0 $0x0, s1;
	[sflag:s0] =	ssyncset.done @!p0 $0x0  }
0xdc: {  	[sflag:s0] =	ssyncadd.s32 @!p0 s1  }
0xdd: {  	[bflag:$0x3] =	sbarrier.arrive $0xFFFF  }
0xde: {  	_ =	shalt  }

// kernel: kernel.15.cloned.1.call-start
scs
__scs_entry_jumppad:
0x0: {  	(pc) =	sbr.rel $0x88, $3  }
0x1: {  	(tag) =	ssettag $0x0;
	lr =	simm.s32 $0x1  }
0x2: {  	[smem:$0x3F9A] =	sst lr;
	_ =	strace $0xD0000000  }
0x3: {  	_ = 	snop  }
0x4: {  	_ = 	snop  }
0x5: {  	_ = 	snop  }
0x6: {  	_ = 	snop  }
0x7: {  	_ = 	snop  }
__scs_overlays_trampoline_lowered:
0x8: {  	[smem:$0x3FA9] =	sst s0  }
0x9: {  	[smem:$0x3FAA] =	sst s1  }
0xa: {  	[smem:$0x3FAB] =	sst s2  }
0xb: {  	[smem:$0x3FAC] =	sst s3  }
0xc: {  	[smem:$0x3FAD] =	sst s4  }
0xd: {  	[smem:$0x3FAE] =	sst s5  }
0xe: {  	[smem:$0x3FAF] =	sst s6  }
0xf: {  	[smem:$0x3FB0] =	sst s7  }
0x10: {  	[smem:$0x3FB1] =	sst s8  }
0x11: {  	[smem:$0x3FB2] =	sst s9;
	s0 =	simm.s32 @!p0 $0x0  }
0x12: {  	s1 =	sld [smem:$0x3F98];
	s0 =	simm.s32 @p0 $0x1  }
0x13: {  	[smem:$0x3FB3] =	sst s0;
	s0 =	simm.s32 @!p1 $0x0  }
0x14: {  	s2 =	sld [smem:$0x3F97];
	s0 =	simm.s32 @p1 $0x1  }
0x15: {  	[smem:$0x3FB4] =	sst s0;
	s0 =	simm.s32 @!p2 $0x0  }
0x16: {  	s3 =	sld [smem:$0x3FDB];
	s0 =	simm.s32 @p2 $0x1  }
0x17: {  	s4 =	simm.s32 $0x1BF5;
	[smem:$0x3FB6] =	sst s0  }
0x18: {  	s0 =	sld [smem:$0x3F99];
	_ =	swait.ge [sflag:s4], $0x0  }
0x19: {  	s7 =	sld [smem:$0x3F9A]  }
0x1a: {  	s8 =	sadd.s32 $0xFFFFE003, lr  }
0x1b: {  	s9 =	sadd.s32 $0xFFFFFEF7, lr;
	s5 =	simm.s32 $0xFFFFFFFF;
	p2 =	slt.u32 s8, $0xFFFFF086  }
0x1c: {  	p1 =	slt.u32 s9, $0xF7A;
	s5 =	simm.s32 @!p2 $0x0  }
0x1d: {  	s5 =	simm.s32 @p1 $0x1;
	p0 =	seq.s32 s7, s2  }
0x1e: {  	s7 =	smul.u32 @!p0 $0xF7A, s2;
	p2 =	seq.s32 @!p0 s5, $0x0  }
0x1f: {  	s9 =	smul.u32 $0xF7A, s1;
	s8 =	simm.s32 @!p0 $0x1BF5;
	p2 =	por !p2, p0  }
0x20: {  	[sflag:s8] =	ssyncset.s32 @!p0 $0xFFFFF086;
	s6 =	sadd.s32 @!p0 s3, s7;
	s7 =	simm.s32 @!p0 $0x108  }
0x21: {  	s3 =	sadd.s32 s3, s9;
	s6 =	sadd.s32 @!p0 $0x88, s6;
	s7 =	simm.s32 @p2 $0x1082  }
0x22: {  	[simem:s7], [sflag:s8] =	dma.local @!p0 [hbm:s6], $0xF7A  }
0x23: {  	s9 =	sor.u32 $0xD0000000, s2;
	s6 =	simm.s32 $0x108;
	_ =	swait.ge @!p0 [sflag:s8], $0x0  }
0x24: {  	s3 =	sadd.s32 $0x88, s3;
	s6 =	simm.s32 @!p1 $0x1082;
	[sflag:s4] =	ssyncset.s32 $0xFFFFF086  }
0x25: {  	[simem:s6], [sflag:s4] =	dma.local [hbm:s3], $0xF7A  }
0x26: {  	[smem:$0x3F9A] =	sst s1;
	(tag) =	ssettag s2;
	_ =	strace s9  }
0x27: {  	s1 =	sld [smem:$0x3FAA]  }
0x28: {  	s2 =	sld [smem:$0x3FAB]  }
0x29: {  	s4 =	sld [smem:$0x3FAD]  }
0x2a: {  	p0 =	seq.s32 s5, $0x0;
	s5 =	sld [smem:$0x3FAE]  }
0x2b: {  	s6 =	sld [smem:$0x3FAF]  }
0x2c: {  	s7 =	sld [smem:$0x3FB0]  }
0x2d: {  	s3 =	simm.s32 $0x108;
	s8 =	sld [smem:$0x3FB1]  }
0x2e: {  	s3 =	simm.s32 @!p0 $0x1082;
	s9 =	sld [smem:$0x3FB2]  }
0x2f: {  	lr =	sadd.s32 s0, s3;
	s0 =	sld [smem:$0x3FA9]  }
0x30: {  	s3 =	sld [smem:$0x3FAC]  }
0x31: {  	[smem:$0x3FB5] =	sst s10  }
0x32: {  	s10 =	sld [smem:$0x3FB3];
	_ =	sdelay $0x3  }
0x33: {  	p0 =	seq.s32 s10, $0x1;
	s10 =	sld [smem:$0x3FB5];
	_ =	sdelay $0x3  }
0x34: {  	[smem:$0x3FB5] =	sst s10  }
0x35: {  	s10 =	sld [smem:$0x3FB4];
	_ =	sdelay $0x3  }
0x36: {  	p1 =	seq.s32 s10, $0x1;
	s10 =	sld [smem:$0x3FB5];
	_ =	sdelay $0x3  }
0x37: {  	[smem:$0x3FB5] =	sst s10  }
0x38: {  	s10 =	sld [smem:$0x3FB6]  }
0x39: {  	_ = 	snop;
	(pc) =	sbr.ind lr, $3  }
0x3a: {  	_ = 	snop  }
0x3b: {  	_ = 	snop  }
0x3c: {  	p2 =	seq.s32 s10, $0x1;
	s10 =	sld [smem:$0x3FB5]  }
0x3d: {  	_ =	shalt  }
0x3e: {  	_ =	shalt  }
0x3f: {  	_ =	shalt  }
0x40: {  	_ =	shalt  }
0x41: {  	_ =	shalt  }
0x42: {  	_ =	shalt  }
0x43: {  	_ =	shalt  }
0x44: {  	_ =	shalt  }
0x45: {  	_ =	shalt  }
0x46: {  	_ =	shalt  }
0x47: {  	_ =	shalt  }
0x48: {  	_ =	shalt  }
0x49: {  	_ =	shalt  }
0x4a: {  	_ =	shalt  }
0x4b: {  	_ =	shalt  }
0x4c: {  	_ =	shalt  }
0x4d: {  	_ =	shalt  }
0x4e: {  	_ =	shalt  }
0x4f: {  	_ =	shalt  }
0x50: {  	_ =	shalt  }
0x51: {  	_ =	shalt  }
0x52: {  	_ =	shalt  }
0x53: {  	_ =	shalt  }
0x54: {  	_ =	shalt  }
0x55: {  	_ =	shalt  }
0x56: {  	_ =	shalt  }
0x57: {  	_ =	shalt  }
0x58: {  	_ =	shalt  }
0x59: {  	_ =	shalt  }
0x5a: {  	_ =	shalt  }
0x5b: {  	_ =	shalt  }
0x5c: {  	_ =	shalt  }
0x5d: {  	_ =	shalt  }
0x5e: {  	_ =	shalt  }
0x5f: {  	_ =	shalt  }
0x60: {  	_ =	shalt  }
0x61: {  	_ =	shalt  }
0x62: {  	_ =	shalt  }
0x63: {  	_ =	shalt  }
0x64: {  	_ =	shalt  }
0x65: {  	_ =	shalt  }
0x66: {  	_ =	shalt  }
0x67: {  	_ =	shalt  }
0x68: {  	_ =	shalt  }
0x69: {  	_ =	shalt  }
0x6a: {  	_ =	shalt  }
0x6b: {  	_ =	shalt  }
0x6c: {  	_ =	shalt  }
0x6d: {  	_ =	shalt  }
0x6e: {  	_ =	shalt  }
0x6f: {  	_ =	shalt  }
0x70: {  	_ =	shalt  }
0x71: {  	_ =	shalt  }
0x72: {  	_ =	shalt  }
0x73: {  	_ =	shalt  }
0x74: {  	_ =	shalt  }
0x75: {  	_ =	shalt  }
0x76: {  	_ =	shalt  }
0x77: {  	_ =	shalt  }
0x78: {  	_ =	shalt  }
0x79: {  	_ =	shalt  }
0x7a: {  	_ =	shalt  }
0x7b: {  	_ =	shalt  }
0x7c: {  	_ =	shalt  }
0x7d: {  	_ =	shalt  }
0x7e: {  	_ =	shalt  }
0x7f: {  	_ =	shalt  }
0x80: {  	_ =	shalt  }
0x81: {  	_ =	shalt  }
0x82: {  	_ =	shalt  }
0x83: {  	_ =	shalt  }
0x84: {  	_ =	shalt  }
0x85: {  	_ =	shalt  }
0x86: {  	_ =	shalt  }
0x87: {  	_ =	shalt  }
.Lfunc_end0:
.L_simem_size_0:
called_computation.2_lowered:
.L_overlay_start_0:
0x88: {  	s2 =	sld [smem:$0x3FD9]  }
0x89: {  	s3 =	sld [smem:$0x3FFE];
	_ =	sdelay $0x1  }
0x8a: {  	s1 =	srdreg.scid  }
0x8b: {  	s0 =	sand.u32 $0x1, s1  }
0x8c: {  	s16 =	sshll.u32 s0, $0xA;
	s2 =	sadd.s32 s3, s2  }
0x8d: {  	s2 =	sadd.s32 s2, s16  }
0x8e: {  	[smem:$0x3FC1] =	sst s2  }
0x8f: {  	_ = 	snop  }
0x90: {  	(tm) =	ssettm $0x1  }
0x91: {  	s17 =	sld [smem:$0x3FFB];
	_ =	sdelay $0x3  }
0x92: {  	_ =	strace s17  }
0x93: {  	s2 =	sld [smem:$0x3FFC];
	_ =	sdelay $0x3  }
0x94: {  	_ =	strace s2  }
0x95: {  	s2 =	sld [smem:$0x3FFD];
	_ =	sdelay $0x3  }
0x96: {  	_ =	strace s2  }
0x97: {  	_ =	strace $0x8FFFFFFF  }
0x98: {  	s18 =	sld [smem:$0x3FDB];
	_ =	sdelay $0x1  }
0x99: {  	s19 =	simm.s32 $_scs_section_size  }
0x9a: {  	s4 =	simm.s32 $_size__tile_overlayer_lowered;
	s5 =	simm.s32 $_tile_overlayer_lowered  }
0x9b: {  	s22 =	simm.s32 $0x1BFF;
	s21 =	sshll.u32 s5, $0x1;
	s2 =	sadd.s32 s19, s18  }
0x9c: {  	s6 =	simm.s32 $0x0;
	s20 =	sshll.u32 s4, $0x1;
	s4 =	sadd.s32 s21, s2  }
0x9d: {  	[timem:s6], [sflag:s22] =	dma.local [hbm:s4], s20  }
0x9e: {  	_ =	swait.ge [sflag:s22], s20  }
0x9f: {  	s3 =	ssub.s32 $0x0, s20;
	[sflag:s22] =	ssyncset.done $0x0  }
0xa0: {  	[sflag:s22] =	ssyncadd.s32 s3;
	_ =	sdelay $0x1  }
0xa1: {  	s23 =	simm.s32 $0x1B8B  }
0xa2: {  	_ =	swait.ge [sflag:s23], $0x1  }
0xa3: {  	[sflag:s23] =	ssyncset.done $0x0  }
0xa4: {  	s25 =	simm.s32 $0x1B8E;
	s24 =	sld [smem:$0x3FFE];
	[sflag:s23] =	ssyncadd.s32 $0xFFFFFFFF  }
0xa5: {  	s26 =	simm.s32 $execute0_lowered;
	[smem:$0x3FD2] =	sst s25  }
0xa6: {  	s4 =	sshll.u32 s26, $0x1;
	_ =	strace $0x8000004C;
	[dreg:$0x1] =	wrdreg $0xFFFFFFFF  }
0xa7: {  	s28 =	simm.s32 $_size_execute0_lowered;
	s2 =	sadd.s32 s2, s4;
	[dreg:$0x0] =	wrdreg $0x0  }
0xa8: {  	s4 =	sshll.u32 s28, $0x1;
	[dreg:$0x2] =	wrdreg s2  }
0xa9: {  	[dreg:$0x3] =	wrdreg s4  }
0xaa: {  	[dreg:$0x4] =	wrdreg $0xC0  }
0xab: {  	_ =	task [dreg:s6], $0x5FFFF  }
0xac: {  	[dreg:$0x1] =	wrdreg $0xFFFFFFFF  }
0xad: {  	[dreg:$0x0] =	wrdreg $0x60  }
0xae: {  	[dreg:$0x2] =	wrdreg s24  }
0xaf: {  	[dreg:$0x3] =	wrdreg $0x38000  }
0xb0: {  	[dreg:$0x4] =	wrdreg $0x9  }
0xb1: {  	_ =	task.clear_ibuf [dreg:s6], $0x5FFFF;
	_ =	strace $0x9000004C  }
0xb2: {  	s29 =	simm.s32 $0x9;
	_ =	strace $0x8000004E  }
0xb3: {  	_ =	swait.ge [sflag:s29], $0x1  }
0xb4: {  	[sflag:s29] =	ssyncadd.s32 $0xFFFFFFFF  }
0xb5: {  	_ =	strace $0x9000004E  }
0xb6: {  	_ =	sfence  }
0xb7: {  	s30 =	sld [smem:$0x0];
	_ =	sdelay $0x2  }
0xb8: {  	s31 =	sshll.u32 s1, $0xD;
	s1 =	sshrl.u32 s1, $0x2  }
0xb9: {  	s3 =	sand.u32 $0x4000, s31;
	s1 =	sadd.s32 s1, s30  }
0xba: {  	s0 =	sor.u32 s3, s0;
	s1 =	sshll.u32 s1, $0x11  }
0xbb: {  	s0 =	sor.u32 s1, s0  }
0xbc: {  	s0 =	sadd.s32 $0x8F2B, s0  }
0xbd: {  	[sflag:s0] =	ssyncadd.remote.s32 $0x1  }
0xbe: {  	_ =	sfence.sel $0xFFFF  }
0xbf: {  	[dreg:$0x0] =	wrdreg $0xFFFFFFFF;
	(pc) =	sbr.abs _section_cstart, $3  }
0xc0: {  	[dreg:$0x1] =	wrdreg $0xFFFFFFFF  }
0xc1: {  	_ =	task.clear_ibuf [dreg:s6], $0x2FFFF;
	_ =	strace $0x9FFFFFFF  }
0xc2: {  	(tm) =	ssettm $0x7FFFFFFF  }
0xc3: {  	_ =	shalt  }
tec
execute0_lowered:
.L_overlay_start_1:
0x0: {  	(tag) =	ssettag $0x1  }
0x1: {  	s0 =	rddreg [dreg:$0x0]  }
0x2: {  	s2 =	rddreg [dreg:$0x1]  }
0x3: {  	s3 =	simm.s32 $0x0;
	s11 =	stileid.u32;
	s1 =	srdreg.scid  }
0x4: {  	s20 =	simm.s32 $0x3;
	s22 =	simm.s32 $0x80;
	s30 =	simm.s32 $0x2780  }
0x5: {  	s31 =	simm.s32 $0x0;
	[smem:$0x7FF] =	sst s3;
	s5 =	smul.u32 $0x2720, s11  }
0x6: {  	s1 =	sand.u32 $0x1, s1;
	s4 =	sadd.s32 $0xCB000, s0;
	s9 =	smul.u32 $0x36, s11  }
0x7: {  	s15 =	sadd.s32 $0x24A00, s0;
	s16 =	sadd.s32 $0x1A800, s0;
	s10 =	smul.u32 $0x68, s11  }
0x8: {  	s24 =	sshll.u32 s11, $0x6;
	_ =	strace $0x8000004D;
	s6 =	smul.u32 $0x27200, s1  }
0x9: {  	s8 =	ssub.s32 $0x2, s1;
	p0 =	seq.s32 s1, $0x1;
	s1 =	simm.s32 $0x36  }
0xa: {  	s7 =	sshrl.u32 s5, $0x3;
	s23 =	sshrl.u32 s8, $0x1;
	s9 =	sadd.s32 $0x680, s9  }
0xb: {  	s1 =	simm.s32 @!p0 $0x68;
	s7 =	sadd.s32 s7, s0;
	s6 =	sadd.s32 s5, s6  }
0xc: {  	s19 =	ssub.s32 s8, s23;
	s10 =	smov.u32 @p0 s9;
	s5 =	sadd.s32 s5, s2  }
0xd: {  	s25 =	smin.u32 s1, $0x50;
	s1 =	smax.u32 s1, $0x50;
	s23 =	simm.s32 $0x2800  }
0xe: {  	s6 =	sshrl.u32 s6, $0x3;
	s14 =	sshll.u32 s10, $0x4;
	s10 =	sadd.s32 $0xFFFFFFD8, s25  }
0xf: {  	s13 =	sadd.s32 $0xFFFFFFB0, s1;
	s19 =	smax.u32 s19, $0x1;
	s25 =	simm.s32 $0x1  }
0x10: {  	s0 =	sadd.s32 s6, s0;
	s6 =	sadd.s32 $0xBA00, s7;
	s7 =	sor.u32 $0x1C03, s24  }
0x11: {  	s8 =	sadd.s32 s15, s14;
	s9 =	sadd.s32 s16, s14;
	s12 =	sadd.s32 $0x280, s14  }
.Ltmp0:
0x12: {  	s26 =	sadd.s32 $0x500, s14;
	s14 =	sshrl.u32 s10, $0x1;
	(pc) =	sbr.rel .LBB2_1-.Ltmp0, $4  }
0x13: {  	s28 =	sshrl.u32 s13, $0x1;
	s11 =	sadd.s32 s15, s12;
	s15 =	sadd.s32 s15, s26  }
0x14: {  	s24 =	simm.s32 $0x3000;
	s1 =	sadd.s32 s16, s26;
	[dreg:$0x3] =	wrdreg s15  }
0x15: {  	s12 =	sadd.s32 s16, s12;
	s29 =	smax.u32 s28, $0x1;
	[dreg:$0x4] =	wrdreg s1  }
0x16: {  	s17 =	sadd.s32 $0x10A00, s0;
	s26 =	simm.s32 $0x2;
	[dreg:$0x5] =	wrdreg s29  }
.LBB2_8:
0x17: {  	[sflag:s20] =	ssyncset.done $0x0  }
0x18: {  	[sflag:s20] =	ssyncadd.s32 $0xFFFFF800  }
.LBB2_9:
0x19: {  	s31 =	sadd.s32 $0x1, s31  }
0x1a: {  	p1 =	sne.s32 s31, s19  }
.Ltmp1:
0x1b: {  	[bflag:$0x0] =	sbarrier.arrive $0xFFFF;
	(pc) =	sbr.rel @!p1 .LBB2_10-.Ltmp1, $4  }
0x1c: {  	[hbm:s17], [sflag:s7] =	dma.local [spmem:s0], $0x4E4  }
0x1d: {  	_ =	swait.ge [sflag:s20], $0x4E4  }
0x1e: {  	[sflag:s20] =	ssyncset.done $0x0  }
0x1f: {  	[sflag:s20] =	ssyncadd.s32 $0xFFFFFB1C  }
.LBB2_1:
0x20: {  	s0 =	sshrl.u32 s5, $0x3  }
0x21: {  	[spmem:s0], [sflag:s7] =	dma.local [hbm:s6], $0x4E4  }
0x22: {  	_ =	swait.ge [sflag:s20], $0x4E4  }
0x23: {  	[sflag:s20] =	ssyncset.done $0x0  }
0x24: {  	[sflag:s20] =	ssyncadd.s32 $0xFFFFFB1C  }
0x25: {  	[bflag:$0x0] =	sbarrier.arrive $0xFFFF  }
0x26: {  	[tilespmem:s3], [sflag:$0x3] =	stream.linear.gather [hbm4b:s8+s3], $0x1400, $0x38;
	[tilespmem:$0x5F20] =	vst v63  }
0x27: {  	_ =	swait.ge [sflag:s20], $0x1400  }
0x28: {  	[sflag:s20] =	ssyncset.done $0x0  }
0x29: {  	s1 =	simm.s32 $0x1400;
	[sflag:s20] =	ssyncadd.s32 $0xFFFFEC00  }
0x2a: {  	[tilespmem:s1], [sflag:$0x3] =	stream.linear.gather [hbm4b:s9+s3], $0x1400, $0x38;
	[tilespmem:$0x5F20] =	vst v63  }
0x2b: {  	_ =	swait.ge [sflag:s20], $0x1400  }
0x2c: {  	[sflag:s20] =	ssyncset.done $0x0  }
0x2d: {  	[sflag:s20] =	ssyncadd.s32 $0xFFFFEC00  }
0x2e: {  	[tilespmem:s23], [sflag:$0x1] =	stream.indirect.gather [hbm4b:s4+s22], $0x10, s3, s22, $0xb8;
	[tilespmem:$0x5F20] =	vst v63  }
0x2f: {  	s18 =	simm.s32 $0x80  }
0x30: {  	[tilespmem:s24], [sflag:$0x2] =	stream.indirect.gather [hbm4b:s4+s22], $0x10, s18, s22, $0xb8;
	[tilespmem:$0x5F20] =	vst v63  }
0x31: {  	_ =	swait.ge [sflag:s25], $0x800  }
0x32: {  	[sflag:s25] =	ssyncset.done $0x0  }
0x33: {  	s21 =	simm.s32 $0x1400;
	[sflag:s25] =	ssyncadd.s32 $0xFFFFF800  }
0x34: {  	[spmem:s2] =	stream.indirect.scatter.add.f32 [tilespmem:s23], [sflag:$0x3], $0x10, s21, s22, $0xb8;
	[tilespmem:$0x5F20] =	vst v63  }
0x35: {  	_ =	swait.ge [sflag:s20], $0x800  }
0x36: {  	[sflag:s20] =	ssyncset.done $0x0  }
0x37: {  	s28 =	simm.s32 $0x100;
	[sflag:s20] =	ssyncadd.s32 $0xFFFFF800  }
0x38: {  	[tilespmem:s23], [sflag:$0x1] =	stream.indirect.gather [hbm4b:s4+s22], $0x10, s28, s22, $0xb8;
	[tilespmem:$0x5F20] =	vst v63  }
0x39: {  	_ =	swait.ge [sflag:s26], $0x800  }
0x3a: {  	[sflag:s26] =	ssyncset.done $0x0  }
0x3b: {  	s29 =	simm.s32 $0x1480;
	[sflag:s26] =	ssyncadd.s32 $0xFFFFF800  }
0x3c: {  	[spmem:s2] =	stream.indirect.scatter.add.f32 [tilespmem:s24], [sflag:$0x3], $0x10, s29, s22, $0xb8;
	[tilespmem:$0x5F20] =	vst v63  }
0x3d: {  	_ =	swait.ge [sflag:s20], $0x800  }
0x3e: {  	s15 =	simm.s32 $0x800;
	s1 =	simm.s32 $0x100;
	[sflag:s20] =	ssyncset.done $0x0  }
.LBB2_2:
0x3f: {  	s16 =	sadd.s32 $0x80, s1  }
0x40: {  	[sflag:s20] =	ssyncadd.s32 $0xFFFFF800;
	s21 =	smov.u32 s15;
	s28 =	sadd.s32 $0x400, s15  }
0x41: {  	[tilespmem:s24], [sflag:$0x2] =	stream.indirect.gather [hbm4b:s4+s22], $0x10, s16, s22, $0xb8;
	[tilespmem:$0x5F20] =	vst v63  }
0x42: {  	p1 =	sne.s32 s15, $0x4800;
	_ =	swait.ge [sflag:s25], $0x800  }
0x43: {  	[sflag:s25] =	ssyncset.done $0x0  }
0x44: {  	s15 =	sadd.s32 $0x1400, s1;
	[sflag:s25] =	ssyncadd.s32 $0xFFFFF800  }
0x45: {  	[spmem:s2] =	stream.indirect.scatter.add.f32 [tilespmem:s23], [sflag:$0x3], $0x10, s15, s22, $0xb8;
	[tilespmem:$0x5F20] =	vst v63  }
0x46: {  	_ =	swait.ge [sflag:s20], $0x800  }
0x47: {  	[sflag:s20] =	ssyncset.done $0x0  }
0x48: {  	s15 =	sadd.s32 $0x100, s1;
	[sflag:s20] =	ssyncadd.s32 $0xFFFFF800  }
0x49: {  	[tilespmem:s23], [sflag:$0x1] =	stream.indirect.gather [hbm4b:s4+s22], $0x10, s15, s22, $0xb8;
	[tilespmem:$0x5F20] =	vst v63  }
0x4a: {  	_ =	swait.ge [sflag:s26], $0x800  }
.Ltmp2:
0x4b: {  	[sflag:s26] =	ssyncset.done $0x0;
	(pc) =	sbr.rel @p1 .LBB2_2-.Ltmp2, $4  }
0x4c: {  	s1 =	sadd.s32 $0x1480, s1;
	[sflag:s26] =	ssyncadd.s32 $0xFFFFF800  }
0x4d: {  	[spmem:s2] =	stream.indirect.scatter.add.f32 [tilespmem:s24], [sflag:$0x3], $0x10, s1, s22, $0xb8;
	[tilespmem:$0x5F20] =	vst v63  }
0x4e: {  	_ =	swait.ge [sflag:s20], $0x800  }
0x4f: {  	s15 =	smov.u32 s28;
	s1 =	sshra.s32 s21, $0x2;
	[sflag:s20] =	ssyncset.done $0x0  }
0x50: {  	s15 =	sadd.s32 $0x80, s1;
	[sflag:s20] =	ssyncadd.s32 $0xFFFFF800  }
0x51: {  	[tilespmem:s24], [sflag:$0x2] =	stream.indirect.gather [hbm4b:s4+s22], $0x10, s15, s22, $0xb8;
	[tilespmem:$0x5F20] =	vst v63  }
0x52: {  	_ =	swait.ge [sflag:s25], $0x800  }
0x53: {  	[sflag:s25] =	ssyncset.done $0x0  }
0x54: {  	s28 =	sadd.s32 $0x1400, s1;
	[sflag:s25] =	ssyncadd.s32 $0xFFFFF800  }
0x55: {  	[spmem:s2] =	stream.indirect.scatter.add.f32 [tilespmem:s23], [sflag:$0x3], $0x10, s28, s22, $0xb8;
	[tilespmem:$0x5F20] =	vst v63  }
0x56: {  	_ =	swait.ge [sflag:s20], $0x800  }
0x57: {  	[sflag:s20] =	ssyncset.done $0x0  }
0x58: {  	s29 =	sadd.s32 $0x100, s1;
	[sflag:s20] =	ssyncadd.s32 $0xFFFFF800  }
0x59: {  	[tilespmem:s23], [sflag:$0x1] =	stream.indirect.gather [hbm4b:s4+s22], $0x10, s29, s22, $0xb8;
	[tilespmem:$0x5F20] =	vst v63  }
0x5a: {  	_ =	swait.ge [sflag:s26], $0x800  }
0x5b: {  	[sflag:s26] =	ssyncset.done $0x0  }
0x5c: {  	s15 =	sadd.s32 $0x1480, s1;
	[sflag:s26] =	ssyncadd.s32 $0xFFFFF800  }
0x5d: {  	[spmem:s2] =	stream.indirect.scatter.add.f32 [tilespmem:s24], [sflag:$0x3], $0x10, s15, s22, $0xb8;
	[tilespmem:$0x5F20] =	vst v63  }
0x5e: {  	_ =	swait.ge [sflag:s20], $0x800  }
0x5f: {  	[sflag:s20] =	ssyncset.done $0x0  }
0x60: {  	s16 =	simm.s32 $0x80;
	s18 =	simm.s32 $0x1380;
	[sflag:s20] =	ssyncadd.s32 $0xFFFFF800  }
0x61: {  	[tilespmem:s24], [sflag:$0x2] =	stream.indirect.gather [hbm4b:s4+s16], $0x10, s18, s16, $0xb8;
	[tilespmem:$0x5F20] =	vst v63  }
0x62: {  	_ =	swait.ge [sflag:s25], $0x800  }
0x63: {  	[sflag:s25] =	ssyncset.done $0x0  }
0x64: {  	s21 =	simm.s32 $0x2700;
	[sflag:s25] =	ssyncadd.s32 $0xFFFFF800  }
0x65: {  	[spmem:s2] =	stream.indirect.scatter.add.f32 [tilespmem:s23], [sflag:$0x3], $0x10, s21, s16, $0xb8;
	[tilespmem:$0x5F20] =	vst v63  }
0x66: {  	_ =	swait.ge [sflag:s20], $0x800  }
0x67: {  	[sflag:s20] =	ssyncset.done $0x0  }
0x68: {  	s28 =	simm.s32 $0x2;
	[sflag:s20] =	ssyncadd.s32 $0xFFFFF800  }
0x69: {  	_ =	swait.ge [sflag:s28], $0x800  }
0x6a: {  	[sflag:s28] =	ssyncset.done $0x0  }
0x6b: {  	[sflag:s28] =	ssyncadd.s32 $0xFFFFF800  }
0x6c: {  	[spmem:s2] =	stream.indirect.scatter.add.f32 [tilespmem:s24], [sflag:$0x3], $0x10, s30, s16, $0xb8;
	[tilespmem:$0x5F20] =	vst v63  }
0x6d: {  	_ =	swait.ge [sflag:s20], $0x800  }
0x6e: {  	[sflag:s20] =	ssyncset.done $0x0  }
0x6f: {  	[sflag:s20] =	ssyncadd.s32 $0xFFFFF800  }
0x70: {  	[tilespmem:s3], [sflag:$0x3] =	stream.linear.gather [hbm4b:s11+s3], $0x1400, $0x38;
	[tilespmem:$0x5F20] =	vst v63  }
0x71: {  	_ =	swait.ge [sflag:s20], $0x1400  }
0x72: {  	[sflag:s20] =	ssyncset.done $0x0  }
0x73: {  	s1 =	simm.s32 $0x1400;
	[sflag:s20] =	ssyncadd.s32 $0xFFFFEC00  }
0x74: {  	[tilespmem:s1], [sflag:$0x3] =	stream.linear.gather [hbm4b:s12+s3], $0x1400, $0x38;
	[tilespmem:$0x5F20] =	vst v63  }
0x75: {  	_ =	swait.ge [sflag:s20], $0x1400  }
0x76: {  	[sflag:s20] =	ssyncset.done $0x0  }
0x77: {  	[sflag:s20] =	ssyncadd.s32 $0xFFFFEC00  }
0x78: {  	[tilespmem:s23], [sflag:$0x1] =	stream.indirect.gather [hbm4b:s4+s16], $0x10, s3, s16, $0xb8;
	[tilespmem:$0x5F20] =	vst v63  }
0x79: {  	_ = 	snop  }
0x7a: {  	[tilespmem:s24], [sflag:$0x2] =	stream.indirect.gather [hbm4b:s4+s22], $0x10, s16, s22, $0xb8;
	[tilespmem:$0x5F20] =	vst v63  }
0x7b: {  	_ =	swait.ge [sflag:s25], $0x800  }
0x7c: {  	[sflag:s25] =	ssyncset.done $0x0  }
0x7d: {  	[sflag:s25] =	ssyncadd.s32 $0xFFFFF800  }
0x7e: {  	[spmem:s2] =	stream.indirect.scatter.add.f32 [tilespmem:s23], [sflag:$0x3], $0x10, s1, s22, $0xb8;
	[tilespmem:$0x5F20] =	vst v63  }
0x7f: {  	p1 =	sle.s32 s10, $0x2;
	_ =	swait.ge [sflag:s20], $0x800  }
0x80: {  	s15 =	simm.s32 @!p1 $0x100;
	[sflag:s20] =	ssyncset.done $0x0  }
0x81: {  	s21 =	simm.s32 @!p1 $0x2800;
	s16 =	simm.s32 @!p1 $0x80;
	[sflag:s20] =	ssyncadd.s32 $0xFFFFF800  }
0x82: {  	[tilespmem:s21], [sflag:$0x1] =	stream.indirect.gather @!p1 [hbm4b:s4+s16], $0x10, s15, s16, $0xb8;
	[tilespmem:$0x5F20] =	vst v63  }
0x83: {  	s21 =	sadd.s32 $0xFFFFFFFF, s14  }
0x84: {  	p1 =	sne.s32 s21, $0x0  }
.Ltmp3:
0x85: {  	_ =	swait.ge [sflag:s26], $0x800;
	(pc) =	sbr.rel @!p1 .LBB2_5-.Ltmp3, $4  }
0x86: {  	[sflag:s26] =	ssyncset.done $0x0  }
0x87: {  	s29 =	simm.s32 $0x1480;
	[sflag:s26] =	ssyncadd.s32 $0xFFFFF800  }
0x88: {  	[spmem:s2] =	stream.indirect.scatter.add.f32 [tilespmem:s24], [sflag:$0x3], $0x10, s29, s22, $0xb8;
	[tilespmem:$0x5F20] =	vst v63  }
0x89: {  	s15 =	simm.s32 $0x180;
	s16 =	simm.s32 $0x4;
	_ =	swait.ge [sflag:s20], $0x800  }
.LBB2_4:
0x8a: {  	s21 =	sadd.s32 $0xFFFFFFFF, s21;
	[sflag:s20] =	ssyncset.done $0x0;
	s1 =	sadd.s32 $0x100, s1  }
0x8b: {  	p1 =	sne.s32 s21, $0x0;
	[sflag:s20] =	ssyncadd.s32 $0xFFFFF800  }
0x8c: {  	[tilespmem:s24], [sflag:$0x2] =	stream.indirect.gather [hbm4b:s4+s22], $0x10, s15, s22, $0xb8;
	[tilespmem:$0x5F20] =	vst v63  }
0x8d: {  	_ =	swait.ge [sflag:s25], $0x800  }
0x8e: {  	[sflag:s25] =	ssyncset.done $0x0  }
0x8f: {  	[sflag:s25] =	ssyncadd.s32 $0xFFFFF800  }
0x90: {  	[spmem:s2] =	stream.indirect.scatter.add.f32 [tilespmem:s23], [sflag:$0x3], $0x10, s1, s22, $0xb8;
	[tilespmem:$0x5F20] =	vst v63  }
0x91: {  	p2 =	sge.s32 s16, s10;
	_ =	swait.ge [sflag:s20], $0x800  }
0x92: {  	s28 =	sadd.s32 @!p2 $0x80, s15;
	s18 =	simm.s32 @!p2 $0x80;
	[sflag:s20] =	ssyncset.done $0x0  }
0x93: {  	s29 =	simm.s32 @!p2 $0x2800;
	[sflag:s20] =	ssyncadd.s32 $0xFFFFF800  }
0x94: {  	[tilespmem:s29], [sflag:$0x1] =	stream.indirect.gather @!p2 [hbm4b:s4+s18], $0x10, s28, s18, $0xb8;
	[tilespmem:$0x5F20] =	vst v63  }
.Ltmp4:
0x95: {  	_ =	swait.ge [sflag:s26], $0x800;
	(pc) =	sbr.rel @p1 .LBB2_4-.Ltmp4, $4  }
0x96: {  	s18 =	sadd.s32 $0x80, s1;
	[sflag:s26] =	ssyncset.done $0x0  }
0x97: {  	[sflag:s26] =	ssyncadd.s32 $0xFFFFF800  }
0x98: {  	[spmem:s2] =	stream.indirect.scatter.add.f32 [tilespmem:s24], [sflag:$0x3], $0x10, s18, s22, $0xb8;
	[tilespmem:$0x5F20] =	vst v63  }
0x99: {  	s16 =	sadd.s32 $0x2, s16;
	s15 =	sadd.s32 $0x100, s15;
	_ =	swait.ge [sflag:s20], $0x800  }
.LBB2_5:
.Ltmp5:
0x9a: {  	(pc) =	sbr.rel @p0 .LBB2_9-.Ltmp5, $3  }
0x9b: {  	_ =	sdelay $0x1  }
0x9c: {  	[sflag:s20] =	ssyncset.done $0x0  }
0x9d: {  	[sflag:s20] =	ssyncadd.s32 $0xFFFFF800  }
0x9e: {  	s1 =	rddreg [dreg:$0x3]  }
0x9f: {  	[tilespmem:s3], [sflag:$0x3] =	stream.linear.gather [hbm4b:s1+s3], $0x1400, $0x38;
	[tilespmem:$0x5F20] =	vst v63  }
0xa0: {  	_ =	swait.ge [sflag:s20], $0x1400  }
0xa1: {  	[sflag:s20] =	ssyncset.done $0x0  }
0xa2: {  	s1 =	simm.s32 $0x1400;
	s15 =	rddreg [dreg:$0x4];
	[sflag:s20] =	ssyncadd.s32 $0xFFFFEC00  }
0xa3: {  	[tilespmem:s1], [sflag:$0x3] =	stream.linear.gather [hbm4b:s15+s3], $0x1400, $0x38;
	[tilespmem:$0x5F20] =	vst v63  }
0xa4: {  	_ =	swait.ge [sflag:s20], $0x1400  }
0xa5: {  	[sflag:s20] =	ssyncset.done $0x0  }
0xa6: {  	s21 =	simm.s32 $0x80;
	[sflag:s20] =	ssyncadd.s32 $0xFFFFEC00  }
0xa7: {  	[tilespmem:s23], [sflag:$0x1] =	stream.indirect.gather [hbm4b:s4+s21], $0x10, s3, s21, $0xb8;
	[tilespmem:$0x5F20] =	vst v63  }
0xa8: {  	_ = 	snop  }
0xa9: {  	[tilespmem:s24], [sflag:$0x2] =	stream.indirect.gather [hbm4b:s4+s22], $0x10, s21, s22, $0xb8;
	[tilespmem:$0x5F20] =	vst v63  }
0xaa: {  	_ =	swait.ge [sflag:s25], $0x800  }
0xab: {  	[sflag:s25] =	ssyncset.done $0x0  }
0xac: {  	[sflag:s25] =	ssyncadd.s32 $0xFFFFF800  }
0xad: {  	[spmem:s2] =	stream.indirect.scatter.add.f32 [tilespmem:s23], [sflag:$0x3], $0x10, s1, s22, $0xb8;
	[tilespmem:$0x5F20] =	vst v63  }
0xae: {  	p1 =	sle.u32 s13, $0x2;
	_ =	swait.ge [sflag:s20], $0x800  }
0xaf: {  	s16 =	simm.s32 @!p1 $0x80;
	[sflag:s20] =	ssyncset.done $0x0  }
0xb0: {  	s18 =	simm.s32 @!p1 $0x2800;
	s15 =	simm.s32 @!p1 $0x100;
	[sflag:s20] =	ssyncadd.s32 $0xFFFFF800  }
0xb1: {  	[tilespmem:s18], [sflag:$0x1] =	stream.indirect.gather @!p1 [hbm4b:s4+s16], $0x10, s15, s16, $0xb8;
	[tilespmem:$0x5F20] =	vst v63  }
0xb2: {  	_ =	swait.ge [sflag:s26], $0x800  }
0xb3: {  	s28 =	rddreg [dreg:$0x5]  }
0xb4: {  	s21 =	sadd.s32 $0xFFFFFFFF, s28  }
0xb5: {  	p1 =	sne.s32 s21, $0x0  }
.Ltmp6:
0xb6: {  	_ = 	snop;
	(pc) =	sbr.rel @!p1 .LBB2_8-.Ltmp6, $4  }
0xb7: {  	[sflag:s26] =	ssyncset.done $0x0  }
0xb8: {  	s29 =	simm.s32 $0x1480;
	[sflag:s26] =	ssyncadd.s32 $0xFFFFF800  }
0xb9: {  	[spmem:s2] =	stream.indirect.scatter.add.f32 [tilespmem:s24], [sflag:$0x3], $0x10, s29, s22, $0xb8;
	[tilespmem:$0x5F20] =	vst v63  }
0xba: {  	s15 =	simm.s32 $0x180;
	s16 =	simm.s32 $0x4;
	_ =	swait.ge [sflag:s20], $0x800  }
.LBB2_7:
0xbb: {  	s21 =	sadd.s32 $0xFFFFFFFF, s21;
	[sflag:s20] =	ssyncset.done $0x0;
	s1 =	sadd.s32 $0x100, s1  }
0xbc: {  	p1 =	sne.s32 s21, $0x0;
	[sflag:s20] =	ssyncadd.s32 $0xFFFFF800  }
0xbd: {  	[tilespmem:s24], [sflag:$0x2] =	stream.indirect.gather [hbm4b:s4+s22], $0x10, s15, s22, $0xb8;
	[tilespmem:$0x5F20] =	vst v63  }
0xbe: {  	_ =	swait.ge [sflag:s25], $0x800  }
0xbf: {  	[sflag:s25] =	ssyncset.done $0x0  }
0xc0: {  	[sflag:s25] =	ssyncadd.s32 $0xFFFFF800  }
0xc1: {  	[spmem:s2] =	stream.indirect.scatter.add.f32 [tilespmem:s23], [sflag:$0x3], $0x10, s1, s22, $0xb8;
	[tilespmem:$0x5F20] =	vst v63  }
0xc2: {  	p2 =	sge.u32 s16, s13;
	_ =	swait.ge [sflag:s20], $0x800  }
0xc3: {  	s18 =	sadd.s32 @!p2 $0x80, s15;
	s28 =	simm.s32 @!p2 $0x80;
	[sflag:s20] =	ssyncset.done $0x0  }
0xc4: {  	s29 =	simm.s32 @!p2 $0x2800;
	[sflag:s20] =	ssyncadd.s32 $0xFFFFF800  }
0xc5: {  	[tilespmem:s29], [sflag:$0x1] =	stream.indirect.gather @!p2 [hbm4b:s4+s28], $0x10, s18, s28, $0xb8;
	[tilespmem:$0x5F20] =	vst v63  }
.Ltmp7:
0xc6: {  	_ =	swait.ge [sflag:s26], $0x800;
	(pc) =	sbr.rel @p1 .LBB2_7-.Ltmp7, $4  }
0xc7: {  	s18 =	sadd.s32 $0x80, s1;
	[sflag:s26] =	ssyncset.done $0x0  }
0xc8: {  	[sflag:s26] =	ssyncadd.s32 $0xFFFFF800  }
0xc9: {  	[spmem:s2] =	stream.indirect.scatter.add.f32 [tilespmem:s24], [sflag:$0x3], $0x10, s18, s22, $0xb8;
	[tilespmem:$0x5F20] =	vst v63  }
0xca: {  	s16 =	sadd.s32 $0x2, s16;
	s15 =	sadd.s32 $0x100, s15;
	_ =	swait.ge [sflag:s20], $0x800  }
.Ltmp8:
0xcb: {  	_ = 	snop;
	(pc) =	sbr.rel .LBB2_8-.Ltmp8, $1  }
0xcc: {  	_ =	sdelay $0x3  }
.LBB2_10:
0xcd: {  	_ =	sfence.sel $0x180000  }
0xce: {  	[bflag:$0x0] =	sbarrier.arrive $0xFFFF  }
0xcf: {  	_ =	strace $0x9000004D  }
0xd0: {  	s0 =	stileid.u32;
	[bflag:$0x2] =	sbarrier.arrive $0xFFFF  }
0xd1: {  	p0 =	sne.s32 s0, $0x0;
	s0 =	rddreg [dreg:$0x2]  }
0xd2: {  	s0 =	sadd.s32 @!p0 $0x100000, s0  }
0xd3: {  	[sflag:s0] =	ssyncadd.tile.s32 @!p0 $0x1;
	_ =	shalt  }
.Lfunc_end2:
_tile_overlayer_lowered:
.L_overlay_start_2:
0xd4: {  	(tag) =	ssettag $0x2  }
0xd5: {  	s0 =	rddreg [dreg:$0x0];
	s2 =	stileid.u32  }
0xd6: {  	s1 =	rddreg [dreg:$0x1];
	p0 =	sne.s32 s2, $0x0  }
0xd7: {  	s3 =	rddreg [dreg:$0x2];
	[bflag:$0x3] =	sbarrier.arrive $0xFFFF;
	s2 =	simm.s32 @!p0 $0x1C03  }
0xd8: {  	[timem:s3], [sflag:s2] =	dma.local @!p0 [hbm:s0], s1  }
0xd9: {  	s0 =	simm.s32 @!p0 $0x3  }
0xda: {  	_ =	swait.ge @!p0 [sflag:s0], s1  }
0xdb: {  	s1 =	ssub.s32 @!p0 $0x0, s1;
	[sflag:s0] =	ssyncset.done @!p0 $0x0  }
0xdc: {  	[sflag:s0] =	ssyncadd.s32 @!p0 s1  }
0xdd: {  	[bflag:$0x3] =	sbarrier.arrive $0xFFFF  }
0xde: {  	_ =	shalt  }

// kernel: kernel.9.cloned.1.call-start
scs
__scs_entry_jumppad:
0x0: {  	(pc) =	sbr.rel $0x88, $3  }
0x1: {  	(tag) =	ssettag $0x0;
	lr =	simm.s32 $0x1  }
0x2: {  	[smem:$0x3F9A] =	sst lr;
	_ =	strace $0xD0000000  }
0x3: {  	_ = 	snop  }
0x4: {  	_ = 	snop  }
0x5: {  	_ = 	snop  }
0x6: {  	_ = 	snop  }
0x7: {  	_ = 	snop  }
__scs_overlays_trampoline_lowered:
0x8: {  	[smem:$0x3FA9] =	sst s0  }
0x9: {  	[smem:$0x3FAA] =	sst s1  }
0xa: {  	[smem:$0x3FAB] =	sst s2  }
0xb: {  	[smem:$0x3FAC] =	sst s3  }
0xc: {  	[smem:$0x3FAD] =	sst s4  }
0xd: {  	[smem:$0x3FAE] =	sst s5  }
0xe: {  	[smem:$0x3FAF] =	sst s6  }
0xf: {  	[smem:$0x3FB0] =	sst s7  }
0x10: {  	[smem:$0x3FB1] =	sst s8  }
0x11: {  	[smem:$0x3FB2] =	sst s9;
	s0 =	simm.s32 @!p0 $0x0  }
0x12: {  	s1 =	sld [smem:$0x3F98];
	s0 =	simm.s32 @p0 $0x1  }
0x13: {  	[smem:$0x3FB3] =	sst s0;
	s0 =	simm.s32 @!p1 $0x0  }
0x14: {  	s2 =	sld [smem:$0x3F97];
	s0 =	simm.s32 @p1 $0x1  }
0x15: {  	[smem:$0x3FB4] =	sst s0;
	s0 =	simm.s32 @!p2 $0x0  }
0x16: {  	s3 =	sld [smem:$0x3FDB];
	s0 =	simm.s32 @p2 $0x1  }
0x17: {  	s4 =	simm.s32 $0x1BF5;
	[smem:$0x3FB6] =	sst s0  }
0x18: {  	s0 =	sld [smem:$0x3F99];
	_ =	swait.ge [sflag:s4], $0x0  }
0x19: {  	s7 =	sld [smem:$0x3F9A]  }
0x1a: {  	s8 =	sadd.s32 $0xFFFFE003, lr  }
0x1b: {  	s9 =	sadd.s32 $0xFFFFFEF7, lr;
	s5 =	simm.s32 $0xFFFFFFFF;
	p2 =	slt.u32 s8, $0xFFFFF086  }
0x1c: {  	p1 =	slt.u32 s9, $0xF7A;
	s5 =	simm.s32 @!p2 $0x0  }
0x1d: {  	s5 =	simm.s32 @p1 $0x1;
	p0 =	seq.s32 s7, s2  }
0x1e: {  	s7 =	smul.u32 @!p0 $0xF7A, s2;
	p2 =	seq.s32 @!p0 s5, $0x0  }
0x1f: {  	s9 =	smul.u32 $0xF7A, s1;
	s8 =	simm.s32 @!p0 $0x1BF5;
	p2 =	por !p2, p0  }
0x20: {  	[sflag:s8] =	ssyncset.s32 @!p0 $0xFFFFF086;
	s6 =	sadd.s32 @!p0 s3, s7;
	s7 =	simm.s32 @!p0 $0x108  }
0x21: {  	s3 =	sadd.s32 s3, s9;
	s6 =	sadd.s32 @!p0 $0x88, s6;
	s7 =	simm.s32 @p2 $0x1082  }
0x22: {  	[simem:s7], [sflag:s8] =	dma.local @!p0 [hbm:s6], $0xF7A  }
0x23: {  	s9 =	sor.u32 $0xD0000000, s2;
	s6 =	simm.s32 $0x108;
	_ =	swait.ge @!p0 [sflag:s8], $0x0  }
0x24: {  	s3 =	sadd.s32 $0x88, s3;
	s6 =	simm.s32 @!p1 $0x1082;
	[sflag:s4] =	ssyncset.s32 $0xFFFFF086  }
0x25: {  	[simem:s6], [sflag:s4] =	dma.local [hbm:s3], $0xF7A  }
0x26: {  	[smem:$0x3F9A] =	sst s1;
	(tag) =	ssettag s2;
	_ =	strace s9  }
0x27: {  	s1 =	sld [smem:$0x3FAA]  }
0x28: {  	s2 =	sld [smem:$0x3FAB]  }
0x29: {  	s4 =	sld [smem:$0x3FAD]  }
0x2a: {  	p0 =	seq.s32 s5, $0x0;
	s5 =	sld [smem:$0x3FAE]  }
0x2b: {  	s6 =	sld [smem:$0x3FAF]  }
0x2c: {  	s7 =	sld [smem:$0x3FB0]  }
0x2d: {  	s3 =	simm.s32 $0x108;
	s8 =	sld [smem:$0x3FB1]  }
0x2e: {  	s3 =	simm.s32 @!p0 $0x1082;
	s9 =	sld [smem:$0x3FB2]  }
0x2f: {  	lr =	sadd.s32 s0, s3;
	s0 =	sld [smem:$0x3FA9]  }
0x30: {  	s3 =	sld [smem:$0x3FAC]  }
0x31: {  	[smem:$0x3FB5] =	sst s10  }
0x32: {  	s10 =	sld [smem:$0x3FB3];
	_ =	sdelay $0x3  }
0x33: {  	p0 =	seq.s32 s10, $0x1;
	s10 =	sld [smem:$0x3FB5];
	_ =	sdelay $0x3  }
0x34: {  	[smem:$0x3FB5] =	sst s10  }
0x35: {  	s10 =	sld [smem:$0x3FB4];
	_ =	sdelay $0x3  }
0x36: {  	p1 =	seq.s32 s10, $0x1;
	s10 =	sld [smem:$0x3FB5];
	_ =	sdelay $0x3  }
0x37: {  	[smem:$0x3FB5] =	sst s10  }
0x38: {  	s10 =	sld [smem:$0x3FB6]  }
0x39: {  	_ = 	snop;
	(pc) =	sbr.ind lr, $3  }
0x3a: {  	_ = 	snop  }
0x3b: {  	_ = 	snop  }
0x3c: {  	p2 =	seq.s32 s10, $0x1;
	s10 =	sld [smem:$0x3FB5]  }
0x3d: {  	_ =	shalt  }
0x3e: {  	_ =	shalt  }
0x3f: {  	_ =	shalt  }
0x40: {  	_ =	shalt  }
0x41: {  	_ =	shalt  }
0x42: {  	_ =	shalt  }
0x43: {  	_ =	shalt  }
0x44: {  	_ =	shalt  }
0x45: {  	_ =	shalt  }
0x46: {  	_ =	shalt  }
0x47: {  	_ =	shalt  }
0x48: {  	_ =	shalt  }
0x49: {  	_ =	shalt  }
0x4a: {  	_ =	shalt  }
0x4b: {  	_ =	shalt  }
0x4c: {  	_ =	shalt  }
0x4d: {  	_ =	shalt  }
0x4e: {  	_ =	shalt  }
0x4f: {  	_ =	shalt  }
0x50: {  	_ =	shalt  }
0x51: {  	_ =	shalt  }
0x52: {  	_ =	shalt  }
0x53: {  	_ =	shalt  }
0x54: {  	_ =	shalt  }
0x55: {  	_ =	shalt  }
0x56: {  	_ =	shalt  }
0x57: {  	_ =	shalt  }
0x58: {  	_ =	shalt  }
0x59: {  	_ =	shalt  }
0x5a: {  	_ =	shalt  }
0x5b: {  	_ =	shalt  }
0x5c: {  	_ =	shalt  }
0x5d: {  	_ =	shalt  }
0x5e: {  	_ =	shalt  }
0x5f: {  	_ =	shalt  }
0x60: {  	_ =	shalt  }
0x61: {  	_ =	shalt  }
0x62: {  	_ =	shalt  }
0x63: {  	_ =	shalt  }
0x64: {  	_ =	shalt  }
0x65: {  	_ =	shalt  }
0x66: {  	_ =	shalt  }
0x67: {  	_ =	shalt  }
0x68: {  	_ =	shalt  }
0x69: {  	_ =	shalt  }
0x6a: {  	_ =	shalt  }
0x6b: {  	_ =	shalt  }
0x6c: {  	_ =	shalt  }
0x6d: {  	_ =	shalt  }
0x6e: {  	_ =	shalt  }
0x6f: {  	_ =	shalt  }
0x70: {  	_ =	shalt  }
0x71: {  	_ =	shalt  }
0x72: {  	_ =	shalt  }
0x73: {  	_ =	shalt  }
0x74: {  	_ =	shalt  }
0x75: {  	_ =	shalt  }
0x76: {  	_ =	shalt  }
0x77: {  	_ =	shalt  }
0x78: {  	_ =	shalt  }
0x79: {  	_ =	shalt  }
0x7a: {  	_ =	shalt  }
0x7b: {  	_ =	shalt  }
0x7c: {  	_ =	shalt  }
0x7d: {  	_ =	shalt  }
0x7e: {  	_ =	shalt  }
0x7f: {  	_ =	shalt  }
0x80: {  	_ =	shalt  }
0x81: {  	_ =	shalt  }
0x82: {  	_ =	shalt  }
0x83: {  	_ =	shalt  }
0x84: {  	_ =	shalt  }
0x85: {  	_ =	shalt  }
0x86: {  	_ =	shalt  }
0x87: {  	_ =	shalt  }
.Lfunc_end0:
.L_simem_size_0:
called_computation_lowered:
.L_overlay_start_0:
0x88: {  	s2 =	sld [smem:$0x3FD9]  }
0x89: {  	s3 =	sld [smem:$0x3FFE];
	_ =	sdelay $0x1  }
0x8a: {  	s1 =	srdreg.scid  }
0x8b: {  	s0 =	sand.u32 $0x1, s1  }
0x8c: {  	s17 =	sshll.u32 s0, $0xA;
	s2 =	sadd.s32 s3, s2  }
0x8d: {  	s2 =	sadd.s32 s2, s17  }
0x8e: {  	[smem:$0x3FC1] =	sst s2  }
0x8f: {  	_ = 	snop  }
0x90: {  	s2 =	sld [smem:$0x3FD0];
	(tm) =	ssettm $0x1  }
0x91: {  	s18 =	sld [smem:$0x3FFB];
	_ =	sdelay $0x3  }
0x92: {  	_ =	strace s18  }
0x93: {  	s3 =	sld [smem:$0x3FFC];
	_ =	sdelay $0x3  }
0x94: {  	_ =	strace s3  }
0x95: {  	s3 =	sld [smem:$0x3FFD];
	_ =	sdelay $0x3  }
0x96: {  	_ =	strace s3  }
0x97: {  	_ =	strace $0x8FFFFFFF  }
0x98: {  	s19 =	sld [smem:$0x3FDB];
	_ =	sdelay $0x1  }
0x99: {  	s4 =	simm.s32 $_scs_section_size  }
0x9a: {  	s5 =	simm.s32 $_size__tile_overlayer_lowered;
	s6 =	simm.s32 $_tile_overlayer_lowered  }
0x9b: {  	s22 =	simm.s32 $0x1BFF;
	s21 =	sshll.u32 s6, $0x1;
	s3 =	sadd.s32 s4, s19  }
0x9c: {  	s7 =	simm.s32 $0x0;
	s20 =	sshll.u32 s5, $0x1;
	s5 =	sadd.s32 s21, s3  }
0x9d: {  	[timem:s7], [sflag:s22] =	dma.local [hbm:s5], s20  }
0x9e: {  	_ =	swait.ge [sflag:s22], s20  }
0x9f: {  	s4 =	ssub.s32 $0x0, s20;
	[sflag:s22] =	ssyncset.done $0x0  }
0xa0: {  	[sflag:s22] =	ssyncadd.s32 s4;
	_ =	sdelay $0x1  }
0xa1: {  	s23 =	simm.s32 $0x1B8B  }
0xa2: {  	_ =	swait.ge [sflag:s23], $0x1  }
0xa3: {  	[sflag:s23] =	ssyncset.done $0x0  }
0xa4: {  	s25 =	simm.s32 $0x1B8E;
	s24 =	sld [smem:$0x3FFE];
	[sflag:s23] =	ssyncadd.s32 $0xFFFFFFFF  }
0xa5: {  	s26 =	simm.s32 $execute0_lowered;
	[smem:$0x3FD2] =	sst s25  }
0xa6: {  	s5 =	sshll.u32 s26, $0x1;
	_ =	strace $0x80000046;
	[dreg:$0x1] =	wrdreg $0xFFFFFFFF  }
0xa7: {  	s28 =	simm.s32 $_size_execute0_lowered;
	s3 =	sadd.s32 s3, s5;
	[dreg:$0x0] =	wrdreg $0x0  }
0xa8: {  	s5 =	sshll.u32 s28, $0x1;
	[dreg:$0x2] =	wrdreg s3  }
0xa9: {  	[dreg:$0x3] =	wrdreg s5  }
0xaa: {  	[dreg:$0x4] =	wrdreg $0xC0  }
0xab: {  	_ =	task [dreg:s7], $0x5FFFF  }
0xac: {  	[dreg:$0x1] =	wrdreg $0xFFFFFFFF  }
0xad: {  	[dreg:$0x0] =	wrdreg $0x60  }
0xae: {  	[dreg:$0x2] =	wrdreg s24  }
0xaf: {  	[dreg:$0x3] =	wrdreg s2  }
0xb0: {  	[dreg:$0x4] =	wrdreg $0x2F800  }
0xb1: {  	[dreg:$0x5] =	wrdreg $0x9  }
0xb2: {  	_ =	task.clear_ibuf [dreg:s7], $0x6FFFF;
	_ =	strace $0x90000046  }
0xb3: {  	s29 =	simm.s32 $0x9;
	_ =	strace $0x80000048  }
0xb4: {  	_ =	swait.ge [sflag:s29], $0x1  }
0xb5: {  	[sflag:s29] =	ssyncadd.s32 $0xFFFFFFFF  }
0xb6: {  	_ =	strace $0x90000048  }
0xb7: {  	_ =	sfence  }
0xb8: {  	s30 =	sld [smem:$0x0];
	_ =	sdelay $0x2  }
0xb9: {  	s31 =	sshll.u32 s1, $0xD;
	s1 =	sshrl.u32 s1, $0x2  }
0xba: {  	s3 =	sand.u32 $0x4000, s31;
	s1 =	sadd.s32 s1, s30  }
0xbb: {  	s0 =	sor.u32 s3, s0;
	s1 =	sshll.u32 s1, $0x11  }
0xbc: {  	s0 =	sor.u32 s1, s0  }
0xbd: {  	s0 =	sadd.s32 $0x8F2B, s0  }
0xbe: {  	[sflag:s0] =	ssyncadd.remote.s32 $0x1  }
0xbf: {  	_ =	sfence.sel $0xFFFF  }
0xc0: {  	[dreg:$0x0] =	wrdreg $0xFFFFFFFF;
	(pc) =	sbr.abs _section_cstart, $3  }
0xc1: {  	[dreg:$0x1] =	wrdreg $0xFFFFFFFF  }
0xc2: {  	_ =	task.clear_ibuf [dreg:s7], $0x2FFFF;
	_ =	strace $0x9FFFFFFF  }
0xc3: {  	(tm) =	ssettm $0x7FFFFFFF  }
tec
execute0_lowered:
.L_overlay_start_1:
0x0: {  	(tag) =	ssettag $0x1  }
0x1: {  	s6 =	rddreg [dreg:$0x0]  }
0x2: {  	s0 =	srdreg.scid;
	s2 =	rddreg [dreg:$0x1]  }
0x3: {  	s3 =	rddreg [dreg:$0x2];
	s4 =	simm.s32 $0x0;
	s13 =	simm.s32 $0x80  }
0x4: {  	s14 =	simm.s32 $0x0;
	s5 =	sand.u32 $0x1, s0;
	s0 =	stileid.u32  }
0x5: {  	[smem:$0x7FF] =	sst s4;
	s1 =	sshll.u32 s5, $0x4;
	s8 =	smul.u32 $0x2720, s0  }
0x6: {  	s9 =	smul.u32 $0x27200, s5;
	s5 =	ssub.s32 $0x2, s5;
	s1 =	sor.u32 s0, s1  }
0x7: {  	s31 =	sshll.u32 s0, $0x6;
	s11 =	sshrl.u32 s5, $0x1;
	s7 =	smul.u32 $0x4F0, s1  }
0x8: {  	s1 =	rddreg [dreg:$0x3];
	_ =	strace $0x80000047;
	s9 =	sadd.s32 s8, s9  }
0x9: {  	s10 =	sshrl.u32 s8, $0x3;
	s11 =	ssub.s32 s5, s11;
	s12 =	sadd.s32 s8, s3  }
0xa: {  	s9 =	sshrl.u32 s9, $0x3;
	s10 =	sadd.s32 s10, s6;
	s8 =	smax.u32 s11, $0x1  }
0xb: {  	s11 =	sor.u32 $0x1C01, s31;
	s12 =	sshrl.u32 s12, $0x3;
	s7 =	sadd.s32 s7, s6  }
0xc: {  	s9 =	sadd.s32 s9, s6;
	s6 =	sadd.s32 $0xBA00, s10;
	s10 =	simm.s32 $0x2780  }
0xd: {  	s5 =	sadd.s32 $0x1C00, s7;
	s7 =	sadd.s32 $0x10A00, s9;
	s9 =	simm.s32 $0x1  }
.LBB2_1:
0xe: {  	[tilespmem:s4], [sflag:$0x1] =	stream.linear.gather [hbm4b:s5+s4], $0x2780, $0x38;
	[tilespmem:$0x56A0] =	vst v63  }
0xf: {  	_ =	swait.ge [sflag:s9], $0x2780  }
0x10: {  	[sflag:s9] =	ssyncset.done $0x0  }
0x11: {  	[sflag:s9] =	ssyncadd.s32 $0xFFFFD880  }
0x12: {  	[tilespmem:s10], [sflag:$0x1] =	stream.linear.gather [hbm4b:s2+s4], $0x800, $0x38;
	[tilespmem:$0x56A0] =	vst v63  }
0x13: {  	_ =	swait.ge [sflag:s9], $0x800  }
0x14: {  	[sflag:s9] =	ssyncset.done $0x0  }
0x15: {  	[sflag:s9] =	ssyncadd.s32 $0xFFFFF800  }
0x16: {  	[spmem:s12], [sflag:s11] =	dma.local [hbm:s6], $0x4E4  }
0x17: {  	_ =	swait.ge [sflag:s9], $0x4E4  }
0x18: {  	[sflag:s9] =	ssyncset.done $0x0  }
0x19: {  	[sflag:s9] =	ssyncadd.s32 $0xFFFFFB1C  }
0x1a: {  	s15 =	simm.s32 $0x0;
	[bflag:$0x0] =	sbarrier.arrive $0xFFFF  }
0x1b: {  	[spmem:s3] =	stream.indirect.scatter.add.f32 [tilespmem:s10], [sflag:$0x1], $0x10, s15, s13, $0xb8;
	[tilespmem:$0x56A0] =	vst v63  }
0x1c: {  	_ =	swait.ge [sflag:s9], $0x800  }
0x1d: {  	s15 =	simm.s32 $0x200;
	[sflag:s9] =	ssyncset.done $0x0  }
.LBB2_2:
0x1e: {  	s16 =	sshra.s32 s15, $0x2;
	[sflag:s9] =	ssyncadd.s32 $0xFFFFF800;
	p0 =	sne.s32 s15, $0x9C00  }
0x1f: {  	[spmem:s3] =	stream.indirect.scatter.add.f32 [tilespmem:s10], [sflag:$0x1], $0x10, s16, s13, $0xb8;
	[tilespmem:$0x56A0] =	vst v63  }
.Ltmp0:
0x20: {  	_ = 	snop;
	(pc) =	sbr.rel @p0 .LBB2_2-.Ltmp0, $4  }
0x21: {  	_ = 	snop  }
0x22: {  	s15 =	sadd.s32 $0x200, s15  }
0x23: {  	_ =	swait.ge [sflag:s9], $0x800  }
0x24: {  	[sflag:s9] =	ssyncset.done $0x0  }
0x25: {  	s14 =	sadd.s32 $0x1, s14  }
0x26: {  	[sflag:s9] =	ssyncadd.s32 $0xFFFFF800;
	p0 =	sne.s32 s14, s8  }
.Ltmp1:
0x27: {  	[bflag:$0x0] =	sbarrier.arrive $0xFFFF;
	(pc) =	sbr.rel @p0 .LBB2_1-.Ltmp1, $4  }
0x28: {  	[hbm:s7], [sflag:s11] =	dma.local [spmem:s12], $0x4E4  }
0x29: {  	_ =	swait.ge [sflag:s9], $0x4E4  }
0x2a: {  	[sflag:s9] =	ssyncset.done $0x0  }
0x2b: {  	[sflag:s9] =	ssyncadd.s32 $0xFFFFFB1C  }
0x2c: {  	_ =	sfence.sel $0x180000  }
0x2d: {  	[bflag:$0x0] =	sbarrier.arrive $0xFFFF  }
0x2e: {  	p0 =	sne.s32 s0, $0x0;
	_ =	strace $0x90000047  }
0x2f: {  	s0 =	sadd.s32 @!p0 $0x100000, s1;
	[bflag:$0x2] =	sbarrier.arrive $0xFFFF  }
0x30: {  	[sflag:s0] =	ssyncadd.tile.s32 @!p0 $0x1;
	_ =	shalt  }
.Lfunc_end2:
_tile_overlayer_lowered:
.L_overlay_start_2:
0x31: {  	(tag) =	ssettag $0x2  }
0x32: {  	s0 =	rddreg [dreg:$0x0];
	s2 =	stileid.u32  }
0x33: {  	s1 =	rddreg [dreg:$0x1];
	p0 =	sne.s32 s2, $0x0  }
0x34: {  	s3 =	rddreg [dreg:$0x2];
	[bflag:$0x3] =	sbarrier.arrive $0xFFFF;
	s2 =	simm.s32 @!p0 $0x1C01  }
0x35: {  	[timem:s3], [sflag:s2] =	dma.local @!p0 [hbm:s0], s1  }
0x36: {  	s0 =	simm.s32 @!p0 $0x1  }
0x37: {  	_ =	swait.ge @!p0 [sflag:s0], s1  }
0x38: {  	s1 =	ssub.s32 @!p0 $0x0, s1;
	[sflag:s0] =	ssyncset.done @!p0 $0x0  }
0x39: {  	[sflag:s0] =	ssyncadd.s32 @!p0 s1  }
0x3a: {  	[bflag:$0x3] =	sbarrier.arrive $0xFFFF  }
0x3b: {  	_ =	shalt  }

</sc_bundles>
